<compile_context>
chip_gen: v7x
topology: tpu7x:2x2x1
jax: 0.10.2.dev20260603
libtpu: 0.0.44.dev20260713+nightly
codegen_flags: <defaults>
</compile_context>

<pallas_src>
import functools

import jax
import jax.numpy as jnp
from jax import lax
from jax.experimental import pallas as pl
from jax.experimental.pallas import tpu as pltpu
from jax.experimental.pallas import tpu_sc as plsc

B, H, W = 32, 512, 512
NUM_CLASSES = 4
R = 16
NCHUNK = H // R
NBUF = 2
LANES = 16

_mesh = plsc.VectorSubcoreMesh(core_axis_name="c", subcore_axis_name="s")


@functools.partial(
    pl.kernel,
    out_type=jax.ShapeDtypeStruct((B, NUM_CLASSES, H, W), jnp.float32),
    mesh=_mesh,
    compiler_params=pltpu.CompilerParams(use_tc_tiling_on_sc=True),
    scratch_types=(
        [pltpu.VMEM((R, W), jnp.float32) for _ in range(NBUF)]
        + [pltpu.VMEM((NUM_CLASSES, R, W), jnp.float32) for _ in range(NBUF)]
        + [pltpu.SemaphoreType.DMA for _ in range(2 * NBUF)]
    ),
)
def _onehot_sc(x_hbm, out_hbm, *scratch):
    x_bufs = scratch[:NBUF]
    o_bufs = scratch[NBUF:2 * NBUF]
    in_sems = scratch[2 * NBUF:3 * NBUF]
    out_sems = scratch[3 * NBUF:4 * NBUF]
    num_cores = 2
    b = lax.axis_index("s") * num_cores + lax.axis_index("c")

    def in_src(j):
        return x_hbm.at[b, pl.ds(j * R, R), :]

    def out_dst(j):
        return out_hbm.at[b, :, pl.ds(j * R, R), :]

    for t in range(NBUF):
        pltpu.async_copy(in_src(t), x_bufs[t], in_sems[t])

    def ring_body(i, carry):
        for t in range(NBUF):
            j = i * NBUF + t
            x_v, o_v = x_bufs[t], o_bufs[t]
            pltpu.make_async_copy(in_src(j), x_v, in_sems[t]).wait()

            @pl.when(j >= NBUF)
            def _():
                pltpu.make_async_copy(
                    o_v, out_dst(j - NBUF), out_sems[t]).wait()

            @plsc.parallel_loop(0, W, step=LANES)
            def _vec(k):
                sl = pl.ds(k, LANES)
                one = jnp.ones((LANES,), jnp.float32)
                zero = jnp.zeros((LANES,), jnp.float32)
                for r in range(R):
                    v = x_v[r, sl]
                    s0 = jnp.where(v < 0.1, one, zero)
                    s1 = jnp.where(v < 1.0, one, zero)
                    s2 = jnp.where(v < 2.5, one, zero)
                    o_v[0, r, sl] = s0
                    o_v[1, r, sl] = s1 - s0
                    o_v[2, r, sl] = s2 - s1
                    o_v[3, r, sl] = one - s2

            pltpu.async_copy(o_v, out_dst(j), out_sems[t])

            @pl.when(j + NBUF < NCHUNK)
            def _():
                pltpu.async_copy(in_src(j + NBUF), x_v, in_sems[t])
        return carry

    lax.fori_loop(0, NCHUNK // NBUF, ring_body, 0)

    for t in range(NBUF):
        j = NCHUNK - NBUF + t
        pltpu.make_async_copy(o_bufs[t], out_dst(j), out_sems[t]).wait()


def kernel(x):
    out = _onehot_sc(x.reshape(B, H, W))
    return out.reshape(B, 1, NUM_CLASSES, H, W)

# --- scband reference (transcript-rebuilt; emitter-appended) ---
"""Pipeline reference for scband-persistence-12197707120666 (READ-ONLY COPY).

The authoritative reference and input builder live on the scoring server;
editing this copy changes nothing except your own understanding.
"""

import jax, jax.numpy as jnp
import numpy as np

NUM_CLASSES = 4

def setup_inputs(seed: int = 0) -> dict:
    key = jax.random.key(seed)
    x = jax.random.normal(key, (32, 1, 512, 512), dtype=jnp.float32)
    return {"x": x}

def reference(x):
    b_size, seq, height, width = x.shape
    assert seq == 1
    zero_out = jnp.zeros(x.shape, dtype=jnp.int32)
    one_out = jnp.ones(x.shape, dtype=jnp.int32)
    two_out = jnp.ones(x.shape, dtype=jnp.int32) * 2
    three_out = jnp.ones(x.shape, dtype=jnp.int32) * 3
    cls = jnp.where(x < 0.1, zero_out, jnp.where(x < 1.0, one_out, jnp.where(x < 2.5, two_out, three_out)))
    # torch scatter_(dim=1, index=cls, src=1) with index shape (b,1,h,w):
    # out[b, cls[b,0,h,w], h, w] = 1
    out = jnp.zeros((b_size, NUM_CLASSES, height, width), dtype=jnp.float32)
    b_idx = jnp.arange(b_size)[:, None, None, None]
    h_idx = jnp.arange(height)[None, None, :, None]
    w_idx = jnp.arange(width)[None, None, None, :]
    out = out.at[b_idx, cls, h_idx, w_idx].set(1.0)
    out = out[:, None, :, :, :].astype(jnp.float32)
    return out

if __name__ == "__main__":
    import jax
    _d = setup_inputs()
    print(jax.jit(kernel)(*tuple(_d.values())))

</pallas_src>

<mosaic_0001>
#map = affine_map<(d0, d1) -> (0, 0, 0)>
#map1 = affine_map<(d0, d1) -> (0, 0, 0, 0)>
module attributes {stable_mosaic.version = 14 : i64} {
  func.func @_onehot_sc(%arg0: i32, %arg1: i32, %arg2: memref<32x512x512xf32, #tpu.memory_space<hbm>>, %arg3: memref<32x4x512x512xf32, #tpu.memory_space<hbm>>, %arg4: memref<16x512xf32, #tpu.memory_space<vmem>>, %arg5: memref<16x512xf32, #tpu.memory_space<vmem>>, %arg6: memref<4x16x512xf32, #tpu.memory_space<vmem>>, %arg7: memref<4x16x512xf32, #tpu.memory_space<vmem>>, %arg8: memref<!tpu.dma_semaphore, #tpu.memory_space<semaphore_mem>>, %arg9: memref<!tpu.dma_semaphore, #tpu.memory_space<semaphore_mem>>, %arg10: memref<!tpu.dma_semaphore, #tpu.memory_space<semaphore_mem>>, %arg11: memref<!tpu.dma_semaphore, #tpu.memory_space<semaphore_mem>>) attributes {dimension_semantics = [#tpu.dimension_semantics<core_parallel>, #tpu.dimension_semantics<subcore_parallel>], iteration_bounds = array<i64: 2, 16>, scalar_prefetch = 0 : i64, scratch_operands = 8 : i64, tpu.core_type = #tpu.core_type<sc_vector_subcore>, window_params = [{transform_indices = #map}, {transform_indices = #map1}]} {
    %mul3A = arith.constant 2 : i32
    %mul3A_0 = arith.muli %arg1, %mul3A : i32
    %add3A = arith.addi %mul3A_0, %arg0 : i32
    %dma_start3A = arith.constant 0 : i32
    %dma_start3A_1 = arith.constant 0 : i32
    %dma_start3A_2 = tpu.memref_slice %arg2[%add3A, %dma_start3A, %dma_start3A_1] : memref<32x512x512xf32, #tpu.memory_space<hbm>> -> memref<1x16x512xf32, #tpu.memory_space<hbm>>
    %dma_start3A_3 = tpu.memref_squeeze %dma_start3A_2 : memref<1x16x512xf32, #tpu.memory_space<hbm>> -> memref<16x512xf32, #tpu.memory_space<hbm>>
    %dma_start3A_4 = arith.constant 0 : i32
    %dma_start3A_5 = arith.constant 0 : i32
    %dma_start3A_6 = tpu.memref_slice %arg2[%add3A, %dma_start3A_4, %dma_start3A_5] : memref<32x512x512xf32, #tpu.memory_space<hbm>> -> memref<1x16x512xf32, #tpu.memory_space<hbm>>
    %dma_start3A_7 = tpu.memref_squeeze %dma_start3A_6 : memref<1x16x512xf32, #tpu.memory_space<hbm>> -> memref<16x512xf32, #tpu.memory_space<hbm>>
    tpu.enqueue_dma source(%dma_start3A_7 : memref<16x512xf32, #tpu.memory_space<hbm>>) target(%arg4 : memref<16x512xf32, #tpu.memory_space<vmem>>) target_semaphore(%arg8 : memref<!tpu.dma_semaphore, #tpu.memory_space<semaphore_mem>>)
    %dma_start3A_8 = arith.constant 16 : i32
    %dma_start3A_9 = arith.constant 0 : i32
    %dma_start3A_10 = tpu.memref_slice %arg2[%add3A, %dma_start3A_8, %dma_start3A_9] : memref<32x512x512xf32, #tpu.memory_space<hbm>> -> memref<1x16x512xf32, #tpu.memory_space<hbm>>
    %dma_start3A_11 = tpu.memref_squeeze %dma_start3A_10 : memref<1x16x512xf32, #tpu.memory_space<hbm>> -> memref<16x512xf32, #tpu.memory_space<hbm>>
    %dma_start3A_12 = arith.constant 16 : i32
    %dma_start3A_13 = arith.constant 0 : i32
    %dma_start3A_14 = tpu.memref_slice %arg2[%add3A, %dma_start3A_12, %dma_start3A_13] : memref<32x512x512xf32, #tpu.memory_space<hbm>> -> memref<1x16x512xf32, #tpu.memory_space<hbm>>
    %dma_start3A_15 = tpu.memref_squeeze %dma_start3A_14 : memref<1x16x512xf32, #tpu.memory_space<hbm>> -> memref<16x512xf32, #tpu.memory_space<hbm>>
    tpu.enqueue_dma source(%dma_start3A_15 : memref<16x512xf32, #tpu.memory_space<hbm>>) target(%arg5 : memref<16x512xf32, #tpu.memory_space<vmem>>) target_semaphore(%arg9 : memref<!tpu.dma_semaphore, #tpu.memory_space<semaphore_mem>>)
    %scan3A = arith.constant 0 : i32
    %scan3A_16 = arith.constant 0 : i32
    %scan3A_17 = arith.constant 16 : i32
    %scan3A_18 = arith.addi %scan3A_16, %scan3A_17 : i32
    %scan3A_19 = arith.constant 1 : i32
    scf.for %scan3A_40 = %scan3A_16 to %scan3A_18 step %scan3A_19  : i32 {
      %mul3A_41 = arith.constant 2 : i32
      %mul3A_42 = arith.muli %scan3A_40, %mul3A_41 : i32
      %add3A_43 = arith.constant 0 : i32
      %add3A_44 = arith.addi %mul3A_42, %add3A_43 : i32
      %mul3A_45 = arith.constant 16 : i32
      %mul3A_46 = arith.muli %add3A_44, %mul3A_45 : i32
      %dma_wait3A_47 = arith.constant 0 : i32
      %dma_wait3A_48 = tpu.memref_slice %arg2[%add3A, %mul3A_46, %dma_wait3A_47] : memref<32x512x512xf32, #tpu.memory_space<hbm>> -> memref<1x16x512xf32, #tpu.memory_space<hbm>>
      %dma_wait3A_49 = tpu.memref_squeeze %dma_wait3A_48 : memref<1x16x512xf32, #tpu.memory_space<hbm>> -> memref<16x512xf32, #tpu.memory_space<hbm>>
      %dma_wait3A_50 = arith.constant 0 : i32
      %dma_wait3A_51 = tpu.memref_slice %arg2[%add3A, %mul3A_46, %dma_wait3A_50] : memref<32x512x512xf32, #tpu.memory_space<hbm>> -> memref<1x16x512xf32, #tpu.memory_space<hbm>>
      %dma_wait3A_52 = tpu.memref_squeeze %dma_wait3A_51 : memref<1x16x512xf32, #tpu.memory_space<hbm>> -> memref<16x512xf32, #tpu.memory_space<hbm>>
      tpu.wait_dma2 semaphore(%arg8 : memref<!tpu.dma_semaphore, #tpu.memory_space<semaphore_mem>>) src(%dma_wait3A_52 : memref<16x512xf32, #tpu.memory_space<hbm>>) dst(%arg4 : memref<16x512xf32, #tpu.memory_space<vmem>>)
      %ge3A = arith.constant 2 : i32
      %ge3A_53 = arith.cmpi sge, %add3A_44, %ge3A : i32
      %convert_element_type3A = arith.extui %ge3A_53 : i1 to i32
      %cond3A = arith.constant 0 : i32
      %cond3A_54 = arith.cmpi ne, %convert_element_type3A, %cond3A : i32
      scf.if %cond3A_54 {
        %sub3A = arith.constant 2 : i32
        %sub3A_110 = arith.subi %add3A_44, %sub3A : i32
        %mul3A_111 = arith.constant 16 : i32
        %mul3A_112 = arith.muli %sub3A_110, %mul3A_111 : i32
        %dma_wait3A_113 = arith.constant 0 : i32
        %dma_wait3A_114 = arith.constant 0 : i32
        %dma_wait3A_115 = tpu.memref_slice %arg3[%add3A, %dma_wait3A_113, %mul3A_112, %dma_wait3A_114] : memref<32x4x512x512xf32, #tpu.memory_space<hbm>> -> memref<1x4x16x512xf32, #tpu.memory_space<hbm>>
        %dma_wait3A_116 = tpu.memref_squeeze %dma_wait3A_115 : memref<1x4x16x512xf32, #tpu.memory_space<hbm>> -> memref<4x16x512xf32, #tpu.memory_space<hbm>>
        %dma_wait3A_117 = arith.constant 0 : i32
        %dma_wait3A_118 = arith.constant 0 : i32
        %dma_wait3A_119 = tpu.memref_slice %arg3[%add3A, %dma_wait3A_117, %mul3A_112, %dma_wait3A_118] : memref<32x4x512x512xf32, #tpu.memory_space<hbm>> -> memref<1x4x16x512xf32, #tpu.memory_space<hbm>>
        %dma_wait3A_120 = tpu.memref_squeeze %dma_wait3A_119 : memref<1x4x16x512xf32, #tpu.memory_space<hbm>> -> memref<4x16x512xf32, #tpu.memory_space<hbm>>
        tpu.wait_dma2 semaphore(%arg10 : memref<!tpu.dma_semaphore, #tpu.memory_space<semaphore_mem>>) src(%arg6 : memref<4x16x512xf32, #tpu.memory_space<vmem>>) dst(%dma_wait3A_120 : memref<4x16x512xf32, #tpu.memory_space<hbm>>)
      } else {
      }
      %parallel_loop3A = arith.constant 0 : i32
      %parallel_loop3A_55 = arith.constant 512 : i32
      %parallel_loop3A_56 = arith.constant 16 : i32
      scf.for %parallel_loop3A_110 = %parallel_loop3A to %parallel_loop3A_55 step %parallel_loop3A_56  : i32 {
        %parallel_loop3A_111 = arith.constant 1.000000e+00 : f32
        %parallel_loop3A_112 = vector.broadcast %parallel_loop3A_111 : f32 to vector<16xf32>
        %parallel_loop3A_113 = arith.constant 0.000000e+00 : f32
        %parallel_loop3A_114 = vector.broadcast %parallel_loop3A_113 : f32 to vector<16xf32>
        %parallel_loop3A_115 = arith.constant 0 : i32
        %parallel_loop3A_116 = arith.index_cast %parallel_loop3A_115 : i32 to index
        %parallel_loop3A_117 = arith.index_cast %parallel_loop3A_110 : i32 to index
        %parallel_loop3A_118 = tpu.vector_load %arg4[%parallel_loop3A_116, %parallel_loop3A_117] {strides = array<i32>} : memref<16x512xf32, #tpu.memory_space<vmem>>, vector<1x16xf32>,
        %parallel_loop3A_119 = vector.shape_cast %parallel_loop3A_118 : vector<1x16xf32> to vector<16xf32>
        %parallel_loop3A_120 = arith.constant 1.000000e-01 : f32
        %parallel_loop3A_121 = vector.broadcast %parallel_loop3A_120 : f32 to vector<16xf32>
        %parallel_loop3A_122 = arith.cmpf olt, %parallel_loop3A_119, %parallel_loop3A_121 : vector<16xf32>
        %parallel_loop3A_123 = arith.select %parallel_loop3A_122, %parallel_loop3A_112, %parallel_loop3A_114 : vector<16xi1>, vector<16xf32>
        %parallel_loop3A_124 = arith.constant 1.000000e+00 : f32
        %parallel_loop3A_125 = vector.broadcast %parallel_loop3A_124 : f32 to vector<16xf32>
        %parallel_loop3A_126 = arith.cmpf olt, %parallel_loop3A_119, %parallel_loop3A_125 : vector<16xf32>
        %parallel_loop3A_127 = arith.select %parallel_loop3A_126, %parallel_loop3A_112, %parallel_loop3A_114 : vector<16xi1>, vector<16xf32>
        %parallel_loop3A_128 = arith.constant 2.500000e+00 : f32
        %parallel_loop3A_129 = vector.broadcast %parallel_loop3A_128 : f32 to vector<16xf32>
        %parallel_loop3A_130 = arith.cmpf olt, %parallel_loop3A_119, %parallel_loop3A_129 : vector<16xf32>
        %parallel_loop3A_131 = arith.select %parallel_loop3A_130, %parallel_loop3A_112, %parallel_loop3A_114 : vector<16xi1>, vector<16xf32>
        %parallel_loop3A_132 = arith.constant 0 : i32
        %parallel_loop3A_133 = arith.constant 0 : i32
        %parallel_loop3A_134 = arith.index_cast %parallel_loop3A_132 : i32 to index
        %parallel_loop3A_135 = arith.index_cast %parallel_loop3A_133 : i32 to index
        %parallel_loop3A_136 = arith.index_cast %parallel_loop3A_110 : i32 to index
        %parallel_loop3A_137 = tpu.vector_load %arg6[%parallel_loop3A_134, %parallel_loop3A_135, %parallel_loop3A_136] {strides = array<i32>} : memref<4x16x512xf32, #tpu.memory_space<vmem>>, vector<1x1x16xf32>,
        %parallel_loop3A_138 = vector.shape_cast %parallel_loop3A_137 : vector<1x1x16xf32> to vector<16xf32>
        %parallel_loop3A_139 = vector.shape_cast %parallel_loop3A_123 : vector<16xf32> to vector<1x1x16xf32>
        tpu.vector_store %arg6[%parallel_loop3A_134, %parallel_loop3A_135, %parallel_loop3A_136], %parallel_loop3A_139 {strides = array<i32>} : memref<4x16x512xf32, #tpu.memory_space<vmem>>, vector<1x1x16xf32>,
        %parallel_loop3A_140 = arith.subf %parallel_loop3A_127, %parallel_loop3A_123 : vector<16xf32>
        %parallel_loop3A_141 = arith.constant 1 : i32
        %parallel_loop3A_142 = arith.constant 0 : i32
        %parallel_loop3A_143 = arith.index_cast %parallel_loop3A_141 : i32 to index
        %parallel_loop3A_144 = arith.index_cast %parallel_loop3A_142 : i32 to index
        %parallel_loop3A_145 = arith.index_cast %parallel_loop3A_110 : i32 to index
        %parallel_loop3A_146 = tpu.vector_load %arg6[%parallel_loop3A_143, %parallel_loop3A_144, %parallel_loop3A_145] {strides = array<i32>} : memref<4x16x512xf32, #tpu.memory_space<vmem>>, vector<1x1x16xf32>,
        %parallel_loop3A_147 = vector.shape_cast %parallel_loop3A_146 : vector<1x1x16xf32> to vector<16xf32>
        %parallel_loop3A_148 = vector.shape_cast %parallel_loop3A_140 : vector<16xf32> to vector<1x1x16xf32>
        tpu.vector_store %arg6[%parallel_loop3A_143, %parallel_loop3A_144, %parallel_loop3A_145], %parallel_loop3A_148 {strides = array<i32>} : memref<4x16x512xf32, #tpu.memory_space<vmem>>, vector<1x1x16xf32>,
        %parallel_loop3A_149 = arith.subf %parallel_loop3A_131, %parallel_loop3A_127 : vector<16xf32>
        %parallel_loop3A_150 = arith.constant 2 : i32
        %parallel_loop3A_151 = arith.constant 0 : i32
        %parallel_loop3A_152 = arith.index_cast %parallel_loop3A_150 : i32 to index
        %parallel_loop3A_153 = arith.index_cast %parallel_loop3A_151 : i32 to index
        %parallel_loop3A_154 = arith.index_cast %parallel_loop3A_110 : i32 to index
        %parallel_loop3A_155 = tpu.vector_load %arg6[%parallel_loop3A_152, %parallel_loop3A_153, %parallel_loop3A_154] {strides = array<i32>} : memref<4x16x512xf32, #tpu.memory_space<vmem>>, vector<1x1x16xf32>,
        %parallel_loop3A_156 = vector.shape_cast %parallel_loop3A_155 : vector<1x1x16xf32> to vector<16xf32>
        %parallel_loop3A_157 = vector.shape_cast %parallel_loop3A_149 : vector<16xf32> to vector<1x1x16xf32>
        tpu.vector_store %arg6[%parallel_loop3A_152, %parallel_loop3A_153, %parallel_loop3A_154], %parallel_loop3A_157 {strides = array<i32>} : memref<4x16x512xf32, #tpu.memory_space<vmem>>, vector<1x1x16xf32>,
        %parallel_loop3A_158 = arith.subf %parallel_loop3A_112, %parallel_loop3A_131 : vector<16xf32>
        %parallel_loop3A_159 = arith.constant 3 : i32
        %parallel_loop3A_160 = arith.constant 0 : i32
        %parallel_loop3A_161 = arith.index_cast %parallel_loop3A_159 : i32 to index
        %parallel_loop3A_162 = arith.index_cast %parallel_loop3A_160 : i32 to index
        %parallel_loop3A_163 = arith.index_cast %parallel_loop3A_110 : i32 to index
        %parallel_loop3A_164 = tpu.vector_load %arg6[%parallel_loop3A_161, %parallel_loop3A_162, %parallel_loop3A_163] {strides = array<i32>} : memref<4x16x512xf32, #tpu.memory_space<vmem>>, vector<1x1x16xf32>,
        %parallel_loop3A_165 = vector.shape_cast %parallel_loop3A_164 : vector<1x1x16xf32> to vector<16xf32>
        %parallel_loop3A_166 = vector.shape_cast %parallel_loop3A_158 : vector<16xf32> to vector<1x1x16xf32>
        tpu.vector_store %arg6[%parallel_loop3A_161, %parallel_loop3A_162, %parallel_loop3A_163], %parallel_loop3A_166 {strides = array<i32>} : memref<4x16x512xf32, #tpu.memory_space<vmem>>, vector<1x1x16xf32>,
        %parallel_loop3A_167 = arith.constant 1 : i32
        %parallel_loop3A_168 = arith.index_cast %parallel_loop3A_167 : i32 to index
        %parallel_loop3A_169 = arith.index_cast %parallel_loop3A_110 : i32 to index
        %parallel_loop3A_170 = tpu.vector_load %arg4[%parallel_loop3A_168, %parallel_loop3A_169] {strides = array<i32>} : memref<16x512xf32, #tpu.memory_space<vmem>>, vector<1x16xf32>,
        %parallel_loop3A_171 = vector.shape_cast %parallel_loop3A_170 : vector<1x16xf32> to vector<16xf32>
        %parallel_loop3A_172 = arith.constant 1.000000e-01 : f32
        %parallel_loop3A_173 = vector.broadcast %parallel_loop3A_172 : f32 to vector<16xf32>
        %parallel_loop3A_174 = arith.cmpf olt, %parallel_loop3A_171, %parallel_loop3A_173 : vector<16xf32>
        %parallel_loop3A_175 = arith.select %parallel_loop3A_174, %parallel_loop3A_112, %parallel_loop3A_114 : vector<16xi1>, vector<16xf32>
        %parallel_loop3A_176 = arith.constant 1.000000e+00 : f32
        %parallel_loop3A_177 = vector.broadcast %parallel_loop3A_176 : f32 to vector<16xf32>
        %parallel_loop3A_178 = arith.cmpf olt, %parallel_loop3A_171, %parallel_loop3A_177 : vector<16xf32>
        %parallel_loop3A_179 = arith.select %parallel_loop3A_178, %parallel_loop3A_112, %parallel_loop3A_114 : vector<16xi1>, vector<16xf32>
        %parallel_loop3A_180 = arith.constant 2.500000e+00 : f32
        %parallel_loop3A_181 = vector.broadcast %parallel_loop3A_180 : f32 to vector<16xf32>
        %parallel_loop3A_182 = arith.cmpf olt, %parallel_loop3A_171, %parallel_loop3A_181 : vector<16xf32>
        %parallel_loop3A_183 = arith.select %parallel_loop3A_182, %parallel_loop3A_112, %parallel_loop3A_114 : vector<16xi1>, vector<16xf32>
        %parallel_loop3A_184 = arith.constant 0 : i32
        %parallel_loop3A_185 = arith.constant 1 : i32
        %parallel_loop3A_186 = arith.index_cast %parallel_loop3A_184 : i32 to index
        %parallel_loop3A_187 = arith.index_cast %parallel_loop3A_185 : i32 to index
        %parallel_loop3A_188 = arith.index_cast %parallel_loop3A_110 : i32 to index
        %parallel_loop3A_189 = tpu.vector_load %arg6[%parallel_loop3A_186, %parallel_loop3A_187, %parallel_loop3A_188] {strides = array<i32>} : memref<4x16x512xf32, #tpu.memory_space<vmem>>, vector<1x1x16xf32>,
        %parallel_loop3A_190 = vector.shape_cast %parallel_loop3A_189 : vector<1x1x16xf32> to vector<16xf32>
        %parallel_loop3A_191 = vector.shape_cast %parallel_loop3A_175 : vector<16xf32> to vector<1x1x16xf32>
        tpu.vector_store %arg6[%parallel_loop3A_186, %parallel_loop3A_187, %parallel_loop3A_188], %parallel_loop3A_191 {strides = array<i32>} : memref<4x16x512xf32, #tpu.memory_space<vmem>>, vector<1x1x16xf32>,
        %parallel_loop3A_192 = arith.subf %parallel_loop3A_179, %parallel_loop3A_175 : vector<16xf32>
        %parallel_loop3A_193 = arith.constant 1 : i32
        %parallel_loop3A_194 = arith.constant 1 : i32
        %parallel_loop3A_195 = arith.index_cast %parallel_loop3A_193 : i32 to index
        %parallel_loop3A_196 = arith.index_cast %parallel_loop3A_194 : i32 to index
        %parallel_loop3A_197 = arith.index_cast %parallel_loop3A_110 : i32 to index
        %parallel_loop3A_198 = tpu.vector_load %arg6[%parallel_loop3A_195, %parallel_loop3A_196, %parallel_loop3A_197] {strides = array<i32>} : memref<4x16x512xf32, #tpu.memory_space<vmem>>, vector<1x1x16xf32>,
        %parallel_loop3A_199 = vector.shape_cast %parallel_loop3A_198 : vector<1x1x16xf32> to vector<16xf32>
        %parallel_loop3A_200 = vector.shape_cast %parallel_loop3A_192 : vector<16xf32> to vector<1x1x16xf32>
        tpu.vector_store %arg6[%parallel_loop3A_195, %parallel_loop3A_196, %parallel_loop3A_197], %parallel_loop3A_200 {strides = array<i32>} : memref<4x16x512xf32, #tpu.memory_space<vmem>>, vector<1x1x16xf32>,
        %parallel_loop3A_201 = arith.subf %parallel_loop3A_183, %parallel_loop3A_179 : vector<16xf32>
        %parallel_loop3A_202 = arith.constant 2 : i32
        %parallel_loop3A_203 = arith.constant 1 : i32
        %parallel_loop3A_204 = arith.index_cast %parallel_loop3A_202 : i32 to index
        %parallel_loop3A_205 = arith.index_cast %parallel_loop3A_203 : i32 to index
        %parallel_loop3A_206 = arith.index_cast %parallel_loop3A_110 : i32 to index
        %parallel_loop3A_207 = tpu.vector_load %arg6[%parallel_loop3A_204, %parallel_loop3A_205, %parallel_loop3A_206] {strides = array<i32>} : memref<4x16x512xf32, #tpu.memory_space<vmem>>, vector<1x1x16xf32>,
        %parallel_loop3A_208 = vector.shape_cast %parallel_loop3A_207 : vector<1x1x16xf32> to vector<16xf32>
        %parallel_loop3A_209 = vector.shape_cast %parallel_loop3A_201 : vector<16xf32> to vector<1x1x16xf32>
        tpu.vector_store %arg6[%parallel_loop3A_204, %parallel_loop3A_205, %parallel_loop3A_206], %parallel_loop3A_209 {strides = array<i32>} : memref<4x16x512xf32, #tpu.memory_space<vmem>>, vector<1x1x16xf32>,
        %parallel_loop3A_210 = arith.subf %parallel_loop3A_112, %parallel_loop3A_183 : vector<16xf32>
        %parallel_loop3A_211 = arith.constant 3 : i32
        %parallel_loop3A_212 = arith.constant 1 : i32
        %parallel_loop3A_213 = arith.index_cast %parallel_loop3A_211 : i32 to index
        %parallel_loop3A_214 = arith.index_cast %parallel_loop3A_212 : i32 to index
        %parallel_loop3A_215 = arith.index_cast %parallel_loop3A_110 : i32 to index
        %parallel_loop3A_216 = tpu.vector_load %arg6[%parallel_loop3A_213, %parallel_loop3A_214, %parallel_loop3A_215] {strides = array<i32>} : memref<4x16x512xf32, #tpu.memory_space<vmem>>, vector<1x1x16xf32>,
        %parallel_loop3A_217 = vector.shape_cast %parallel_loop3A_216 : vector<1x1x16xf32> to vector<16xf32>
        %parallel_loop3A_218 = vector.shape_cast %parallel_loop3A_210 : vector<16xf32> to vector<1x1x16xf32>
        tpu.vector_store %arg6[%parallel_loop3A_213, %parallel_loop3A_214, %parallel_loop3A_215], %parallel_loop3A_218 {strides = array<i32>} : memref<4x16x512xf32, #tpu.memory_space<vmem>>, vector<1x1x16xf32>,
        %parallel_loop3A_219 = arith.constant 2 : i32
        %parallel_loop3A_220 = arith.index_cast %parallel_loop3A_219 : i32 to index
        %parallel_loop3A_221 = arith.index_cast %parallel_loop3A_110 : i32 to index
        %parallel_loop3A_222 = tpu.vector_load %arg4[%parallel_loop3A_220, %parallel_loop3A_221] {strides = array<i32>} : memref<16x512xf32, #tpu.memory_space<vmem>>, vector<1x16xf32>,
        %parallel_loop3A_223 = vector.shape_cast %parallel_loop3A_222 : vector<1x16xf32> to vector<16xf32>
        %parallel_loop3A_224 = arith.constant 1.000000e-01 : f32
        %parallel_loop3A_225 = vector.broadcast %parallel_loop3A_224 : f32 to vector<16xf32>
        %parallel_loop3A_226 = arith.cmpf olt, %parallel_loop3A_223, %parallel_loop3A_225 : vector<16xf32>
        %parallel_loop3A_227 = arith.select %parallel_loop3A_226, %parallel_loop3A_112, %parallel_loop3A_114 : vector<16xi1>, vector<16xf32>
        %parallel_loop3A_228 = arith.constant 1.000000e+00 : f32
        %parallel_loop3A_229 = vector.broadcast %parallel_loop3A_228 : f32 to vector<16xf32>
        %parallel_loop3A_230 = arith.cmpf olt, %parallel_loop3A_223, %parallel_loop3A_229 : vector<16xf32>
        %parallel_loop3A_231 = arith.select %parallel_loop3A_230, %parallel_loop3A_112, %parallel_loop3A_114 : vector<16xi1>, vector<16xf32>
        %parallel_loop3A_232 = arith.constant 2.500000e+00 : f32
        %parallel_loop3A_233 = vector.broadcast %parallel_loop3A_232 : f32 to vector<16xf32>
        %parallel_loop3A_234 = arith.cmpf olt, %parallel_loop3A_223, %parallel_loop3A_233 : vector<16xf32>
        %parallel_loop3A_235 = arith.select %parallel_loop3A_234, %parallel_loop3A_112, %parallel_loop3A_114 : vector<16xi1>, vector<16xf32>
        %parallel_loop3A_236 = arith.constant 0 : i32
        %parallel_loop3A_237 = arith.constant 2 : i32
        %parallel_loop3A_238 = arith.index_cast %parallel_loop3A_236 : i32 to index
        %parallel_loop3A_239 = arith.index_cast %parallel_loop3A_237 : i32 to index
        %parallel_loop3A_240 = arith.index_cast %parallel_loop3A_110 : i32 to index
        %parallel_loop3A_241 = tpu.vector_load %arg6[%parallel_loop3A_238, %parallel_loop3A_239, %parallel_loop3A_240] {strides = array<i32>} : memref<4x16x512xf32, #tpu.memory_space<vmem>>, vector<1x1x16xf32>,
        %parallel_loop3A_242 = vector.shape_cast %parallel_loop3A_241 : vector<1x1x16xf32> to vector<16xf32>
        %parallel_loop3A_243 = vector.shape_cast %parallel_loop3A_227 : vector<16xf32> to vector<1x1x16xf32>
        tpu.vector_store %arg6[%parallel_loop3A_238, %parallel_loop3A_239, %parallel_loop3A_240], %parallel_loop3A_243 {strides = array<i32>} : memref<4x16x512xf32, #tpu.memory_space<vmem>>, vector<1x1x16xf32>,
        %parallel_loop3A_244 = arith.subf %parallel_loop3A_231, %parallel_loop3A_227 : vector<16xf32>
        %parallel_loop3A_245 = arith.constant 1 : i32
        %parallel_loop3A_246 = arith.constant 2 : i32
        %parallel_loop3A_247 = arith.index_cast %parallel_loop3A_245 : i32 to index
        %parallel_loop3A_248 = arith.index_cast %parallel_loop3A_246 : i32 to index
        %parallel_loop3A_249 = arith.index_cast %parallel_loop3A_110 : i32 to index
        %parallel_loop3A_250 = tpu.vector_load %arg6[%parallel_loop3A_247, %parallel_loop3A_248, %parallel_loop3A_249] {strides = array<i32>} : memref<4x16x512xf32, #tpu.memory_space<vmem>>, vector<1x1x16xf32>,
        %parallel_loop3A_251 = vector.shape_cast %parallel_loop3A_250 : vector<1x1x16xf32> to vector<16xf32>
        %parallel_loop3A_252 = vector.shape_cast %parallel_loop3A_244 : vector<16xf32> to vector<1x1x16xf32>
        tpu.vector_store %arg6[%parallel_loop3A_247, %parallel_loop3A_248, %parallel_loop3A_249], %parallel_loop3A_252 {strides = array<i32>} : memref<4x16x512xf32, #tpu.memory_space<vmem>>, vector<1x1x16xf32>,
        %parallel_loop3A_253 = arith.subf %parallel_loop3A_235, %parallel_loop3A_231 : vector<16xf32>
        %parallel_loop3A_254 = arith.constant 2 : i32
        %parallel_loop3A_255 = arith.constant 2 : i32
        %parallel_loop3A_256 = arith.index_cast %parallel_loop3A_254 : i32 to index
        %parallel_loop3A_257 = arith.index_cast %parallel_loop3A_255 : i32 to index
        %parallel_loop3A_258 = arith.index_cast %parallel_loop3A_110 : i32 to index
        %parallel_loop3A_259 = tpu.vector_load %arg6[%parallel_loop3A_256, %parallel_loop3A_257, %parallel_loop3A_258] {strides = array<i32>} : memref<4x16x512xf32, #tpu.memory_space<vmem>>, vector<1x1x16xf32>,
        %parallel_loop3A_260 = vector.shape_cast %parallel_loop3A_259 : vector<1x1x16xf32> to vector<16xf32>
        %parallel_loop3A_261 = vector.shape_cast %parallel_loop3A_253 : vector<16xf32> to vector<1x1x16xf32>
        tpu.vector_store %arg6[%parallel_loop3A_256, %parallel_loop3A_257, %parallel_loop3A_258], %parallel_loop3A_261 {strides = array<i32>} : memref<4x16x512xf32, #tpu.memory_space<vmem>>, vector<1x1x16xf32>,
        %parallel_loop3A_262 = arith.subf %parallel_loop3A_112, %parallel_loop3A_235 : vector<16xf32>
        %parallel_loop3A_263 = arith.constant 3 : i32
        %parallel_loop3A_264 = arith.constant 2 : i32
        %parallel_loop3A_265 = arith.index_cast %parallel_loop3A_263 : i32 to index
        %parallel_loop3A_266 = arith.index_cast %parallel_loop3A_264 : i32 to index
        %parallel_loop3A_267 = arith.index_cast %parallel_loop3A_110 : i32 to index
        %parallel_loop3A_268 = tpu.vector_load %arg6[%parallel_loop3A_265, %parallel_loop3A_266, %parallel_loop3A_267] {strides = array<i32>} : memref<4x16x512xf32, #tpu.memory_space<vmem>>, vector<1x1x16xf32>,
        %parallel_loop3A_269 = vector.shape_cast %parallel_loop3A_268 : vector<1x1x16xf32> to vector<16xf32>
        %parallel_loop3A_270 = vector.shape_cast %parallel_loop3A_262 : vector<16xf32> to vector<1x1x16xf32>
        tpu.vector_store %arg6[%parallel_loop3A_265, %parallel_loop3A_266, %parallel_loop3A_267], %parallel_loop3A_270 {strides = array<i32>} : memref<4x16x512xf32, #tpu.memory_space<vmem>>, vector<1x1x16xf32>,
        %parallel_loop3A_271 = arith.constant 3 : i32
        %parallel_loop3A_272 = arith.index_cast %parallel_loop3A_271 : i32 to index
        %parallel_loop3A_273 = arith.index_cast %parallel_loop3A_110 : i32 to index
        %parallel_loop3A_274 = tpu.vector_load %arg4[%parallel_loop3A_272, %parallel_loop3A_273] {strides = array<i32>} : memref<16x512xf32, #tpu.memory_space<vmem>>, vector<1x16xf32>,
        %parallel_loop3A_275 = vector.shape_cast %parallel_loop3A_274 : vector<1x16xf32> to vector<16xf32>
        %parallel_loop3A_276 = arith.constant 1.000000e-01 : f32
        %parallel_loop3A_277 = vector.broadcast %parallel_loop3A_276 : f32 to vector<16xf32>
        %parallel_loop3A_278 = arith.cmpf olt, %parallel_loop3A_275, %parallel_loop3A_277 : vector<16xf32>
        %parallel_loop3A_279 = arith.select %parallel_loop3A_278, %parallel_loop3A_112, %parallel_loop3A_114 : vector<16xi1>, vector<16xf32>
        %parallel_loop3A_280 = arith.constant 1.000000e+00 : f32
        %parallel_loop3A_281 = vector.broadcast %parallel_loop3A_280 : f32 to vector<16xf32>
        %parallel_loop3A_282 = arith.cmpf olt, %parallel_loop3A_275, %parallel_loop3A_281 : vector<16xf32>
        %parallel_loop3A_283 = arith.select %parallel_loop3A_282, %parallel_loop3A_112, %parallel_loop3A_114 : vector<16xi1>, vector<16xf32>
        %parallel_loop3A_284 = arith.constant 2.500000e+00 : f32
        %parallel_loop3A_285 = vector.broadcast %parallel_loop3A_284 : f32 to vector<16xf32>
        %parallel_loop3A_286 = arith.cmpf olt, %parallel_loop3A_275, %parallel_loop3A_285 : vector<16xf32>
        %parallel_loop3A_287 = arith.select %parallel_loop3A_286, %parallel_loop3A_112, %parallel_loop3A_114 : vector<16xi1>, vector<16xf32>
        %parallel_loop3A_288 = arith.constant 0 : i32
        %parallel_loop3A_289 = arith.constant 3 : i32
        %parallel_loop3A_290 = arith.index_cast %parallel_loop3A_288 : i32 to index
        %parallel_loop3A_291 = arith.index_cast %parallel_loop3A_289 : i32 to index
        %parallel_loop3A_292 = arith.index_cast %parallel_loop3A_110 : i32 to index
        %parallel_loop3A_293 = tpu.vector_load %arg6[%parallel_loop3A_290, %parallel_loop3A_291, %parallel_loop3A_292] {strides = array<i32>} : memref<4x16x512xf32, #tpu.memory_space<vmem>>, vector<1x1x16xf32>,
        %parallel_loop3A_294 = vector.shape_cast %parallel_loop3A_293 : vector<1x1x16xf32> to vector<16xf32>
        %parallel_loop3A_295 = vector.shape_cast %parallel_loop3A_279 : vector<16xf32> to vector<1x1x16xf32>
        tpu.vector_store %arg6[%parallel_loop3A_290, %parallel_loop3A_291, %parallel_loop3A_292], %parallel_loop3A_295 {strides = array<i32>} : memref<4x16x512xf32, #tpu.memory_space<vmem>>, vector<1x1x16xf32>,
        %parallel_loop3A_296 = arith.subf %parallel_loop3A_283, %parallel_loop3A_279 : vector<16xf32>
        %parallel_loop3A_297 = arith.constant 1 : i32
        %parallel_loop3A_298 = arith.constant 3 : i32
        %parallel_loop3A_299 = arith.index_cast %parallel_loop3A_297 : i32 to index
        %parallel_loop3A_300 = arith.index_cast %parallel_loop3A_298 : i32 to index
        %parallel_loop3A_301 = arith.index_cast %parallel_loop3A_110 : i32 to index
        %parallel_loop3A_302 = tpu.vector_load %arg6[%parallel_loop3A_299, %parallel_loop3A_300, %parallel_loop3A_301] {strides = array<i32>} : memref<4x16x512xf32, #tpu.memory_space<vmem>>, vector<1x1x16xf32>,
        %parallel_loop3A_303 = vector.shape_cast %parallel_loop3A_302 : vector<1x1x16xf32> to vector<16xf32>
        %parallel_loop3A_304 = vector.shape_cast %parallel_loop3A_296 : vector<16xf32> to vector<1x1x16xf32>
        tpu.vector_store %arg6[%parallel_loop3A_299, %parallel_loop3A_300, %parallel_loop3A_301], %parallel_loop3A_304 {strides = array<i32>} : memref<4x16x512xf32, #tpu.memory_space<vmem>>, vector<1x1x16xf32>,
        %parallel_loop3A_305 = arith.subf %parallel_loop3A_287, %parallel_loop3A_283 : vector<16xf32>
        %parallel_loop3A_306 = arith.constant 2 : i32
        %parallel_loop3A_307 = arith.constant 3 : i32
        %parallel_loop3A_308 = arith.index_cast %parallel_loop3A_306 : i32 to index
        %parallel_loop3A_309 = arith.index_cast %parallel_loop3A_307 : i32 to index
        %parallel_loop3A_310 = arith.index_cast %parallel_loop3A_110 : i32 to index
        %parallel_loop3A_311 = tpu.vector_load %arg6[%parallel_loop3A_308, %parallel_loop3A_309, %parallel_loop3A_310] {strides = array<i32>} : memref<4x16x512xf32, #tpu.memory_space<vmem>>, vector<1x1x16xf32>,
        %parallel_loop3A_312 = vector.shape_cast %parallel_loop3A_311 : vector<1x1x16xf32> to vector<16xf32>
        %parallel_loop3A_313 = vector.shape_cast %parallel_loop3A_305 : vector<16xf32> to vector<1x1x16xf32>
        tpu.vector_store %arg6[%parallel_loop3A_308, %parallel_loop3A_309, %parallel_loop3A_310], %parallel_loop3A_313 {strides = array<i32>} : memref<4x16x512xf32, #tpu.memory_space<vmem>>, vector<1x1x16xf32>,
        %parallel_loop3A_314 = arith.subf %parallel_loop3A_112, %parallel_loop3A_287 : vector<16xf32>
        %parallel_loop3A_315 = arith.constant 3 : i32
        %parallel_loop3A_316 = arith.constant 3 : i32
        %parallel_loop3A_317 = arith.index_cast %parallel_loop3A_315 : i32 to index
        %parallel_loop3A_318 = arith.index_cast %parallel_loop3A_316 : i32 to index
        %parallel_loop3A_319 = arith.index_cast %parallel_loop3A_110 : i32 to index
        %parallel_loop3A_320 = tpu.vector_load %arg6[%parallel_loop3A_317, %parallel_loop3A_318, %parallel_loop3A_319] {strides = array<i32>} : memref<4x16x512xf32, #tpu.memory_space<vmem>>, vector<1x1x16xf32>,
        %parallel_loop3A_321 = vector.shape_cast %parallel_loop3A_320 : vector<1x1x16xf32> to vector<16xf32>
        %parallel_loop3A_322 = vector.shape_cast %parallel_loop3A_314 : vector<16xf32> to vector<1x1x16xf32>
        tpu.vector_store %arg6[%parallel_loop3A_317, %parallel_loop3A_318, %parallel_loop3A_319], %parallel_loop3A_322 {strides = array<i32>} : memref<4x16x512xf32, #tpu.memory_space<vmem>>, vector<1x1x16xf32>,
        %parallel_loop3A_323 = arith.constant 4 : i32
        %parallel_loop3A_324 = arith.index_cast %parallel_loop3A_323 : i32 to index
        %parallel_loop3A_325 = arith.index_cast %parallel_loop3A_110 : i32 to index
        %parallel_loop3A_326 = tpu.vector_load %arg4[%parallel_loop3A_324, %parallel_loop3A_325] {strides = array<i32>} : memref<16x512xf32, #tpu.memory_space<vmem>>, vector<1x16xf32>,
        %parallel_loop3A_327 = vector.shape_cast %parallel_loop3A_326 : vector<1x16xf32> to vector<16xf32>
        %parallel_loop3A_328 = arith.constant 1.000000e-01 : f32
        %parallel_loop3A_329 = vector.broadcast %parallel_loop3A_328 : f32 to vector<16xf32>
        %parallel_loop3A_330 = arith.cmpf olt, %parallel_loop3A_327, %parallel_loop3A_329 : vector<16xf32>
        %parallel_loop3A_331 = arith.select %parallel_loop3A_330, %parallel_loop3A_112, %parallel_loop3A_114 : vector<16xi1>, vector<16xf32>
        %parallel_loop3A_332 = arith.constant 1.000000e+00 : f32
        %parallel_loop3A_333 = vector.broadcast %parallel_loop3A_332 : f32 to vector<16xf32>
        %parallel_loop3A_334 = arith.cmpf olt, %parallel_loop3A_327, %parallel_loop3A_333 : vector<16xf32>
        %parallel_loop3A_335 = arith.select %parallel_loop3A_334, %parallel_loop3A_112, %parallel_loop3A_114 : vector<16xi1>, vector<16xf32>
        %parallel_loop3A_336 = arith.constant 2.500000e+00 : f32
        %parallel_loop3A_337 = vector.broadcast %parallel_loop3A_336 : f32 to vector<16xf32>
        %parallel_loop3A_338 = arith.cmpf olt, %parallel_loop3A_327, %parallel_loop3A_337 : vector<16xf32>
        %parallel_loop3A_339 = arith.select %parallel_loop3A_338, %parallel_loop3A_112, %parallel_loop3A_114 : vector<16xi1>, vector<16xf32>
        %parallel_loop3A_340 = arith.constant 0 : i32
        %parallel_loop3A_341 = arith.constant 4 : i32
        %parallel_loop3A_342 = arith.index_cast %parallel_loop3A_340 : i32 to index
        %parallel_loop3A_343 = arith.index_cast %parallel_loop3A_341 : i32 to index
        %parallel_loop3A_344 = arith.index_cast %parallel_loop3A_110 : i32 to index
        %parallel_loop3A_345 = tpu.vector_load %arg6[%parallel_loop3A_342, %parallel_loop3A_343, %parallel_loop3A_344] {strides = array<i32>} : memref<4x16x512xf32, #tpu.memory_space<vmem>>, vector<1x1x16xf32>,
        %parallel_loop3A_346 = vector.shape_cast %parallel_loop3A_345 : vector<1x1x16xf32> to vector<16xf32>
        %parallel_loop3A_347 = vector.shape_cast %parallel_loop3A_331 : vector<16xf32> to vector<1x1x16xf32>
        tpu.vector_store %arg6[%parallel_loop3A_342, %parallel_loop3A_343, %parallel_loop3A_344], %parallel_loop3A_347 {strides = array<i32>} : memref<4x16x512xf32, #tpu.memory_space<vmem>>, vector<1x1x16xf32>,
        %parallel_loop3A_348 = arith.subf %parallel_loop3A_335, %parallel_loop3A_331 : vector<16xf32>
        %parallel_loop3A_349 = arith.constant 1 : i32
        %parallel_loop3A_350 = arith.constant 4 : i32
        %parallel_loop3A_351 = arith.index_cast %parallel_loop3A_349 : i32 to index
        %parallel_loop3A_352 = arith.index_cast %parallel_loop3A_350 : i32 to index
        %parallel_loop3A_353 = arith.index_cast %parallel_loop3A_110 : i32 to index
        %parallel_loop3A_354 = tpu.vector_load %arg6[%parallel_loop3A_351, %parallel_loop3A_352, %parallel_loop3A_353] {strides = array<i32>} : memref<4x16x512xf32, #tpu.memory_space<vmem>>, vector<1x1x16xf32>,
        %parallel_loop3A_355 = vector.shape_cast %parallel_loop3A_354 : vector<1x1x16xf32> to vector<16xf32>
        %parallel_loop3A_356 = vector.shape_cast %parallel_loop3A_348 : vector<16xf32> to vector<1x1x16xf32>
        tpu.vector_store %arg6[%parallel_loop3A_351, %parallel_loop3A_352, %parallel_loop3A_353], %parallel_loop3A_356 {strides = array<i32>} : memref<4x16x512xf32, #tpu.memory_space<vmem>>, vector<1x1x16xf32>,
        %parallel_loop3A_357 = arith.subf %parallel_loop3A_339, %parallel_loop3A_335 : vector<16xf32>
        %parallel_loop3A_358 = arith.constant 2 : i32
        %parallel_loop3A_359 = arith.constant 4 : i32
        %parallel_loop3A_360 = arith.index_cast %parallel_loop3A_358 : i32 to index
        %parallel_loop3A_361 = arith.index_cast %parallel_loop3A_359 : i32 to index
        %parallel_loop3A_362 = arith.index_cast %parallel_loop3A_110 : i32 to index
        %parallel_loop3A_363 = tpu.vector_load %arg6[%parallel_loop3A_360, %parallel_loop3A_361, %parallel_loop3A_362] {strides = array<i32>} : memref<4x16x512xf32, #tpu.memory_space<vmem>>, vector<1x1x16xf32>,
        %parallel_loop3A_364 = vector.shape_cast %parallel_loop3A_363 : vector<1x1x16xf32> to vector<16xf32>
        %parallel_loop3A_365 = vector.shape_cast %parallel_loop3A_357 : vector<16xf32> to vector<1x1x16xf32>
        tpu.vector_store %arg6[%parallel_loop3A_360, %parallel_loop3A_361, %parallel_loop3A_362], %parallel_loop3A_365 {strides = array<i32>} : memref<4x16x512xf32, #tpu.memory_space<vmem>>, vector<1x1x16xf32>,
        %parallel_loop3A_366 = arith.subf %parallel_loop3A_112, %parallel_loop3A_339 : vector<16xf32>
        %parallel_loop3A_367 = arith.constant 3 : i32
        %parallel_loop3A_368 = arith.constant 4 : i32
        %parallel_loop3A_369 = arith.index_cast %parallel_loop3A_367 : i32 to index
        %parallel_loop3A_370 = arith.index_cast %parallel_loop3A_368 : i32 to index
        %parallel_loop3A_371 = arith.index_cast %parallel_loop3A_110 : i32 to index
        %parallel_loop3A_372 = tpu.vector_load %arg6[%parallel_loop3A_369, %parallel_loop3A_370, %parallel_loop3A_371] {strides = array<i32>} : memref<4x16x512xf32, #tpu.memory_space<vmem>>, vector<1x1x16xf32>,
        %parallel_loop3A_373 = vector.shape_cast %parallel_loop3A_372 : vector<1x1x16xf32> to vector<16xf32>
        %parallel_loop3A_374 = vector.shape_cast %parallel_loop3A_366 : vector<16xf32> to vector<1x1x16xf32>
        tpu.vector_store %arg6[%parallel_loop3A_369, %parallel_loop3A_370, %parallel_loop3A_371], %parallel_loop3A_374 {strides = array<i32>} : memref<4x16x512xf32, #tpu.memory_space<vmem>>, vector<1x1x16xf32>,
        %parallel_loop3A_375 = arith.constant 5 : i32
        %parallel_loop3A_376 = arith.index_cast %parallel_loop3A_375 : i32 to index
        %parallel_loop3A_377 = arith.index_cast %parallel_loop3A_110 : i32 to index
        %parallel_loop3A_378 = tpu.vector_load %arg4[%parallel_loop3A_376, %parallel_loop3A_377] {strides = array<i32>} : memref<16x512xf32, #tpu.memory_space<vmem>>, vector<1x16xf32>,
        %parallel_loop3A_379 = vector.shape_cast %parallel_loop3A_378 : vector<1x16xf32> to vector<16xf32>
        %parallel_loop3A_380 = arith.constant 1.000000e-01 : f32
        %parallel_loop3A_381 = vector.broadcast %parallel_loop3A_380 : f32 to vector<16xf32>
        %parallel_loop3A_382 = arith.cmpf olt, %parallel_loop3A_379, %parallel_loop3A_381 : vector<16xf32>
        %parallel_loop3A_383 = arith.select %parallel_loop3A_382, %parallel_loop3A_112, %parallel_loop3A_114 : vector<16xi1>, vector<16xf32>
        %parallel_loop3A_384 = arith.constant 1.000000e+00 : f32
        %parallel_loop3A_385 = vector.broadcast %parallel_loop3A_384 : f32 to vector<16xf32>
        %parallel_loop3A_386 = arith.cmpf olt, %parallel_loop3A_379, %parallel_loop3A_385 : vector<16xf32>
        %parallel_loop3A_387 = arith.select %parallel_loop3A_386, %parallel_loop3A_112, %parallel_loop3A_114 : vector<16xi1>, vector<16xf32>
        %parallel_loop3A_388 = arith.constant 2.500000e+00 : f32
        %parallel_loop3A_389 = vector.broadcast %parallel_loop3A_388 : f32 to vector<16xf32>
        %parallel_loop3A_390 = arith.cmpf olt, %parallel_loop3A_379, %parallel_loop3A_389 : vector<16xf32>
        %parallel_loop3A_391 = arith.select %parallel_loop3A_390, %parallel_loop3A_112, %parallel_loop3A_114 : vector<16xi1>, vector<16xf32>
        %parallel_loop3A_392 = arith.constant 0 : i32
        %parallel_loop3A_393 = arith.constant 5 : i32
        %parallel_loop3A_394 = arith.index_cast %parallel_loop3A_392 : i32 to index
        %parallel_loop3A_395 = arith.index_cast %parallel_loop3A_393 : i32 to index
        %parallel_loop3A_396 = arith.index_cast %parallel_loop3A_110 : i32 to index
        %parallel_loop3A_397 = tpu.vector_load %arg6[%parallel_loop3A_394, %parallel_loop3A_395, %parallel_loop3A_396] {strides = array<i32>} : memref<4x16x512xf32, #tpu.memory_space<vmem>>, vector<1x1x16xf32>,
        %parallel_loop3A_398 = vector.shape_cast %parallel_loop3A_397 : vector<1x1x16xf32> to vector<16xf32>
        %parallel_loop3A_399 = vector.shape_cast %parallel_loop3A_383 : vector<16xf32> to vector<1x1x16xf32>
        tpu.vector_store %arg6[%parallel_loop3A_394, %parallel_loop3A_395, %parallel_loop3A_396], %parallel_loop3A_399 {strides = array<i32>} : memref<4x16x512xf32, #tpu.memory_space<vmem>>, vector<1x1x16xf32>,
        %parallel_loop3A_400 = arith.subf %parallel_loop3A_387, %parallel_loop3A_383 : vector<16xf32>
        %parallel_loop3A_401 = arith.constant 1 : i32
        %parallel_loop3A_402 = arith.constant 5 : i32
        %parallel_loop3A_403 = arith.index_cast %parallel_loop3A_401 : i32 to index
        %parallel_loop3A_404 = arith.index_cast %parallel_loop3A_402 : i32 to index
        %parallel_loop3A_405 = arith.index_cast %parallel_loop3A_110 : i32 to index
        %parallel_loop3A_406 = tpu.vector_load %arg6[%parallel_loop3A_403, %parallel_loop3A_404, %parallel_loop3A_405] {strides = array<i32>} : memref<4x16x512xf32, #tpu.memory_space<vmem>>, vector<1x1x16xf32>,
        %parallel_loop3A_407 = vector.shape_cast %parallel_loop3A_406 : vector<1x1x16xf32> to vector<16xf32>
        %parallel_loop3A_408 = vector.shape_cast %parallel_loop3A_400 : vector<16xf32> to vector<1x1x16xf32>
        tpu.vector_store %arg6[%parallel_loop3A_403, %parallel_loop3A_404, %parallel_loop3A_405], %parallel_loop3A_408 {strides = array<i32>} : memref<4x16x512xf32, #tpu.memory_space<vmem>>, vector<1x1x16xf32>,
        %parallel_loop3A_409 = arith.subf %parallel_loop3A_391, %parallel_loop3A_387 : vector<16xf32>
        %parallel_loop3A_410 = arith.constant 2 : i32
        %parallel_loop3A_411 = arith.constant 5 : i32
        %parallel_loop3A_412 = arith.index_cast %parallel_loop3A_410 : i32 to index
        %parallel_loop3A_413 = arith.index_cast %parallel_loop3A_411 : i32 to index
        %parallel_loop3A_414 = arith.index_cast %parallel_loop3A_110 : i32 to index
        %parallel_loop3A_415 = tpu.vector_load %arg6[%parallel_loop3A_412, %parallel_loop3A_413, %parallel_loop3A_414] {strides = array<i32>} : memref<4x16x512xf32, #tpu.memory_space<vmem>>, vector<1x1x16xf32>,
        %parallel_loop3A_416 = vector.shape_cast %parallel_loop3A_415 : vector<1x1x16xf32> to vector<16xf32>
        %parallel_loop3A_417 = vector.shape_cast %parallel_loop3A_409 : vector<16xf32> to vector<1x1x16xf32>
        tpu.vector_store %arg6[%parallel_loop3A_412, %parallel_loop3A_413, %parallel_loop3A_414], %parallel_loop3A_417 {strides = array<i32>} : memref<4x16x512xf32, #tpu.memory_space<vmem>>, vector<1x1x16xf32>,
        %parallel_loop3A_418 = arith.subf %parallel_loop3A_112, %parallel_loop3A_391 : vector<16xf32>
        %parallel_loop3A_419 = arith.constant 3 : i32
        %parallel_loop3A_420 = arith.constant 5 : i32
        %parallel_loop3A_421 = arith.index_cast %parallel_loop3A_419 : i32 to index
        %parallel_loop3A_422 = arith.index_cast %parallel_loop3A_420 : i32 to index
        %parallel_loop3A_423 = arith.index_cast %parallel_loop3A_110 : i32 to index
        %parallel_loop3A_424 = tpu.vector_load %arg6[%parallel_loop3A_421, %parallel_loop3A_422, %parallel_loop3A_423] {strides = array<i32>} : memref<4x16x512xf32, #tpu.memory_space<vmem>>, vector<1x1x16xf32>,
        %parallel_loop3A_425 = vector.shape_cast %parallel_loop3A_424 : vector<1x1x16xf32> to vector<16xf32>
        %parallel_loop3A_426 = vector.shape_cast %parallel_loop3A_418 : vector<16xf32> to vector<1x1x16xf32>
        tpu.vector_store %arg6[%parallel_loop3A_421, %parallel_loop3A_422, %parallel_loop3A_423], %parallel_loop3A_426 {strides = array<i32>} : memref<4x16x512xf32, #tpu.memory_space<vmem>>, vector<1x1x16xf32>,
        %parallel_loop3A_427 = arith.constant 6 : i32
        %parallel_loop3A_428 = arith.index_cast %parallel_loop3A_427 : i32 to index
        %parallel_loop3A_429 = arith.index_cast %parallel_loop3A_110 : i32 to index
        %parallel_loop3A_430 = tpu.vector_load %arg4[%parallel_loop3A_428, %parallel_loop3A_429] {strides = array<i32>} : memref<16x512xf32, #tpu.memory_space<vmem>>, vector<1x16xf32>,
        %parallel_loop3A_431 = vector.shape_cast %parallel_loop3A_430 : vector<1x16xf32> to vector<16xf32>
        %parallel_loop3A_432 = arith.constant 1.000000e-01 : f32
        %parallel_loop3A_433 = vector.broadcast %parallel_loop3A_432 : f32 to vector<16xf32>
        %parallel_loop3A_434 = arith.cmpf olt, %parallel_loop3A_431, %parallel_loop3A_433 : vector<16xf32>
        %parallel_loop3A_435 = arith.select %parallel_loop3A_434, %parallel_loop3A_112, %parallel_loop3A_114 : vector<16xi1>, vector<16xf32>
        %parallel_loop3A_436 = arith.constant 1.000000e+00 : f32
        %parallel_loop3A_437 = vector.broadcast %parallel_loop3A_436 : f32 to vector<16xf32>
        %parallel_loop3A_438 = arith.cmpf olt, %parallel_loop3A_431, %parallel_loop3A_437 : vector<16xf32>
        %parallel_loop3A_439 = arith.select %parallel_loop3A_438, %parallel_loop3A_112, %parallel_loop3A_114 : vector<16xi1>, vector<16xf32>
        %parallel_loop3A_440 = arith.constant 2.500000e+00 : f32
        %parallel_loop3A_441 = vector.broadcast %parallel_loop3A_440 : f32 to vector<16xf32>
        %parallel_loop3A_442 = arith.cmpf olt, %parallel_loop3A_431, %parallel_loop3A_441 : vector<16xf32>
        %parallel_loop3A_443 = arith.select %parallel_loop3A_442, %parallel_loop3A_112, %parallel_loop3A_114 : vector<16xi1>, vector<16xf32>
        %parallel_loop3A_444 = arith.constant 0 : i32
        %parallel_loop3A_445 = arith.constant 6 : i32
        %parallel_loop3A_446 = arith.index_cast %parallel_loop3A_444 : i32 to index
        %parallel_loop3A_447 = arith.index_cast %parallel_loop3A_445 : i32 to index
        %parallel_loop3A_448 = arith.index_cast %parallel_loop3A_110 : i32 to index
        %parallel_loop3A_449 = tpu.vector_load %arg6[%parallel_loop3A_446, %parallel_loop3A_447, %parallel_loop3A_448] {strides = array<i32>} : memref<4x16x512xf32, #tpu.memory_space<vmem>>, vector<1x1x16xf32>,
        %parallel_loop3A_450 = vector.shape_cast %parallel_loop3A_449 : vector<1x1x16xf32> to vector<16xf32>
        %parallel_loop3A_451 = vector.shape_cast %parallel_loop3A_435 : vector<16xf32> to vector<1x1x16xf32>
        tpu.vector_store %arg6[%parallel_loop3A_446, %parallel_loop3A_447, %parallel_loop3A_448], %parallel_loop3A_451 {strides = array<i32>} : memref<4x16x512xf32, #tpu.memory_space<vmem>>, vector<1x1x16xf32>,
        %parallel_loop3A_452 = arith.subf %parallel_loop3A_439, %parallel_loop3A_435 : vector<16xf32>
        %parallel_loop3A_453 = arith.constant 1 : i32
        %parallel_loop3A_454 = arith.constant 6 : i32
        %parallel_loop3A_455 = arith.index_cast %parallel_loop3A_453 : i32 to index
        %parallel_loop3A_456 = arith.index_cast %parallel_loop3A_454 : i32 to index
        %parallel_loop3A_457 = arith.index_cast %parallel_loop3A_110 : i32 to index
        %parallel_loop3A_458 = tpu.vector_load %arg6[%parallel_loop3A_455, %parallel_loop3A_456, %parallel_loop3A_457] {strides = array<i32>} : memref<4x16x512xf32, #tpu.memory_space<vmem>>, vector<1x1x16xf32>,
        %parallel_loop3A_459 = vector.shape_cast %parallel_loop3A_458 : vector<1x1x16xf32> to vector<16xf32>
        %parallel_loop3A_460 = vector.shape_cast %parallel_loop3A_452 : vector<16xf32> to vector<1x1x16xf32>
        tpu.vector_store %arg6[%parallel_loop3A_455, %parallel_loop3A_456, %parallel_loop3A_457], %parallel_loop3A_460 {strides = array<i32>} : memref<4x16x512xf32, #tpu.memory_space<vmem>>, vector<1x1x16xf32>,
        %parallel_loop3A_461 = arith.subf %parallel_loop3A_443, %parallel_loop3A_439 : vector<16xf32>
        %parallel_loop3A_462 = arith.constant 2 : i32
        %parallel_loop3A_463 = arith.constant 6 : i32
        %parallel_loop3A_464 = arith.index_cast %parallel_loop3A_462 : i32 to index
        %parallel_loop3A_465 = arith.index_cast %parallel_loop3A_463 : i32 to index
        %parallel_loop3A_466 = arith.index_cast %parallel_loop3A_110 : i32 to index
        %parallel_loop3A_467 = tpu.vector_load %arg6[%parallel_loop3A_464, %parallel_loop3A_465, %parallel_loop3A_466] {strides = array<i32>} : memref<4x16x512xf32, #tpu.memory_space<vmem>>, vector<1x1x16xf32>,
        %parallel_loop3A_468 = vector.shape_cast %parallel_loop3A_467 : vector<1x1x16xf32> to vector<16xf32>
        %parallel_loop3A_469 = vector.shape_cast %parallel_loop3A_461 : vector<16xf32> to vector<1x1x16xf32>
        tpu.vector_store %arg6[%parallel_loop3A_464, %parallel_loop3A_465, %parallel_loop3A_466], %parallel_loop3A_469 {strides = array<i32>} : memref<4x16x512xf32, #tpu.memory_space<vmem>>, vector<1x1x16xf32>,
        %parallel_loop3A_470 = arith.subf %parallel_loop3A_112, %parallel_loop3A_443 : vector<16xf32>
        %parallel_loop3A_471 = arith.constant 3 : i32
        %parallel_loop3A_472 = arith.constant 6 : i32
        %parallel_loop3A_473 = arith.index_cast %parallel_loop3A_471 : i32 to index
        %parallel_loop3A_474 = arith.index_cast %parallel_loop3A_472 : i32 to index
        %parallel_loop3A_475 = arith.index_cast %parallel_loop3A_110 : i32 to index
        %parallel_loop3A_476 = tpu.vector_load %arg6[%parallel_loop3A_473, %parallel_loop3A_474, %parallel_loop3A_475] {strides = array<i32>} : memref<4x16x512xf32, #tpu.memory_space<vmem>>, vector<1x1x16xf32>,
        %parallel_loop3A_477 = vector.shape_cast %parallel_loop3A_476 : vector<1x1x16xf32> to vector<16xf32>
        %parallel_loop3A_478 = vector.shape_cast %parallel_loop3A_470 : vector<16xf32> to vector<1x1x16xf32>
        tpu.vector_store %arg6[%parallel_loop3A_473, %parallel_loop3A_474, %parallel_loop3A_475], %parallel_loop3A_478 {strides = array<i32>} : memref<4x16x512xf32, #tpu.memory_space<vmem>>, vector<1x1x16xf32>,
        %parallel_loop3A_479 = arith.constant 7 : i32
        %parallel_loop3A_480 = arith.index_cast %parallel_loop3A_479 : i32 to index
        %parallel_loop3A_481 = arith.index_cast %parallel_loop3A_110 : i32 to index
        %parallel_loop3A_482 = tpu.vector_load %arg4[%parallel_loop3A_480, %parallel_loop3A_481] {strides = array<i32>} : memref<16x512xf32, #tpu.memory_space<vmem>>, vector<1x16xf32>,
        %parallel_loop3A_483 = vector.shape_cast %parallel_loop3A_482 : vector<1x16xf32> to vector<16xf32>
        %parallel_loop3A_484 = arith.constant 1.000000e-01 : f32
        %parallel_loop3A_485 = vector.broadcast %parallel_loop3A_484 : f32 to vector<16xf32>
        %parallel_loop3A_486 = arith.cmpf olt, %parallel_loop3A_483, %parallel_loop3A_485 : vector<16xf32>
        %parallel_loop3A_487 = arith.select %parallel_loop3A_486, %parallel_loop3A_112, %parallel_loop3A_114 : vector<16xi1>, vector<16xf32>
        %parallel_loop3A_488 = arith.constant 1.000000e+00 : f32
        %parallel_loop3A_489 = vector.broadcast %parallel_loop3A_488 : f32 to vector<16xf32>
        %parallel_loop3A_490 = arith.cmpf olt, %parallel_loop3A_483, %parallel_loop3A_489 : vector<16xf32>
        %parallel_loop3A_491 = arith.select %parallel_loop3A_490, %parallel_loop3A_112, %parallel_loop3A_114 : vector<16xi1>, vector<16xf32>
        %parallel_loop3A_492 = arith.constant 2.500000e+00 : f32
        %parallel_loop3A_493 = vector.broadcast %parallel_loop3A_492 : f32 to vector<16xf32>
        %parallel_loop3A_494 = arith.cmpf olt, %parallel_loop3A_483, %parallel_loop3A_493 : vector<16xf32>
        %parallel_loop3A_495 = arith.select %parallel_loop3A_494, %parallel_loop3A_112, %parallel_loop3A_114 : vector<16xi1>, vector<16xf32>
        %parallel_loop3A_496 = arith.constant 0 : i32
        %parallel_loop3A_497 = arith.constant 7 : i32
        %parallel_loop3A_498 = arith.index_cast %parallel_loop3A_496 : i32 to index
        %parallel_loop3A_499 = arith.index_cast %parallel_loop3A_497 : i32 to index
        %parallel_loop3A_500 = arith.index_cast %parallel_loop3A_110 : i32 to index
        %parallel_loop3A_501 = tpu.vector_load %arg6[%parallel_loop3A_498, %parallel_loop3A_499, %parallel_loop3A_500] {strides = array<i32>} : memref<4x16x512xf32, #tpu.memory_space<vmem>>, vector<1x1x16xf32>,
        %parallel_loop3A_502 = vector.shape_cast %parallel_loop3A_501 : vector<1x1x16xf32> to vector<16xf32>
        %parallel_loop3A_503 = vector.shape_cast %parallel_loop3A_487 : vector<16xf32> to vector<1x1x16xf32>
        tpu.vector_store %arg6[%parallel_loop3A_498, %parallel_loop3A_499, %parallel_loop3A_500], %parallel_loop3A_503 {strides = array<i32>} : memref<4x16x512xf32, #tpu.memory_space<vmem>>, vector<1x1x16xf32>,
        %parallel_loop3A_504 = arith.subf %parallel_loop3A_491, %parallel_loop3A_487 : vector<16xf32>
        %parallel_loop3A_505 = arith.constant 1 : i32
        %parallel_loop3A_506 = arith.constant 7 : i32
        %parallel_loop3A_507 = arith.index_cast %parallel_loop3A_505 : i32 to index
        %parallel_loop3A_508 = arith.index_cast %parallel_loop3A_506 : i32 to index
        %parallel_loop3A_509 = arith.index_cast %parallel_loop3A_110 : i32 to index
        %parallel_loop3A_510 = tpu.vector_load %arg6[%parallel_loop3A_507, %parallel_loop3A_508, %parallel_loop3A_509] {strides = array<i32>} : memref<4x16x512xf32, #tpu.memory_space<vmem>>, vector<1x1x16xf32>,
        %parallel_loop3A_511 = vector.shape_cast %parallel_loop3A_510 : vector<1x1x16xf32> to vector<16xf32>
        %parallel_loop3A_512 = vector.shape_cast %parallel_loop3A_504 : vector<16xf32> to vector<1x1x16xf32>
        tpu.vector_store %arg6[%parallel_loop3A_507, %parallel_loop3A_508, %parallel_loop3A_509], %parallel_loop3A_512 {strides = array<i32>} : memref<4x16x512xf32, #tpu.memory_space<vmem>>, vector<1x1x16xf32>,
        %parallel_loop3A_513 = arith.subf %parallel_loop3A_495, %parallel_loop3A_491 : vector<16xf32>
        %parallel_loop3A_514 = arith.constant 2 : i32
        %parallel_loop3A_515 = arith.constant 7 : i32
        %parallel_loop3A_516 = arith.index_cast %parallel_loop3A_514 : i32 to index
        %parallel_loop3A_517 = arith.index_cast %parallel_loop3A_515 : i32 to index
        %parallel_loop3A_518 = arith.index_cast %parallel_loop3A_110 : i32 to index
        %parallel_loop3A_519 = tpu.vector_load %arg6[%parallel_loop3A_516, %parallel_loop3A_517, %parallel_loop3A_518] {strides = array<i32>} : memref<4x16x512xf32, #tpu.memory_space<vmem>>, vector<1x1x16xf32>,
        %parallel_loop3A_520 = vector.shape_cast %parallel_loop3A_519 : vector<1x1x16xf32> to vector<16xf32>
        %parallel_loop3A_521 = vector.shape_cast %parallel_loop3A_513 : vector<16xf32> to vector<1x1x16xf32>
        tpu.vector_store %arg6[%parallel_loop3A_516, %parallel_loop3A_517, %parallel_loop3A_518], %parallel_loop3A_521 {strides = array<i32>} : memref<4x16x512xf32, #tpu.memory_space<vmem>>, vector<1x1x16xf32>,
        %parallel_loop3A_522 = arith.subf %parallel_loop3A_112, %parallel_loop3A_495 : vector<16xf32>
        %parallel_loop3A_523 = arith.constant 3 : i32
        %parallel_loop3A_524 = arith.constant 7 : i32
        %parallel_loop3A_525 = arith.index_cast %parallel_loop3A_523 : i32 to index
        %parallel_loop3A_526 = arith.index_cast %parallel_loop3A_524 : i32 to index
        %parallel_loop3A_527 = arith.index_cast %parallel_loop3A_110 : i32 to index
        %parallel_loop3A_528 = tpu.vector_load %arg6[%parallel_loop3A_525, %parallel_loop3A_526, %parallel_loop3A_527] {strides = array<i32>} : memref<4x16x512xf32, #tpu.memory_space<vmem>>, vector<1x1x16xf32>,
        %parallel_loop3A_529 = vector.shape_cast %parallel_loop3A_528 : vector<1x1x16xf32> to vector<16xf32>
        %parallel_loop3A_530 = vector.shape_cast %parallel_loop3A_522 : vector<16xf32> to vector<1x1x16xf32>
        tpu.vector_store %arg6[%parallel_loop3A_525, %parallel_loop3A_526, %parallel_loop3A_527], %parallel_loop3A_530 {strides = array<i32>} : memref<4x16x512xf32, #tpu.memory_space<vmem>>, vector<1x1x16xf32>,
        %parallel_loop3A_531 = arith.constant 8 : i32
        %parallel_loop3A_532 = arith.index_cast %parallel_loop3A_531 : i32 to index
        %parallel_loop3A_533 = arith.index_cast %parallel_loop3A_110 : i32 to index
        %parallel_loop3A_534 = tpu.vector_load %arg4[%parallel_loop3A_532, %parallel_loop3A_533] {strides = array<i32>} : memref<16x512xf32, #tpu.memory_space<vmem>>, vector<1x16xf32>,
        %parallel_loop3A_535 = vector.shape_cast %parallel_loop3A_534 : vector<1x16xf32> to vector<16xf32>
        %parallel_loop3A_536 = arith.constant 1.000000e-01 : f32
        %parallel_loop3A_537 = vector.broadcast %parallel_loop3A_536 : f32 to vector<16xf32>
        %parallel_loop3A_538 = arith.cmpf olt, %parallel_loop3A_535, %parallel_loop3A_537 : vector<16xf32>
        %parallel_loop3A_539 = arith.select %parallel_loop3A_538, %parallel_loop3A_112, %parallel_loop3A_114 : vector<16xi1>, vector<16xf32>
        %parallel_loop3A_540 = arith.constant 1.000000e+00 : f32
        %parallel_loop3A_541 = vector.broadcast %parallel_loop3A_540 : f32 to vector<16xf32>
        %parallel_loop3A_542 = arith.cmpf olt, %parallel_loop3A_535, %parallel_loop3A_541 : vector<16xf32>
        %parallel_loop3A_543 = arith.select %parallel_loop3A_542, %parallel_loop3A_112, %parallel_loop3A_114 : vector<16xi1>, vector<16xf32>
        %parallel_loop3A_544 = arith.constant 2.500000e+00 : f32
        %parallel_loop3A_545 = vector.broadcast %parallel_loop3A_544 : f32 to vector<16xf32>
        %parallel_loop3A_546 = arith.cmpf olt, %parallel_loop3A_535, %parallel_loop3A_545 : vector<16xf32>
        %parallel_loop3A_547 = arith.select %parallel_loop3A_546, %parallel_loop3A_112, %parallel_loop3A_114 : vector<16xi1>, vector<16xf32>
        %parallel_loop3A_548 = arith.constant 0 : i32
        %parallel_loop3A_549 = arith.constant 8 : i32
        %parallel_loop3A_550 = arith.index_cast %parallel_loop3A_548 : i32 to index
        %parallel_loop3A_551 = arith.index_cast %parallel_loop3A_549 : i32 to index
        %parallel_loop3A_552 = arith.index_cast %parallel_loop3A_110 : i32 to index
        %parallel_loop3A_553 = tpu.vector_load %arg6[%parallel_loop3A_550, %parallel_loop3A_551, %parallel_loop3A_552] {strides = array<i32>} : memref<4x16x512xf32, #tpu.memory_space<vmem>>, vector<1x1x16xf32>,
        %parallel_loop3A_554 = vector.shape_cast %parallel_loop3A_553 : vector<1x1x16xf32> to vector<16xf32>
        %parallel_loop3A_555 = vector.shape_cast %parallel_loop3A_539 : vector<16xf32> to vector<1x1x16xf32>
        tpu.vector_store %arg6[%parallel_loop3A_550, %parallel_loop3A_551, %parallel_loop3A_552], %parallel_loop3A_555 {strides = array<i32>} : memref<4x16x512xf32, #tpu.memory_space<vmem>>, vector<1x1x16xf32>,
        %parallel_loop3A_556 = arith.subf %parallel_loop3A_543, %parallel_loop3A_539 : vector<16xf32>
        %parallel_loop3A_557 = arith.constant 1 : i32
        %parallel_loop3A_558 = arith.constant 8 : i32
        %parallel_loop3A_559 = arith.index_cast %parallel_loop3A_557 : i32 to index
        %parallel_loop3A_560 = arith.index_cast %parallel_loop3A_558 : i32 to index
        %parallel_loop3A_561 = arith.index_cast %parallel_loop3A_110 : i32 to index
        %parallel_loop3A_562 = tpu.vector_load %arg6[%parallel_loop3A_559, %parallel_loop3A_560, %parallel_loop3A_561] {strides = array<i32>} : memref<4x16x512xf32, #tpu.memory_space<vmem>>, vector<1x1x16xf32>,
        %parallel_loop3A_563 = vector.shape_cast %parallel_loop3A_562 : vector<1x1x16xf32> to vector<16xf32>
        %parallel_loop3A_564 = vector.shape_cast %parallel_loop3A_556 : vector<16xf32> to vector<1x1x16xf32>
        tpu.vector_store %arg6[%parallel_loop3A_559, %parallel_loop3A_560, %parallel_loop3A_561], %parallel_loop3A_564 {strides = array<i32>} : memref<4x16x512xf32, #tpu.memory_space<vmem>>, vector<1x1x16xf32>,
        %parallel_loop3A_565 = arith.subf %parallel_loop3A_547, %parallel_loop3A_543 : vector<16xf32>
        %parallel_loop3A_566 = arith.constant 2 : i32
        %parallel_loop3A_567 = arith.constant 8 : i32
        %parallel_loop3A_568 = arith.index_cast %parallel_loop3A_566 : i32 to index
        %parallel_loop3A_569 = arith.index_cast %parallel_loop3A_567 : i32 to index
        %parallel_loop3A_570 = arith.index_cast %parallel_loop3A_110 : i32 to index
        %parallel_loop3A_571 = tpu.vector_load %arg6[%parallel_loop3A_568, %parallel_loop3A_569, %parallel_loop3A_570] {strides = array<i32>} : memref<4x16x512xf32, #tpu.memory_space<vmem>>, vector<1x1x16xf32>,
        %parallel_loop3A_572 = vector.shape_cast %parallel_loop3A_571 : vector<1x1x16xf32> to vector<16xf32>
        %parallel_loop3A_573 = vector.shape_cast %parallel_loop3A_565 : vector<16xf32> to vector<1x1x16xf32>
        tpu.vector_store %arg6[%parallel_loop3A_568, %parallel_loop3A_569, %parallel_loop3A_570], %parallel_loop3A_573 {strides = array<i32>} : memref<4x16x512xf32, #tpu.memory_space<vmem>>, vector<1x1x16xf32>,
        %parallel_loop3A_574 = arith.subf %parallel_loop3A_112, %parallel_loop3A_547 : vector<16xf32>
        %parallel_loop3A_575 = arith.constant 3 : i32
        %parallel_loop3A_576 = arith.constant 8 : i32
        %parallel_loop3A_577 = arith.index_cast %parallel_loop3A_575 : i32 to index
        %parallel_loop3A_578 = arith.index_cast %parallel_loop3A_576 : i32 to index
        %parallel_loop3A_579 = arith.index_cast %parallel_loop3A_110 : i32 to index
        %parallel_loop3A_580 = tpu.vector_load %arg6[%parallel_loop3A_577, %parallel_loop3A_578, %parallel_loop3A_579] {strides = array<i32>} : memref<4x16x512xf32, #tpu.memory_space<vmem>>, vector<1x1x16xf32>,
        %parallel_loop3A_581 = vector.shape_cast %parallel_loop3A_580 : vector<1x1x16xf32> to vector<16xf32>
        %parallel_loop3A_582 = vector.shape_cast %parallel_loop3A_574 : vector<16xf32> to vector<1x1x16xf32>
        tpu.vector_store %arg6[%parallel_loop3A_577, %parallel_loop3A_578, %parallel_loop3A_579], %parallel_loop3A_582 {strides = array<i32>} : memref<4x16x512xf32, #tpu.memory_space<vmem>>, vector<1x1x16xf32>,
        %parallel_loop3A_583 = arith.constant 9 : i32
        %parallel_loop3A_584 = arith.index_cast %parallel_loop3A_583 : i32 to index
        %parallel_loop3A_585 = arith.index_cast %parallel_loop3A_110 : i32 to index
        %parallel_loop3A_586 = tpu.vector_load %arg4[%parallel_loop3A_584, %parallel_loop3A_585] {strides = array<i32>} : memref<16x512xf32, #tpu.memory_space<vmem>>, vector<1x16xf32>,
        %parallel_loop3A_587 = vector.shape_cast %parallel_loop3A_586 : vector<1x16xf32> to vector<16xf32>
        %parallel_loop3A_588 = arith.constant 1.000000e-01 : f32
        %parallel_loop3A_589 = vector.broadcast %parallel_loop3A_588 : f32 to vector<16xf32>
        %parallel_loop3A_590 = arith.cmpf olt, %parallel_loop3A_587, %parallel_loop3A_589 : vector<16xf32>
        %parallel_loop3A_591 = arith.select %parallel_loop3A_590, %parallel_loop3A_112, %parallel_loop3A_114 : vector<16xi1>, vector<16xf32>
        %parallel_loop3A_592 = arith.constant 1.000000e+00 : f32
        %parallel_loop3A_593 = vector.broadcast %parallel_loop3A_592 : f32 to vector<16xf32>
        %parallel_loop3A_594 = arith.cmpf olt, %parallel_loop3A_587, %parallel_loop3A_593 : vector<16xf32>
        %parallel_loop3A_595 = arith.select %parallel_loop3A_594, %parallel_loop3A_112, %parallel_loop3A_114 : vector<16xi1>, vector<16xf32>
        %parallel_loop3A_596 = arith.constant 2.500000e+00 : f32
        %parallel_loop3A_597 = vector.broadcast %parallel_loop3A_596 : f32 to vector<16xf32>
        %parallel_loop3A_598 = arith.cmpf olt, %parallel_loop3A_587, %parallel_loop3A_597 : vector<16xf32>
        %parallel_loop3A_599 = arith.select %parallel_loop3A_598, %parallel_loop3A_112, %parallel_loop3A_114 : vector<16xi1>, vector<16xf32>
        %parallel_loop3A_600 = arith.constant 0 : i32
        %parallel_loop3A_601 = arith.constant 9 : i32
        %parallel_loop3A_602 = arith.index_cast %parallel_loop3A_600 : i32 to index
        %parallel_loop3A_603 = arith.index_cast %parallel_loop3A_601 : i32 to index
        %parallel_loop3A_604 = arith.index_cast %parallel_loop3A_110 : i32 to index
        %parallel_loop3A_605 = tpu.vector_load %arg6[%parallel_loop3A_602, %parallel_loop3A_603, %parallel_loop3A_604] {strides = array<i32>} : memref<4x16x512xf32, #tpu.memory_space<vmem>>, vector<1x1x16xf32>,
        %parallel_loop3A_606 = vector.shape_cast %parallel_loop3A_605 : vector<1x1x16xf32> to vector<16xf32>
        %parallel_loop3A_607 = vector.shape_cast %parallel_loop3A_591 : vector<16xf32> to vector<1x1x16xf32>
        tpu.vector_store %arg6[%parallel_loop3A_602, %parallel_loop3A_603, %parallel_loop3A_604], %parallel_loop3A_607 {strides = array<i32>} : memref<4x16x512xf32, #tpu.memory_space<vmem>>, vector<1x1x16xf32>,
        %parallel_loop3A_608 = arith.subf %parallel_loop3A_595, %parallel_loop3A_591 : vector<16xf32>
        %parallel_loop3A_609 = arith.constant 1 : i32
        %parallel_loop3A_610 = arith.constant 9 : i32
        %parallel_loop3A_611 = arith.index_cast %parallel_loop3A_609 : i32 to index
        %parallel_loop3A_612 = arith.index_cast %parallel_loop3A_610 : i32 to index
        %parallel_loop3A_613 = arith.index_cast %parallel_loop3A_110 : i32 to index
        %parallel_loop3A_614 = tpu.vector_load %arg6[%parallel_loop3A_611, %parallel_loop3A_612, %parallel_loop3A_613] {strides = array<i32>} : memref<4x16x512xf32, #tpu.memory_space<vmem>>, vector<1x1x16xf32>,
        %parallel_loop3A_615 = vector.shape_cast %parallel_loop3A_614 : vector<1x1x16xf32> to vector<16xf32>
        %parallel_loop3A_616 = vector.shape_cast %parallel_loop3A_608 : vector<16xf32> to vector<1x1x16xf32>
        tpu.vector_store %arg6[%parallel_loop3A_611, %parallel_loop3A_612, %parallel_loop3A_613], %parallel_loop3A_616 {strides = array<i32>} : memref<4x16x512xf32, #tpu.memory_space<vmem>>, vector<1x1x16xf32>,
        %parallel_loop3A_617 = arith.subf %parallel_loop3A_599, %parallel_loop3A_595 : vector<16xf32>
        %parallel_loop3A_618 = arith.constant 2 : i32
        %parallel_loop3A_619 = arith.constant 9 : i32
        %parallel_loop3A_620 = arith.index_cast %parallel_loop3A_618 : i32 to index
        %parallel_loop3A_621 = arith.index_cast %parallel_loop3A_619 : i32 to index
        %parallel_loop3A_622 = arith.index_cast %parallel_loop3A_110 : i32 to index
        %parallel_loop3A_623 = tpu.vector_load %arg6[%parallel_loop3A_620, %parallel_loop3A_621, %parallel_loop3A_622] {strides = array<i32>} : memref<4x16x512xf32, #tpu.memory_space<vmem>>, vector<1x1x16xf32>,
        %parallel_loop3A_624 = vector.shape_cast %parallel_loop3A_623 : vector<1x1x16xf32> to vector<16xf32>
        %parallel_loop3A_625 = vector.shape_cast %parallel_loop3A_617 : vector<16xf32> to vector<1x1x16xf32>
        tpu.vector_store %arg6[%parallel_loop3A_620, %parallel_loop3A_621, %parallel_loop3A_622], %parallel_loop3A_625 {strides = array<i32>} : memref<4x16x512xf32, #tpu.memory_space<vmem>>, vector<1x1x16xf32>,
        %parallel_loop3A_626 = arith.subf %parallel_loop3A_112, %parallel_loop3A_599 : vector<16xf32>
        %parallel_loop3A_627 = arith.constant 3 : i32
        %parallel_loop3A_628 = arith.constant 9 : i32
        %parallel_loop3A_629 = arith.index_cast %parallel_loop3A_627 : i32 to index
        %parallel_loop3A_630 = arith.index_cast %parallel_loop3A_628 : i32 to index
        %parallel_loop3A_631 = arith.index_cast %parallel_loop3A_110 : i32 to index
        %parallel_loop3A_632 = tpu.vector_load %arg6[%parallel_loop3A_629, %parallel_loop3A_630, %parallel_loop3A_631] {strides = array<i32>} : memref<4x16x512xf32, #tpu.memory_space<vmem>>, vector<1x1x16xf32>,
        %parallel_loop3A_633 = vector.shape_cast %parallel_loop3A_632 : vector<1x1x16xf32> to vector<16xf32>
        %parallel_loop3A_634 = vector.shape_cast %parallel_loop3A_626 : vector<16xf32> to vector<1x1x16xf32>
        tpu.vector_store %arg6[%parallel_loop3A_629, %parallel_loop3A_630, %parallel_loop3A_631], %parallel_loop3A_634 {strides = array<i32>} : memref<4x16x512xf32, #tpu.memory_space<vmem>>, vector<1x1x16xf32>,
        %parallel_loop3A_635 = arith.constant 10 : i32
        %parallel_loop3A_636 = arith.index_cast %parallel_loop3A_635 : i32 to index
        %parallel_loop3A_637 = arith.index_cast %parallel_loop3A_110 : i32 to index
        %parallel_loop3A_638 = tpu.vector_load %arg4[%parallel_loop3A_636, %parallel_loop3A_637] {strides = array<i32>} : memref<16x512xf32, #tpu.memory_space<vmem>>, vector<1x16xf32>,
        %parallel_loop3A_639 = vector.shape_cast %parallel_loop3A_638 : vector<1x16xf32> to vector<16xf32>
        %parallel_loop3A_640 = arith.constant 1.000000e-01 : f32
        %parallel_loop3A_641 = vector.broadcast %parallel_loop3A_640 : f32 to vector<16xf32>
        %parallel_loop3A_642 = arith.cmpf olt, %parallel_loop3A_639, %parallel_loop3A_641 : vector<16xf32>
        %parallel_loop3A_643 = arith.select %parallel_loop3A_642, %parallel_loop3A_112, %parallel_loop3A_114 : vector<16xi1>, vector<16xf32>
        %parallel_loop3A_644 = arith.constant 1.000000e+00 : f32
        %parallel_loop3A_645 = vector.broadcast %parallel_loop3A_644 : f32 to vector<16xf32>
        %parallel_loop3A_646 = arith.cmpf olt, %parallel_loop3A_639, %parallel_loop3A_645 : vector<16xf32>
        %parallel_loop3A_647 = arith.select %parallel_loop3A_646, %parallel_loop3A_112, %parallel_loop3A_114 : vector<16xi1>, vector<16xf32>
        %parallel_loop3A_648 = arith.constant 2.500000e+00 : f32
        %parallel_loop3A_649 = vector.broadcast %parallel_loop3A_648 : f32 to vector<16xf32>
        %parallel_loop3A_650 = arith.cmpf olt, %parallel_loop3A_639, %parallel_loop3A_649 : vector<16xf32>
        %parallel_loop3A_651 = arith.select %parallel_loop3A_650, %parallel_loop3A_112, %parallel_loop3A_114 : vector<16xi1>, vector<16xf32>
        %parallel_loop3A_652 = arith.constant 0 : i32
        %parallel_loop3A_653 = arith.constant 10 : i32
        %parallel_loop3A_654 = arith.index_cast %parallel_loop3A_652 : i32 to index
        %parallel_loop3A_655 = arith.index_cast %parallel_loop3A_653 : i32 to index
        %parallel_loop3A_656 = arith.index_cast %parallel_loop3A_110 : i32 to index
        %parallel_loop3A_657 = tpu.vector_load %arg6[%parallel_loop3A_654, %parallel_loop3A_655, %parallel_loop3A_656] {strides = array<i32>} : memref<4x16x512xf32, #tpu.memory_space<vmem>>, vector<1x1x16xf32>,
        %parallel_loop3A_658 = vector.shape_cast %parallel_loop3A_657 : vector<1x1x16xf32> to vector<16xf32>
        %parallel_loop3A_659 = vector.shape_cast %parallel_loop3A_643 : vector<16xf32> to vector<1x1x16xf32>
        tpu.vector_store %arg6[%parallel_loop3A_654, %parallel_loop3A_655, %parallel_loop3A_656], %parallel_loop3A_659 {strides = array<i32>} : memref<4x16x512xf32, #tpu.memory_space<vmem>>, vector<1x1x16xf32>,
        %parallel_loop3A_660 = arith.subf %parallel_loop3A_647, %parallel_loop3A_643 : vector<16xf32>
        %parallel_loop3A_661 = arith.constant 1 : i32
        %parallel_loop3A_662 = arith.constant 10 : i32
        %parallel_loop3A_663 = arith.index_cast %parallel_loop3A_661 : i32 to index
        %parallel_loop3A_664 = arith.index_cast %parallel_loop3A_662 : i32 to index
        %parallel_loop3A_665 = arith.index_cast %parallel_loop3A_110 : i32 to index
        %parallel_loop3A_666 = tpu.vector_load %arg6[%parallel_loop3A_663, %parallel_loop3A_664, %parallel_loop3A_665] {strides = array<i32>} : memref<4x16x512xf32, #tpu.memory_space<vmem>>, vector<1x1x16xf32>,
        %parallel_loop3A_667 = vector.shape_cast %parallel_loop3A_666 : vector<1x1x16xf32> to vector<16xf32>
        %parallel_loop3A_668 = vector.shape_cast %parallel_loop3A_660 : vector<16xf32> to vector<1x1x16xf32>
        tpu.vector_store %arg6[%parallel_loop3A_663, %parallel_loop3A_664, %parallel_loop3A_665], %parallel_loop3A_668 {strides = array<i32>} : memref<4x16x512xf32, #tpu.memory_space<vmem>>, vector<1x1x16xf32>,
        %parallel_loop3A_669 = arith.subf %parallel_loop3A_651, %parallel_loop3A_647 : vector<16xf32>
        %parallel_loop3A_670 = arith.constant 2 : i32
        %parallel_loop3A_671 = arith.constant 10 : i32
        %parallel_loop3A_672 = arith.index_cast %parallel_loop3A_670 : i32 to index
        %parallel_loop3A_673 = arith.index_cast %parallel_loop3A_671 : i32 to index
        %parallel_loop3A_674 = arith.index_cast %parallel_loop3A_110 : i32 to index
        %parallel_loop3A_675 = tpu.vector_load %arg6[%parallel_loop3A_672, %parallel_loop3A_673, %parallel_loop3A_674] {strides = array<i32>} : memref<4x16x512xf32, #tpu.memory_space<vmem>>, vector<1x1x16xf32>,
        %parallel_loop3A_676 = vector.shape_cast %parallel_loop3A_675 : vector<1x1x16xf32> to vector<16xf32>
        %parallel_loop3A_677 = vector.shape_cast %parallel_loop3A_669 : vector<16xf32> to vector<1x1x16xf32>
        tpu.vector_store %arg6[%parallel_loop3A_672, %parallel_loop3A_673, %parallel_loop3A_674], %parallel_loop3A_677 {strides = array<i32>} : memref<4x16x512xf32, #tpu.memory_space<vmem>>, vector<1x1x16xf32>,
        %parallel_loop3A_678 = arith.subf %parallel_loop3A_112, %parallel_loop3A_651 : vector<16xf32>
        %parallel_loop3A_679 = arith.constant 3 : i32
        %parallel_loop3A_680 = arith.constant 10 : i32
        %parallel_loop3A_681 = arith.index_cast %parallel_loop3A_679 : i32 to index
        %parallel_loop3A_682 = arith.index_cast %parallel_loop3A_680 : i32 to index
        %parallel_loop3A_683 = arith.index_cast %parallel_loop3A_110 : i32 to index
        %parallel_loop3A_684 = tpu.vector_load %arg6[%parallel_loop3A_681, %parallel_loop3A_682, %parallel_loop3A_683] {strides = array<i32>} : memref<4x16x512xf32, #tpu.memory_space<vmem>>, vector<1x1x16xf32>,
        %parallel_loop3A_685 = vector.shape_cast %parallel_loop3A_684 : vector<1x1x16xf32> to vector<16xf32>
        %parallel_loop3A_686 = vector.shape_cast %parallel_loop3A_678 : vector<16xf32> to vector<1x1x16xf32>
        tpu.vector_store %arg6[%parallel_loop3A_681, %parallel_loop3A_682, %parallel_loop3A_683], %parallel_loop3A_686 {strides = array<i32>} : memref<4x16x512xf32, #tpu.memory_space<vmem>>, vector<1x1x16xf32>,
        %parallel_loop3A_687 = arith.constant 11 : i32
        %parallel_loop3A_688 = arith.index_cast %parallel_loop3A_687 : i32 to index
        %parallel_loop3A_689 = arith.index_cast %parallel_loop3A_110 : i32 to index
        %parallel_loop3A_690 = tpu.vector_load %arg4[%parallel_loop3A_688, %parallel_loop3A_689] {strides = array<i32>} : memref<16x512xf32, #tpu.memory_space<vmem>>, vector<1x16xf32>,
        %parallel_loop3A_691 = vector.shape_cast %parallel_loop3A_690 : vector<1x16xf32> to vector<16xf32>
        %parallel_loop3A_692 = arith.constant 1.000000e-01 : f32
        %parallel_loop3A_693 = vector.broadcast %parallel_loop3A_692 : f32 to vector<16xf32>
        %parallel_loop3A_694 = arith.cmpf olt, %parallel_loop3A_691, %parallel_loop3A_693 : vector<16xf32>
        %parallel_loop3A_695 = arith.select %parallel_loop3A_694, %parallel_loop3A_112, %parallel_loop3A_114 : vector<16xi1>, vector<16xf32>
        %parallel_loop3A_696 = arith.constant 1.000000e+00 : f32
        %parallel_loop3A_697 = vector.broadcast %parallel_loop3A_696 : f32 to vector<16xf32>
        %parallel_loop3A_698 = arith.cmpf olt, %parallel_loop3A_691, %parallel_loop3A_697 : vector<16xf32>
        %parallel_loop3A_699 = arith.select %parallel_loop3A_698, %parallel_loop3A_112, %parallel_loop3A_114 : vector<16xi1>, vector<16xf32>
        %parallel_loop3A_700 = arith.constant 2.500000e+00 : f32
        %parallel_loop3A_701 = vector.broadcast %parallel_loop3A_700 : f32 to vector<16xf32>
        %parallel_loop3A_702 = arith.cmpf olt, %parallel_loop3A_691, %parallel_loop3A_701 : vector<16xf32>
        %parallel_loop3A_703 = arith.select %parallel_loop3A_702, %parallel_loop3A_112, %parallel_loop3A_114 : vector<16xi1>, vector<16xf32>
        %parallel_loop3A_704 = arith.constant 0 : i32
        %parallel_loop3A_705 = arith.constant 11 : i32
        %parallel_loop3A_706 = arith.index_cast %parallel_loop3A_704 : i32 to index
        %parallel_loop3A_707 = arith.index_cast %parallel_loop3A_705 : i32 to index
        %parallel_loop3A_708 = arith.index_cast %parallel_loop3A_110 : i32 to index
        %parallel_loop3A_709 = tpu.vector_load %arg6[%parallel_loop3A_706, %parallel_loop3A_707, %parallel_loop3A_708] {strides = array<i32>} : memref<4x16x512xf32, #tpu.memory_space<vmem>>, vector<1x1x16xf32>,
        %parallel_loop3A_710 = vector.shape_cast %parallel_loop3A_709 : vector<1x1x16xf32> to vector<16xf32>
        %parallel_loop3A_711 = vector.shape_cast %parallel_loop3A_695 : vector<16xf32> to vector<1x1x16xf32>
        tpu.vector_store %arg6[%parallel_loop3A_706, %parallel_loop3A_707, %parallel_loop3A_708], %parallel_loop3A_711 {strides = array<i32>} : memref<4x16x512xf32, #tpu.memory_space<vmem>>, vector<1x1x16xf32>,
        %parallel_loop3A_712 = arith.subf %parallel_loop3A_699, %parallel_loop3A_695 : vector<16xf32>
        %parallel_loop3A_713 = arith.constant 1 : i32
        %parallel_loop3A_714 = arith.constant 11 : i32
        %parallel_loop3A_715 = arith.index_cast %parallel_loop3A_713 : i32 to index
        %parallel_loop3A_716 = arith.index_cast %parallel_loop3A_714 : i32 to index
        %parallel_loop3A_717 = arith.index_cast %parallel_loop3A_110 : i32 to index
        %parallel_loop3A_718 = tpu.vector_load %arg6[%parallel_loop3A_715, %parallel_loop3A_716, %parallel_loop3A_717] {strides = array<i32>} : memref<4x16x512xf32, #tpu.memory_space<vmem>>, vector<1x1x16xf32>,
        %parallel_loop3A_719 = vector.shape_cast %parallel_loop3A_718 : vector<1x1x16xf32> to vector<16xf32>
        %parallel_loop3A_720 = vector.shape_cast %parallel_loop3A_712 : vector<16xf32> to vector<1x1x16xf32>
        tpu.vector_store %arg6[%parallel_loop3A_715, %parallel_loop3A_716, %parallel_loop3A_717], %parallel_loop3A_720 {strides = array<i32>} : memref<4x16x512xf32, #tpu.memory_space<vmem>>, vector<1x1x16xf32>,
        %parallel_loop3A_721 = arith.subf %parallel_loop3A_703, %parallel_loop3A_699 : vector<16xf32>
        %parallel_loop3A_722 = arith.constant 2 : i32
        %parallel_loop3A_723 = arith.constant 11 : i32
        %parallel_loop3A_724 = arith.index_cast %parallel_loop3A_722 : i32 to index
        %parallel_loop3A_725 = arith.index_cast %parallel_loop3A_723 : i32 to index
        %parallel_loop3A_726 = arith.index_cast %parallel_loop3A_110 : i32 to index
        %parallel_loop3A_727 = tpu.vector_load %arg6[%parallel_loop3A_724, %parallel_loop3A_725, %parallel_loop3A_726] {strides = array<i32>} : memref<4x16x512xf32, #tpu.memory_space<vmem>>, vector<1x1x16xf32>,
        %parallel_loop3A_728 = vector.shape_cast %parallel_loop3A_727 : vector<1x1x16xf32> to vector<16xf32>
        %parallel_loop3A_729 = vector.shape_cast %parallel_loop3A_721 : vector<16xf32> to vector<1x1x16xf32>
        tpu.vector_store %arg6[%parallel_loop3A_724, %parallel_loop3A_725, %parallel_loop3A_726], %parallel_loop3A_729 {strides = array<i32>} : memref<4x16x512xf32, #tpu.memory_space<vmem>>, vector<1x1x16xf32>,
        %parallel_loop3A_730 = arith.subf %parallel_loop3A_112, %parallel_loop3A_703 : vector<16xf32>
        %parallel_loop3A_731 = arith.constant 3 : i32
        %parallel_loop3A_732 = arith.constant 11 : i32
        %parallel_loop3A_733 = arith.index_cast %parallel_loop3A_731 : i32 to index
        %parallel_loop3A_734 = arith.index_cast %parallel_loop3A_732 : i32 to index
        %parallel_loop3A_735 = arith.index_cast %parallel_loop3A_110 : i32 to index
        %parallel_loop3A_736 = tpu.vector_load %arg6[%parallel_loop3A_733, %parallel_loop3A_734, %parallel_loop3A_735] {strides = array<i32>} : memref<4x16x512xf32, #tpu.memory_space<vmem>>, vector<1x1x16xf32>,
        %parallel_loop3A_737 = vector.shape_cast %parallel_loop3A_736 : vector<1x1x16xf32> to vector<16xf32>
        %parallel_loop3A_738 = vector.shape_cast %parallel_loop3A_730 : vector<16xf32> to vector<1x1x16xf32>
        tpu.vector_store %arg6[%parallel_loop3A_733, %parallel_loop3A_734, %parallel_loop3A_735], %parallel_loop3A_738 {strides = array<i32>} : memref<4x16x512xf32, #tpu.memory_space<vmem>>, vector<1x1x16xf32>,
        %parallel_loop3A_739 = arith.constant 12 : i32
        %parallel_loop3A_740 = arith.index_cast %parallel_loop3A_739 : i32 to index
        %parallel_loop3A_741 = arith.index_cast %parallel_loop3A_110 : i32 to index
        %parallel_loop3A_742 = tpu.vector_load %arg4[%parallel_loop3A_740, %parallel_loop3A_741] {strides = array<i32>} : memref<16x512xf32, #tpu.memory_space<vmem>>, vector<1x16xf32>,
        %parallel_loop3A_743 = vector.shape_cast %parallel_loop3A_742 : vector<1x16xf32> to vector<16xf32>
        %parallel_loop3A_744 = arith.constant 1.000000e-01 : f32
        %parallel_loop3A_745 = vector.broadcast %parallel_loop3A_744 : f32 to vector<16xf32>
        %parallel_loop3A_746 = arith.cmpf olt, %parallel_loop3A_743, %parallel_loop3A_745 : vector<16xf32>
        %parallel_loop3A_747 = arith.select %parallel_loop3A_746, %parallel_loop3A_112, %parallel_loop3A_114 : vector<16xi1>, vector<16xf32>
        %parallel_loop3A_748 = arith.constant 1.000000e+00 : f32
        %parallel_loop3A_749 = vector.broadcast %parallel_loop3A_748 : f32 to vector<16xf32>
        %parallel_loop3A_750 = arith.cmpf olt, %parallel_loop3A_743, %parallel_loop3A_749 : vector<16xf32>
        %parallel_loop3A_751 = arith.select %parallel_loop3A_750, %parallel_loop3A_112, %parallel_loop3A_114 : vector<16xi1>, vector<16xf32>
        %parallel_loop3A_752 = arith.constant 2.500000e+00 : f32
        %parallel_loop3A_753 = vector.broadcast %parallel_loop3A_752 : f32 to vector<16xf32>
        %parallel_loop3A_754 = arith.cmpf olt, %parallel_loop3A_743, %parallel_loop3A_753 : vector<16xf32>
        %parallel_loop3A_755 = arith.select %parallel_loop3A_754, %parallel_loop3A_112, %parallel_loop3A_114 : vector<16xi1>, vector<16xf32>
        %parallel_loop3A_756 = arith.constant 0 : i32
        %parallel_loop3A_757 = arith.constant 12 : i32
        %parallel_loop3A_758 = arith.index_cast %parallel_loop3A_756 : i32 to index
        %parallel_loop3A_759 = arith.index_cast %parallel_loop3A_757 : i32 to index
        %parallel_loop3A_760 = arith.index_cast %parallel_loop3A_110 : i32 to index
        %parallel_loop3A_761 = tpu.vector_load %arg6[%parallel_loop3A_758, %parallel_loop3A_759, %parallel_loop3A_760] {strides = array<i32>} : memref<4x16x512xf32, #tpu.memory_space<vmem>>, vector<1x1x16xf32>,
        %parallel_loop3A_762 = vector.shape_cast %parallel_loop3A_761 : vector<1x1x16xf32> to vector<16xf32>
        %parallel_loop3A_763 = vector.shape_cast %parallel_loop3A_747 : vector<16xf32> to vector<1x1x16xf32>
        tpu.vector_store %arg6[%parallel_loop3A_758, %parallel_loop3A_759, %parallel_loop3A_760], %parallel_loop3A_763 {strides = array<i32>} : memref<4x16x512xf32, #tpu.memory_space<vmem>>, vector<1x1x16xf32>,
        %parallel_loop3A_764 = arith.subf %parallel_loop3A_751, %parallel_loop3A_747 : vector<16xf32>
        %parallel_loop3A_765 = arith.constant 1 : i32
        %parallel_loop3A_766 = arith.constant 12 : i32
        %parallel_loop3A_767 = arith.index_cast %parallel_loop3A_765 : i32 to index
        %parallel_loop3A_768 = arith.index_cast %parallel_loop3A_766 : i32 to index
        %parallel_loop3A_769 = arith.index_cast %parallel_loop3A_110 : i32 to index
        %parallel_loop3A_770 = tpu.vector_load %arg6[%parallel_loop3A_767, %parallel_loop3A_768, %parallel_loop3A_769] {strides = array<i32>} : memref<4x16x512xf32, #tpu.memory_space<vmem>>, vector<1x1x16xf32>,
        %parallel_loop3A_771 = vector.shape_cast %parallel_loop3A_770 : vector<1x1x16xf32> to vector<16xf32>
        %parallel_loop3A_772 = vector.shape_cast %parallel_loop3A_764 : vector<16xf32> to vector<1x1x16xf32>
        tpu.vector_store %arg6[%parallel_loop3A_767, %parallel_loop3A_768, %parallel_loop3A_769], %parallel_loop3A_772 {strides = array<i32>} : memref<4x16x512xf32, #tpu.memory_space<vmem>>, vector<1x1x16xf32>,
        %parallel_loop3A_773 = arith.subf %parallel_loop3A_755, %parallel_loop3A_751 : vector<16xf32>
        %parallel_loop3A_774 = arith.constant 2 : i32
        %parallel_loop3A_775 = arith.constant 12 : i32
        %parallel_loop3A_776 = arith.index_cast %parallel_loop3A_774 : i32 to index
        %parallel_loop3A_777 = arith.index_cast %parallel_loop3A_775 : i32 to index
        %parallel_loop3A_778 = arith.index_cast %parallel_loop3A_110 : i32 to index
        %parallel_loop3A_779 = tpu.vector_load %arg6[%parallel_loop3A_776, %parallel_loop3A_777, %parallel_loop3A_778] {strides = array<i32>} : memref<4x16x512xf32, #tpu.memory_space<vmem>>, vector<1x1x16xf32>,
        %parallel_loop3A_780 = vector.shape_cast %parallel_loop3A_779 : vector<1x1x16xf32> to vector<16xf32>
        %parallel_loop3A_781 = vector.shape_cast %parallel_loop3A_773 : vector<16xf32> to vector<1x1x16xf32>
        tpu.vector_store %arg6[%parallel_loop3A_776, %parallel_loop3A_777, %parallel_loop3A_778], %parallel_loop3A_781 {strides = array<i32>} : memref<4x16x512xf32, #tpu.memory_space<vmem>>, vector<1x1x16xf32>,
        %parallel_loop3A_782 = arith.subf %parallel_loop3A_112, %parallel_loop3A_755 : vector<16xf32>
        %parallel_loop3A_783 = arith.constant 3 : i32
        %parallel_loop3A_784 = arith.constant 12 : i32
        %parallel_loop3A_785 = arith.index_cast %parallel_loop3A_783 : i32 to index
        %parallel_loop3A_786 = arith.index_cast %parallel_loop3A_784 : i32 to index
        %parallel_loop3A_787 = arith.index_cast %parallel_loop3A_110 : i32 to index
        %parallel_loop3A_788 = tpu.vector_load %arg6[%parallel_loop3A_785, %parallel_loop3A_786, %parallel_loop3A_787] {strides = array<i32>} : memref<4x16x512xf32, #tpu.memory_space<vmem>>, vector<1x1x16xf32>,
        %parallel_loop3A_789 = vector.shape_cast %parallel_loop3A_788 : vector<1x1x16xf32> to vector<16xf32>
        %parallel_loop3A_790 = vector.shape_cast %parallel_loop3A_782 : vector<16xf32> to vector<1x1x16xf32>
        tpu.vector_store %arg6[%parallel_loop3A_785, %parallel_loop3A_786, %parallel_loop3A_787], %parallel_loop3A_790 {strides = array<i32>} : memref<4x16x512xf32, #tpu.memory_space<vmem>>, vector<1x1x16xf32>,
        %parallel_loop3A_791 = arith.constant 13 : i32
        %parallel_loop3A_792 = arith.index_cast %parallel_loop3A_791 : i32 to index
        %parallel_loop3A_793 = arith.index_cast %parallel_loop3A_110 : i32 to index
        %parallel_loop3A_794 = tpu.vector_load %arg4[%parallel_loop3A_792, %parallel_loop3A_793] {strides = array<i32>} : memref<16x512xf32, #tpu.memory_space<vmem>>, vector<1x16xf32>,
        %parallel_loop3A_795 = vector.shape_cast %parallel_loop3A_794 : vector<1x16xf32> to vector<16xf32>
        %parallel_loop3A_796 = arith.constant 1.000000e-01 : f32
        %parallel_loop3A_797 = vector.broadcast %parallel_loop3A_796 : f32 to vector<16xf32>
        %parallel_loop3A_798 = arith.cmpf olt, %parallel_loop3A_795, %parallel_loop3A_797 : vector<16xf32>
        %parallel_loop3A_799 = arith.select %parallel_loop3A_798, %parallel_loop3A_112, %parallel_loop3A_114 : vector<16xi1>, vector<16xf32>
        %parallel_loop3A_800 = arith.constant 1.000000e+00 : f32
        %parallel_loop3A_801 = vector.broadcast %parallel_loop3A_800 : f32 to vector<16xf32>
        %parallel_loop3A_802 = arith.cmpf olt, %parallel_loop3A_795, %parallel_loop3A_801 : vector<16xf32>
        %parallel_loop3A_803 = arith.select %parallel_loop3A_802, %parallel_loop3A_112, %parallel_loop3A_114 : vector<16xi1>, vector<16xf32>
        %parallel_loop3A_804 = arith.constant 2.500000e+00 : f32
        %parallel_loop3A_805 = vector.broadcast %parallel_loop3A_804 : f32 to vector<16xf32>
        %parallel_loop3A_806 = arith.cmpf olt, %parallel_loop3A_795, %parallel_loop3A_805 : vector<16xf32>
        %parallel_loop3A_807 = arith.select %parallel_loop3A_806, %parallel_loop3A_112, %parallel_loop3A_114 : vector<16xi1>, vector<16xf32>
        %parallel_loop3A_808 = arith.constant 0 : i32
        %parallel_loop3A_809 = arith.constant 13 : i32
        %parallel_loop3A_810 = arith.index_cast %parallel_loop3A_808 : i32 to index
        %parallel_loop3A_811 = arith.index_cast %parallel_loop3A_809 : i32 to index
        %parallel_loop3A_812 = arith.index_cast %parallel_loop3A_110 : i32 to index
        %parallel_loop3A_813 = tpu.vector_load %arg6[%parallel_loop3A_810, %parallel_loop3A_811, %parallel_loop3A_812] {strides = array<i32>} : memref<4x16x512xf32, #tpu.memory_space<vmem>>, vector<1x1x16xf32>,
        %parallel_loop3A_814 = vector.shape_cast %parallel_loop3A_813 : vector<1x1x16xf32> to vector<16xf32>
        %parallel_loop3A_815 = vector.shape_cast %parallel_loop3A_799 : vector<16xf32> to vector<1x1x16xf32>
        tpu.vector_store %arg6[%parallel_loop3A_810, %parallel_loop3A_811, %parallel_loop3A_812], %parallel_loop3A_815 {strides = array<i32>} : memref<4x16x512xf32, #tpu.memory_space<vmem>>, vector<1x1x16xf32>,
        %parallel_loop3A_816 = arith.subf %parallel_loop3A_803, %parallel_loop3A_799 : vector<16xf32>
        %parallel_loop3A_817 = arith.constant 1 : i32
        %parallel_loop3A_818 = arith.constant 13 : i32
        %parallel_loop3A_819 = arith.index_cast %parallel_loop3A_817 : i32 to index
        %parallel_loop3A_820 = arith.index_cast %parallel_loop3A_818 : i32 to index
        %parallel_loop3A_821 = arith.index_cast %parallel_loop3A_110 : i32 to index
        %parallel_loop3A_822 = tpu.vector_load %arg6[%parallel_loop3A_819, %parallel_loop3A_820, %parallel_loop3A_821] {strides = array<i32>} : memref<4x16x512xf32, #tpu.memory_space<vmem>>, vector<1x1x16xf32>,
        %parallel_loop3A_823 = vector.shape_cast %parallel_loop3A_822 : vector<1x1x16xf32> to vector<16xf32>
        %parallel_loop3A_824 = vector.shape_cast %parallel_loop3A_816 : vector<16xf32> to vector<1x1x16xf32>
        tpu.vector_store %arg6[%parallel_loop3A_819, %parallel_loop3A_820, %parallel_loop3A_821], %parallel_loop3A_824 {strides = array<i32>} : memref<4x16x512xf32, #tpu.memory_space<vmem>>, vector<1x1x16xf32>,
        %parallel_loop3A_825 = arith.subf %parallel_loop3A_807, %parallel_loop3A_803 : vector<16xf32>
        %parallel_loop3A_826 = arith.constant 2 : i32
        %parallel_loop3A_827 = arith.constant 13 : i32
        %parallel_loop3A_828 = arith.index_cast %parallel_loop3A_826 : i32 to index
        %parallel_loop3A_829 = arith.index_cast %parallel_loop3A_827 : i32 to index
        %parallel_loop3A_830 = arith.index_cast %parallel_loop3A_110 : i32 to index
        %parallel_loop3A_831 = tpu.vector_load %arg6[%parallel_loop3A_828, %parallel_loop3A_829, %parallel_loop3A_830] {strides = array<i32>} : memref<4x16x512xf32, #tpu.memory_space<vmem>>, vector<1x1x16xf32>,
        %parallel_loop3A_832 = vector.shape_cast %parallel_loop3A_831 : vector<1x1x16xf32> to vector<16xf32>
        %parallel_loop3A_833 = vector.shape_cast %parallel_loop3A_825 : vector<16xf32> to vector<1x1x16xf32>
        tpu.vector_store %arg6[%parallel_loop3A_828, %parallel_loop3A_829, %parallel_loop3A_830], %parallel_loop3A_833 {strides = array<i32>} : memref<4x16x512xf32, #tpu.memory_space<vmem>>, vector<1x1x16xf32>,
        %parallel_loop3A_834 = arith.subf %parallel_loop3A_112, %parallel_loop3A_807 : vector<16xf32>
        %parallel_loop3A_835 = arith.constant 3 : i32
        %parallel_loop3A_836 = arith.constant 13 : i32
        %parallel_loop3A_837 = arith.index_cast %parallel_loop3A_835 : i32 to index
        %parallel_loop3A_838 = arith.index_cast %parallel_loop3A_836 : i32 to index
        %parallel_loop3A_839 = arith.index_cast %parallel_loop3A_110 : i32 to index
        %parallel_loop3A_840 = tpu.vector_load %arg6[%parallel_loop3A_837, %parallel_loop3A_838, %parallel_loop3A_839] {strides = array<i32>} : memref<4x16x512xf32, #tpu.memory_space<vmem>>, vector<1x1x16xf32>,
        %parallel_loop3A_841 = vector.shape_cast %parallel_loop3A_840 : vector<1x1x16xf32> to vector<16xf32>
        %parallel_loop3A_842 = vector.shape_cast %parallel_loop3A_834 : vector<16xf32> to vector<1x1x16xf32>
        tpu.vector_store %arg6[%parallel_loop3A_837, %parallel_loop3A_838, %parallel_loop3A_839], %parallel_loop3A_842 {strides = array<i32>} : memref<4x16x512xf32, #tpu.memory_space<vmem>>, vector<1x1x16xf32>,
        %parallel_loop3A_843 = arith.constant 14 : i32
        %parallel_loop3A_844 = arith.index_cast %parallel_loop3A_843 : i32 to index
        %parallel_loop3A_845 = arith.index_cast %parallel_loop3A_110 : i32 to index
        %parallel_loop3A_846 = tpu.vector_load %arg4[%parallel_loop3A_844, %parallel_loop3A_845] {strides = array<i32>} : memref<16x512xf32, #tpu.memory_space<vmem>>, vector<1x16xf32>,
        %parallel_loop3A_847 = vector.shape_cast %parallel_loop3A_846 : vector<1x16xf32> to vector<16xf32>
        %parallel_loop3A_848 = arith.constant 1.000000e-01 : f32
        %parallel_loop3A_849 = vector.broadcast %parallel_loop3A_848 : f32 to vector<16xf32>
        %parallel_loop3A_850 = arith.cmpf olt, %parallel_loop3A_847, %parallel_loop3A_849 : vector<16xf32>
        %parallel_loop3A_851 = arith.select %parallel_loop3A_850, %parallel_loop3A_112, %parallel_loop3A_114 : vector<16xi1>, vector<16xf32>
        %parallel_loop3A_852 = arith.constant 1.000000e+00 : f32
        %parallel_loop3A_853 = vector.broadcast %parallel_loop3A_852 : f32 to vector<16xf32>
        %parallel_loop3A_854 = arith.cmpf olt, %parallel_loop3A_847, %parallel_loop3A_853 : vector<16xf32>
        %parallel_loop3A_855 = arith.select %parallel_loop3A_854, %parallel_loop3A_112, %parallel_loop3A_114 : vector<16xi1>, vector<16xf32>
        %parallel_loop3A_856 = arith.constant 2.500000e+00 : f32
        %parallel_loop3A_857 = vector.broadcast %parallel_loop3A_856 : f32 to vector<16xf32>
        %parallel_loop3A_858 = arith.cmpf olt, %parallel_loop3A_847, %parallel_loop3A_857 : vector<16xf32>
        %parallel_loop3A_859 = arith.select %parallel_loop3A_858, %parallel_loop3A_112, %parallel_loop3A_114 : vector<16xi1>, vector<16xf32>
        %parallel_loop3A_860 = arith.constant 0 : i32
        %parallel_loop3A_861 = arith.constant 14 : i32
        %parallel_loop3A_862 = arith.index_cast %parallel_loop3A_860 : i32 to index
        %parallel_loop3A_863 = arith.index_cast %parallel_loop3A_861 : i32 to index
        %parallel_loop3A_864 = arith.index_cast %parallel_loop3A_110 : i32 to index
        %parallel_loop3A_865 = tpu.vector_load %arg6[%parallel_loop3A_862, %parallel_loop3A_863, %parallel_loop3A_864] {strides = array<i32>} : memref<4x16x512xf32, #tpu.memory_space<vmem>>, vector<1x1x16xf32>,
        %parallel_loop3A_866 = vector.shape_cast %parallel_loop3A_865 : vector<1x1x16xf32> to vector<16xf32>
        %parallel_loop3A_867 = vector.shape_cast %parallel_loop3A_851 : vector<16xf32> to vector<1x1x16xf32>
        tpu.vector_store %arg6[%parallel_loop3A_862, %parallel_loop3A_863, %parallel_loop3A_864], %parallel_loop3A_867 {strides = array<i32>} : memref<4x16x512xf32, #tpu.memory_space<vmem>>, vector<1x1x16xf32>,
        %parallel_loop3A_868 = arith.subf %parallel_loop3A_855, %parallel_loop3A_851 : vector<16xf32>
        %parallel_loop3A_869 = arith.constant 1 : i32
        %parallel_loop3A_870 = arith.constant 14 : i32
        %parallel_loop3A_871 = arith.index_cast %parallel_loop3A_869 : i32 to index
        %parallel_loop3A_872 = arith.index_cast %parallel_loop3A_870 : i32 to index
        %parallel_loop3A_873 = arith.index_cast %parallel_loop3A_110 : i32 to index
        %parallel_loop3A_874 = tpu.vector_load %arg6[%parallel_loop3A_871, %parallel_loop3A_872, %parallel_loop3A_873] {strides = array<i32>} : memref<4x16x512xf32, #tpu.memory_space<vmem>>, vector<1x1x16xf32>,
        %parallel_loop3A_875 = vector.shape_cast %parallel_loop3A_874 : vector<1x1x16xf32> to vector<16xf32>
        %parallel_loop3A_876 = vector.shape_cast %parallel_loop3A_868 : vector<16xf32> to vector<1x1x16xf32>
        tpu.vector_store %arg6[%parallel_loop3A_871, %parallel_loop3A_872, %parallel_loop3A_873], %parallel_loop3A_876 {strides = array<i32>} : memref<4x16x512xf32, #tpu.memory_space<vmem>>, vector<1x1x16xf32>,
        %parallel_loop3A_877 = arith.subf %parallel_loop3A_859, %parallel_loop3A_855 : vector<16xf32>
        %parallel_loop3A_878 = arith.constant 2 : i32
        %parallel_loop3A_879 = arith.constant 14 : i32
        %parallel_loop3A_880 = arith.index_cast %parallel_loop3A_878 : i32 to index
        %parallel_loop3A_881 = arith.index_cast %parallel_loop3A_879 : i32 to index
        %parallel_loop3A_882 = arith.index_cast %parallel_loop3A_110 : i32 to index
        %parallel_loop3A_883 = tpu.vector_load %arg6[%parallel_loop3A_880, %parallel_loop3A_881, %parallel_loop3A_882] {strides = array<i32>} : memref<4x16x512xf32, #tpu.memory_space<vmem>>, vector<1x1x16xf32>,
        %parallel_loop3A_884 = vector.shape_cast %parallel_loop3A_883 : vector<1x1x16xf32> to vector<16xf32>
        %parallel_loop3A_885 = vector.shape_cast %parallel_loop3A_877 : vector<16xf32> to vector<1x1x16xf32>
        tpu.vector_store %arg6[%parallel_loop3A_880, %parallel_loop3A_881, %parallel_loop3A_882], %parallel_loop3A_885 {strides = array<i32>} : memref<4x16x512xf32, #tpu.memory_space<vmem>>, vector<1x1x16xf32>,
        %parallel_loop3A_886 = arith.subf %parallel_loop3A_112, %parallel_loop3A_859 : vector<16xf32>
        %parallel_loop3A_887 = arith.constant 3 : i32
        %parallel_loop3A_888 = arith.constant 14 : i32
        %parallel_loop3A_889 = arith.index_cast %parallel_loop3A_887 : i32 to index
        %parallel_loop3A_890 = arith.index_cast %parallel_loop3A_888 : i32 to index
        %parallel_loop3A_891 = arith.index_cast %parallel_loop3A_110 : i32 to index
        %parallel_loop3A_892 = tpu.vector_load %arg6[%parallel_loop3A_889, %parallel_loop3A_890, %parallel_loop3A_891] {strides = array<i32>} : memref<4x16x512xf32, #tpu.memory_space<vmem>>, vector<1x1x16xf32>,
        %parallel_loop3A_893 = vector.shape_cast %parallel_loop3A_892 : vector<1x1x16xf32> to vector<16xf32>
        %parallel_loop3A_894 = vector.shape_cast %parallel_loop3A_886 : vector<16xf32> to vector<1x1x16xf32>
        tpu.vector_store %arg6[%parallel_loop3A_889, %parallel_loop3A_890, %parallel_loop3A_891], %parallel_loop3A_894 {strides = array<i32>} : memref<4x16x512xf32, #tpu.memory_space<vmem>>, vector<1x1x16xf32>,
        %parallel_loop3A_895 = arith.constant 15 : i32
        %parallel_loop3A_896 = arith.index_cast %parallel_loop3A_895 : i32 to index
        %parallel_loop3A_897 = arith.index_cast %parallel_loop3A_110 : i32 to index
        %parallel_loop3A_898 = tpu.vector_load %arg4[%parallel_loop3A_896, %parallel_loop3A_897] {strides = array<i32>} : memref<16x512xf32, #tpu.memory_space<vmem>>, vector<1x16xf32>,
        %parallel_loop3A_899 = vector.shape_cast %parallel_loop3A_898 : vector<1x16xf32> to vector<16xf32>
        %parallel_loop3A_900 = arith.constant 1.000000e-01 : f32
        %parallel_loop3A_901 = vector.broadcast %parallel_loop3A_900 : f32 to vector<16xf32>
        %parallel_loop3A_902 = arith.cmpf olt, %parallel_loop3A_899, %parallel_loop3A_901 : vector<16xf32>
        %parallel_loop3A_903 = arith.select %parallel_loop3A_902, %parallel_loop3A_112, %parallel_loop3A_114 : vector<16xi1>, vector<16xf32>
        %parallel_loop3A_904 = arith.constant 1.000000e+00 : f32
        %parallel_loop3A_905 = vector.broadcast %parallel_loop3A_904 : f32 to vector<16xf32>
        %parallel_loop3A_906 = arith.cmpf olt, %parallel_loop3A_899, %parallel_loop3A_905 : vector<16xf32>
        %parallel_loop3A_907 = arith.select %parallel_loop3A_906, %parallel_loop3A_112, %parallel_loop3A_114 : vector<16xi1>, vector<16xf32>
        %parallel_loop3A_908 = arith.constant 2.500000e+00 : f32
        %parallel_loop3A_909 = vector.broadcast %parallel_loop3A_908 : f32 to vector<16xf32>
        %parallel_loop3A_910 = arith.cmpf olt, %parallel_loop3A_899, %parallel_loop3A_909 : vector<16xf32>
        %parallel_loop3A_911 = arith.select %parallel_loop3A_910, %parallel_loop3A_112, %parallel_loop3A_114 : vector<16xi1>, vector<16xf32>
        %parallel_loop3A_912 = arith.constant 0 : i32
        %parallel_loop3A_913 = arith.constant 15 : i32
        %parallel_loop3A_914 = arith.index_cast %parallel_loop3A_912 : i32 to index
        %parallel_loop3A_915 = arith.index_cast %parallel_loop3A_913 : i32 to index
        %parallel_loop3A_916 = arith.index_cast %parallel_loop3A_110 : i32 to index
        %parallel_loop3A_917 = tpu.vector_load %arg6[%parallel_loop3A_914, %parallel_loop3A_915, %parallel_loop3A_916] {strides = array<i32>} : memref<4x16x512xf32, #tpu.memory_space<vmem>>, vector<1x1x16xf32>,
        %parallel_loop3A_918 = vector.shape_cast %parallel_loop3A_917 : vector<1x1x16xf32> to vector<16xf32>
        %parallel_loop3A_919 = vector.shape_cast %parallel_loop3A_903 : vector<16xf32> to vector<1x1x16xf32>
        tpu.vector_store %arg6[%parallel_loop3A_914, %parallel_loop3A_915, %parallel_loop3A_916], %parallel_loop3A_919 {strides = array<i32>} : memref<4x16x512xf32, #tpu.memory_space<vmem>>, vector<1x1x16xf32>,
        %parallel_loop3A_920 = arith.subf %parallel_loop3A_907, %parallel_loop3A_903 : vector<16xf32>
        %parallel_loop3A_921 = arith.constant 1 : i32
        %parallel_loop3A_922 = arith.constant 15 : i32
        %parallel_loop3A_923 = arith.index_cast %parallel_loop3A_921 : i32 to index
        %parallel_loop3A_924 = arith.index_cast %parallel_loop3A_922 : i32 to index
        %parallel_loop3A_925 = arith.index_cast %parallel_loop3A_110 : i32 to index
        %parallel_loop3A_926 = tpu.vector_load %arg6[%parallel_loop3A_923, %parallel_loop3A_924, %parallel_loop3A_925] {strides = array<i32>} : memref<4x16x512xf32, #tpu.memory_space<vmem>>, vector<1x1x16xf32>,
        %parallel_loop3A_927 = vector.shape_cast %parallel_loop3A_926 : vector<1x1x16xf32> to vector<16xf32>
        %parallel_loop3A_928 = vector.shape_cast %parallel_loop3A_920 : vector<16xf32> to vector<1x1x16xf32>
        tpu.vector_store %arg6[%parallel_loop3A_923, %parallel_loop3A_924, %parallel_loop3A_925], %parallel_loop3A_928 {strides = array<i32>} : memref<4x16x512xf32, #tpu.memory_space<vmem>>, vector<1x1x16xf32>,
        %parallel_loop3A_929 = arith.subf %parallel_loop3A_911, %parallel_loop3A_907 : vector<16xf32>
        %parallel_loop3A_930 = arith.constant 2 : i32
        %parallel_loop3A_931 = arith.constant 15 : i32
        %parallel_loop3A_932 = arith.index_cast %parallel_loop3A_930 : i32 to index
        %parallel_loop3A_933 = arith.index_cast %parallel_loop3A_931 : i32 to index
        %parallel_loop3A_934 = arith.index_cast %parallel_loop3A_110 : i32 to index
        %parallel_loop3A_935 = tpu.vector_load %arg6[%parallel_loop3A_932, %parallel_loop3A_933, %parallel_loop3A_934] {strides = array<i32>} : memref<4x16x512xf32, #tpu.memory_space<vmem>>, vector<1x1x16xf32>,
        %parallel_loop3A_936 = vector.shape_cast %parallel_loop3A_935 : vector<1x1x16xf32> to vector<16xf32>
        %parallel_loop3A_937 = vector.shape_cast %parallel_loop3A_929 : vector<16xf32> to vector<1x1x16xf32>
        tpu.vector_store %arg6[%parallel_loop3A_932, %parallel_loop3A_933, %parallel_loop3A_934], %parallel_loop3A_937 {strides = array<i32>} : memref<4x16x512xf32, #tpu.memory_space<vmem>>, vector<1x1x16xf32>,
        %parallel_loop3A_938 = arith.subf %parallel_loop3A_112, %parallel_loop3A_911 : vector<16xf32>
        %parallel_loop3A_939 = arith.constant 3 : i32
        %parallel_loop3A_940 = arith.constant 15 : i32
        %parallel_loop3A_941 = arith.index_cast %parallel_loop3A_939 : i32 to index
        %parallel_loop3A_942 = arith.index_cast %parallel_loop3A_940 : i32 to index
        %parallel_loop3A_943 = arith.index_cast %parallel_loop3A_110 : i32 to index
        %parallel_loop3A_944 = tpu.vector_load %arg6[%parallel_loop3A_941, %parallel_loop3A_942, %parallel_loop3A_943] {strides = array<i32>} : memref<4x16x512xf32, #tpu.memory_space<vmem>>, vector<1x1x16xf32>,
        %parallel_loop3A_945 = vector.shape_cast %parallel_loop3A_944 : vector<1x1x16xf32> to vector<16xf32>
        %parallel_loop3A_946 = vector.shape_cast %parallel_loop3A_938 : vector<16xf32> to vector<1x1x16xf32>
        tpu.vector_store %arg6[%parallel_loop3A_941, %parallel_loop3A_942, %parallel_loop3A_943], %parallel_loop3A_946 {strides = array<i32>} : memref<4x16x512xf32, #tpu.memory_space<vmem>>, vector<1x1x16xf32>,
      } {sc.loop_unroll_factor = 1 : i64, sc.parallel_access}
      %mul3A_57 = arith.constant 16 : i32
      %mul3A_58 = arith.muli %add3A_44, %mul3A_57 : i32
      %dma_start3A_59 = arith.constant 0 : i32
      %dma_start3A_60 = arith.constant 0 : i32
      %dma_start3A_61 = tpu.memref_slice %arg3[%add3A, %dma_start3A_59, %mul3A_58, %dma_start3A_60] : memref<32x4x512x512xf32, #tpu.memory_space<hbm>> -> memref<1x4x16x512xf32, #tpu.memory_space<hbm>>
      %dma_start3A_62 = tpu.memref_squeeze %dma_start3A_61 : memref<1x4x16x512xf32, #tpu.memory_space<hbm>> -> memref<4x16x512xf32, #tpu.memory_space<hbm>>
      %dma_start3A_63 = arith.constant 0 : i32
      %dma_start3A_64 = arith.constant 0 : i32
      %dma_start3A_65 = tpu.memref_slice %arg3[%add3A, %dma_start3A_63, %mul3A_58, %dma_start3A_64] : memref<32x4x512x512xf32, #tpu.memory_space<hbm>> -> memref<1x4x16x512xf32, #tpu.memory_space<hbm>>
      %dma_start3A_66 = tpu.memref_squeeze %dma_start3A_65 : memref<1x4x16x512xf32, #tpu.memory_space<hbm>> -> memref<4x16x512xf32, #tpu.memory_space<hbm>>
      tpu.enqueue_dma source(%arg6 : memref<4x16x512xf32, #tpu.memory_space<vmem>>) target(%dma_start3A_66 : memref<4x16x512xf32, #tpu.memory_space<hbm>>) target_semaphore(%arg10 : memref<!tpu.dma_semaphore, #tpu.memory_space<semaphore_mem>>)
      %add3A_67 = arith.constant 2 : i32
      %add3A_68 = arith.addi %add3A_44, %add3A_67 : i32
      %lt3A = arith.constant 32 : i32
      %lt3A_69 = arith.cmpi slt, %add3A_68, %lt3A : i32
      %convert_element_type3A_70 = arith.extui %lt3A_69 : i1 to i32
      %cond3A_71 = arith.constant 0 : i32
      %cond3A_72 = arith.cmpi ne, %convert_element_type3A_70, %cond3A_71 : i32
      scf.if %cond3A_72 {
        %add3A_110 = arith.constant 2 : i32
        %add3A_111 = arith.addi %add3A_44, %add3A_110 : i32
        %mul3A_112 = arith.constant 16 : i32
        %mul3A_113 = arith.muli %add3A_111, %mul3A_112 : i32
        %dma_start3A_114 = arith.constant 0 : i32
        %dma_start3A_115 = tpu.memref_slice %arg2[%add3A, %mul3A_113, %dma_start3A_114] : memref<32x512x512xf32, #tpu.memory_space<hbm>> -> memref<1x16x512xf32, #tpu.memory_space<hbm>>
        %dma_start3A_116 = tpu.memref_squeeze %dma_start3A_115 : memref<1x16x512xf32, #tpu.memory_space<hbm>> -> memref<16x512xf32, #tpu.memory_space<hbm>>
        %dma_start3A_117 = arith.constant 0 : i32
        %dma_start3A_118 = tpu.memref_slice %arg2[%add3A, %mul3A_113, %dma_start3A_117] : memref<32x512x512xf32, #tpu.memory_space<hbm>> -> memref<1x16x512xf32, #tpu.memory_space<hbm>>
        %dma_start3A_119 = tpu.memref_squeeze %dma_start3A_118 : memref<1x16x512xf32, #tpu.memory_space<hbm>> -> memref<16x512xf32, #tpu.memory_space<hbm>>
        tpu.enqueue_dma source(%dma_start3A_119 : memref<16x512xf32, #tpu.memory_space<hbm>>) target(%arg4 : memref<16x512xf32, #tpu.memory_space<vmem>>) target_semaphore(%arg8 : memref<!tpu.dma_semaphore, #tpu.memory_space<semaphore_mem>>)
      } else {
      }
      %mul3A_73 = arith.constant 2 : i32
      %mul3A_74 = arith.muli %scan3A_40, %mul3A_73 : i32
      %add3A_75 = arith.constant 1 : i32
      %add3A_76 = arith.addi %mul3A_74, %add3A_75 : i32
      %mul3A_77 = arith.constant 16 : i32
      %mul3A_78 = arith.muli %add3A_76, %mul3A_77 : i32
      %dma_wait3A_79 = arith.constant 0 : i32
      %dma_wait3A_80 = tpu.memref_slice %arg2[%add3A, %mul3A_78, %dma_wait3A_79] : memref<32x512x512xf32, #tpu.memory_space<hbm>> -> memref<1x16x512xf32, #tpu.memory_space<hbm>>
      %dma_wait3A_81 = tpu.memref_squeeze %dma_wait3A_80 : memref<1x16x512xf32, #tpu.memory_space<hbm>> -> memref<16x512xf32, #tpu.memory_space<hbm>>
      %dma_wait3A_82 = arith.constant 0 : i32
      %dma_wait3A_83 = tpu.memref_slice %arg2[%add3A, %mul3A_78, %dma_wait3A_82] : memref<32x512x512xf32, #tpu.memory_space<hbm>> -> memref<1x16x512xf32, #tpu.memory_space<hbm>>
      %dma_wait3A_84 = tpu.memref_squeeze %dma_wait3A_83 : memref<1x16x512xf32, #tpu.memory_space<hbm>> -> memref<16x512xf32, #tpu.memory_space<hbm>>
      tpu.wait_dma2 semaphore(%arg9 : memref<!tpu.dma_semaphore, #tpu.memory_space<semaphore_mem>>) src(%dma_wait3A_84 : memref<16x512xf32, #tpu.memory_space<hbm>>) dst(%arg5 : memref<16x512xf32, #tpu.memory_space<vmem>>)
      %ge3A_85 = arith.constant 2 : i32
      %ge3A_86 = arith.cmpi sge, %add3A_76, %ge3A_85 : i32
      %convert_element_type3A_87 = arith.extui %ge3A_86 : i1 to i32
      %cond3A_88 = arith.constant 0 : i32
      %cond3A_89 = arith.cmpi ne, %convert_element_type3A_87, %cond3A_88 : i32
      scf.if %cond3A_89 {
        %sub3A = arith.constant 2 : i32
        %sub3A_110 = arith.subi %add3A_76, %sub3A : i32
        %mul3A_111 = arith.constant 16 : i32
        %mul3A_112 = arith.muli %sub3A_110, %mul3A_111 : i32
        %dma_wait3A_113 = arith.constant 0 : i32
        %dma_wait3A_114 = arith.constant 0 : i32
        %dma_wait3A_115 = tpu.memref_slice %arg3[%add3A, %dma_wait3A_113, %mul3A_112, %dma_wait3A_114] : memref<32x4x512x512xf32, #tpu.memory_space<hbm>> -> memref<1x4x16x512xf32, #tpu.memory_space<hbm>>
        %dma_wait3A_116 = tpu.memref_squeeze %dma_wait3A_115 : memref<1x4x16x512xf32, #tpu.memory_space<hbm>> -> memref<4x16x512xf32, #tpu.memory_space<hbm>>
        %dma_wait3A_117 = arith.constant 0 : i32
        %dma_wait3A_118 = arith.constant 0 : i32
        %dma_wait3A_119 = tpu.memref_slice %arg3[%add3A, %dma_wait3A_117, %mul3A_112, %dma_wait3A_118] : memref<32x4x512x512xf32, #tpu.memory_space<hbm>> -> memref<1x4x16x512xf32, #tpu.memory_space<hbm>>
        %dma_wait3A_120 = tpu.memref_squeeze %dma_wait3A_119 : memref<1x4x16x512xf32, #tpu.memory_space<hbm>> -> memref<4x16x512xf32, #tpu.memory_space<hbm>>
        tpu.wait_dma2 semaphore(%arg11 : memref<!tpu.dma_semaphore, #tpu.memory_space<semaphore_mem>>) src(%arg7 : memref<4x16x512xf32, #tpu.memory_space<vmem>>) dst(%dma_wait3A_120 : memref<4x16x512xf32, #tpu.memory_space<hbm>>)
      } else {
      }
      %parallel_loop3A_90 = arith.constant 0 : i32
      %parallel_loop3A_91 = arith.constant 512 : i32
      %parallel_loop3A_92 = arith.constant 16 : i32
      scf.for %parallel_loop3A_110 = %parallel_loop3A_90 to %parallel_loop3A_91 step %parallel_loop3A_92  : i32 {
        %parallel_loop3A_111 = arith.constant 1.000000e+00 : f32
        %parallel_loop3A_112 = vector.broadcast %parallel_loop3A_111 : f32 to vector<16xf32>
        %parallel_loop3A_113 = arith.constant 0.000000e+00 : f32
        %parallel_loop3A_114 = vector.broadcast %parallel_loop3A_113 : f32 to vector<16xf32>
        %parallel_loop3A_115 = arith.constant 0 : i32
        %parallel_loop3A_116 = arith.index_cast %parallel_loop3A_115 : i32 to index
        %parallel_loop3A_117 = arith.index_cast %parallel_loop3A_110 : i32 to index
        %parallel_loop3A_118 = tpu.vector_load %arg5[%parallel_loop3A_116, %parallel_loop3A_117] {strides = array<i32>} : memref<16x512xf32, #tpu.memory_space<vmem>>, vector<1x16xf32>,
        %parallel_loop3A_119 = vector.shape_cast %parallel_loop3A_118 : vector<1x16xf32> to vector<16xf32>
        %parallel_loop3A_120 = arith.constant 1.000000e-01 : f32
        %parallel_loop3A_121 = vector.broadcast %parallel_loop3A_120 : f32 to vector<16xf32>
        %parallel_loop3A_122 = arith.cmpf olt, %parallel_loop3A_119, %parallel_loop3A_121 : vector<16xf32>
        %parallel_loop3A_123 = arith.select %parallel_loop3A_122, %parallel_loop3A_112, %parallel_loop3A_114 : vector<16xi1>, vector<16xf32>
        %parallel_loop3A_124 = arith.constant 1.000000e+00 : f32
        %parallel_loop3A_125 = vector.broadcast %parallel_loop3A_124 : f32 to vector<16xf32>
        %parallel_loop3A_126 = arith.cmpf olt, %parallel_loop3A_119, %parallel_loop3A_125 : vector<16xf32>
        %parallel_loop3A_127 = arith.select %parallel_loop3A_126, %parallel_loop3A_112, %parallel_loop3A_114 : vector<16xi1>, vector<16xf32>
        %parallel_loop3A_128 = arith.constant 2.500000e+00 : f32
        %parallel_loop3A_129 = vector.broadcast %parallel_loop3A_128 : f32 to vector<16xf32>
        %parallel_loop3A_130 = arith.cmpf olt, %parallel_loop3A_119, %parallel_loop3A_129 : vector<16xf32>
        %parallel_loop3A_131 = arith.select %parallel_loop3A_130, %parallel_loop3A_112, %parallel_loop3A_114 : vector<16xi1>, vector<16xf32>
        %parallel_loop3A_132 = arith.constant 0 : i32
        %parallel_loop3A_133 = arith.constant 0 : i32
        %parallel_loop3A_134 = arith.index_cast %parallel_loop3A_132 : i32 to index
        %parallel_loop3A_135 = arith.index_cast %parallel_loop3A_133 : i32 to index
        %parallel_loop3A_136 = arith.index_cast %parallel_loop3A_110 : i32 to index
        %parallel_loop3A_137 = tpu.vector_load %arg7[%parallel_loop3A_134, %parallel_loop3A_135, %parallel_loop3A_136] {strides = array<i32>} : memref<4x16x512xf32, #tpu.memory_space<vmem>>, vector<1x1x16xf32>,
        %parallel_loop3A_138 = vector.shape_cast %parallel_loop3A_137 : vector<1x1x16xf32> to vector<16xf32>
        %parallel_loop3A_139 = vector.shape_cast %parallel_loop3A_123 : vector<16xf32> to vector<1x1x16xf32>
        tpu.vector_store %arg7[%parallel_loop3A_134, %parallel_loop3A_135, %parallel_loop3A_136], %parallel_loop3A_139 {strides = array<i32>} : memref<4x16x512xf32, #tpu.memory_space<vmem>>, vector<1x1x16xf32>,
        %parallel_loop3A_140 = arith.subf %parallel_loop3A_127, %parallel_loop3A_123 : vector<16xf32>
        %parallel_loop3A_141 = arith.constant 1 : i32
        %parallel_loop3A_142 = arith.constant 0 : i32
        %parallel_loop3A_143 = arith.index_cast %parallel_loop3A_141 : i32 to index
        %parallel_loop3A_144 = arith.index_cast %parallel_loop3A_142 : i32 to index
        %parallel_loop3A_145 = arith.index_cast %parallel_loop3A_110 : i32 to index
        %parallel_loop3A_146 = tpu.vector_load %arg7[%parallel_loop3A_143, %parallel_loop3A_144, %parallel_loop3A_145] {strides = array<i32>} : memref<4x16x512xf32, #tpu.memory_space<vmem>>, vector<1x1x16xf32>,
        %parallel_loop3A_147 = vector.shape_cast %parallel_loop3A_146 : vector<1x1x16xf32> to vector<16xf32>
        %parallel_loop3A_148 = vector.shape_cast %parallel_loop3A_140 : vector<16xf32> to vector<1x1x16xf32>
        tpu.vector_store %arg7[%parallel_loop3A_143, %parallel_loop3A_144, %parallel_loop3A_145], %parallel_loop3A_148 {strides = array<i32>} : memref<4x16x512xf32, #tpu.memory_space<vmem>>, vector<1x1x16xf32>,
        %parallel_loop3A_149 = arith.subf %parallel_loop3A_131, %parallel_loop3A_127 : vector<16xf32>
        %parallel_loop3A_150 = arith.constant 2 : i32
        %parallel_loop3A_151 = arith.constant 0 : i32
        %parallel_loop3A_152 = arith.index_cast %parallel_loop3A_150 : i32 to index
        %parallel_loop3A_153 = arith.index_cast %parallel_loop3A_151 : i32 to index
        %parallel_loop3A_154 = arith.index_cast %parallel_loop3A_110 : i32 to index
        %parallel_loop3A_155 = tpu.vector_load %arg7[%parallel_loop3A_152, %parallel_loop3A_153, %parallel_loop3A_154] {strides = array<i32>} : memref<4x16x512xf32, #tpu.memory_space<vmem>>, vector<1x1x16xf32>,
        %parallel_loop3A_156 = vector.shape_cast %parallel_loop3A_155 : vector<1x1x16xf32> to vector<16xf32>
        %parallel_loop3A_157 = vector.shape_cast %parallel_loop3A_149 : vector<16xf32> to vector<1x1x16xf32>
        tpu.vector_store %arg7[%parallel_loop3A_152, %parallel_loop3A_153, %parallel_loop3A_154], %parallel_loop3A_157 {strides = array<i32>} : memref<4x16x512xf32, #tpu.memory_space<vmem>>, vector<1x1x16xf32>,
        %parallel_loop3A_158 = arith.subf %parallel_loop3A_112, %parallel_loop3A_131 : vector<16xf32>
        %parallel_loop3A_159 = arith.constant 3 : i32
        %parallel_loop3A_160 = arith.constant 0 : i32
        %parallel_loop3A_161 = arith.index_cast %parallel_loop3A_159 : i32 to index
        %parallel_loop3A_162 = arith.index_cast %parallel_loop3A_160 : i32 to index
        %parallel_loop3A_163 = arith.index_cast %parallel_loop3A_110 : i32 to index
        %parallel_loop3A_164 = tpu.vector_load %arg7[%parallel_loop3A_161, %parallel_loop3A_162, %parallel_loop3A_163] {strides = array<i32>} : memref<4x16x512xf32, #tpu.memory_space<vmem>>, vector<1x1x16xf32>,
        %parallel_loop3A_165 = vector.shape_cast %parallel_loop3A_164 : vector<1x1x16xf32> to vector<16xf32>
        %parallel_loop3A_166 = vector.shape_cast %parallel_loop3A_158 : vector<16xf32> to vector<1x1x16xf32>
        tpu.vector_store %arg7[%parallel_loop3A_161, %parallel_loop3A_162, %parallel_loop3A_163], %parallel_loop3A_166 {strides = array<i32>} : memref<4x16x512xf32, #tpu.memory_space<vmem>>, vector<1x1x16xf32>,
        %parallel_loop3A_167 = arith.constant 1 : i32
        %parallel_loop3A_168 = arith.index_cast %parallel_loop3A_167 : i32 to index
        %parallel_loop3A_169 = arith.index_cast %parallel_loop3A_110 : i32 to index
        %parallel_loop3A_170 = tpu.vector_load %arg5[%parallel_loop3A_168, %parallel_loop3A_169] {strides = array<i32>} : memref<16x512xf32, #tpu.memory_space<vmem>>, vector<1x16xf32>,
        %parallel_loop3A_171 = vector.shape_cast %parallel_loop3A_170 : vector<1x16xf32> to vector<16xf32>
        %parallel_loop3A_172 = arith.constant 1.000000e-01 : f32
        %parallel_loop3A_173 = vector.broadcast %parallel_loop3A_172 : f32 to vector<16xf32>
        %parallel_loop3A_174 = arith.cmpf olt, %parallel_loop3A_171, %parallel_loop3A_173 : vector<16xf32>
        %parallel_loop3A_175 = arith.select %parallel_loop3A_174, %parallel_loop3A_112, %parallel_loop3A_114 : vector<16xi1>, vector<16xf32>
        %parallel_loop3A_176 = arith.constant 1.000000e+00 : f32
        %parallel_loop3A_177 = vector.broadcast %parallel_loop3A_176 : f32 to vector<16xf32>
        %parallel_loop3A_178 = arith.cmpf olt, %parallel_loop3A_171, %parallel_loop3A_177 : vector<16xf32>
        %parallel_loop3A_179 = arith.select %parallel_loop3A_178, %parallel_loop3A_112, %parallel_loop3A_114 : vector<16xi1>, vector<16xf32>
        %parallel_loop3A_180 = arith.constant 2.500000e+00 : f32
        %parallel_loop3A_181 = vector.broadcast %parallel_loop3A_180 : f32 to vector<16xf32>
        %parallel_loop3A_182 = arith.cmpf olt, %parallel_loop3A_171, %parallel_loop3A_181 : vector<16xf32>
        %parallel_loop3A_183 = arith.select %parallel_loop3A_182, %parallel_loop3A_112, %parallel_loop3A_114 : vector<16xi1>, vector<16xf32>
        %parallel_loop3A_184 = arith.constant 0 : i32
        %parallel_loop3A_185 = arith.constant 1 : i32
        %parallel_loop3A_186 = arith.index_cast %parallel_loop3A_184 : i32 to index
        %parallel_loop3A_187 = arith.index_cast %parallel_loop3A_185 : i32 to index
        %parallel_loop3A_188 = arith.index_cast %parallel_loop3A_110 : i32 to index
        %parallel_loop3A_189 = tpu.vector_load %arg7[%parallel_loop3A_186, %parallel_loop3A_187, %parallel_loop3A_188] {strides = array<i32>} : memref<4x16x512xf32, #tpu.memory_space<vmem>>, vector<1x1x16xf32>,
        %parallel_loop3A_190 = vector.shape_cast %parallel_loop3A_189 : vector<1x1x16xf32> to vector<16xf32>
        %parallel_loop3A_191 = vector.shape_cast %parallel_loop3A_175 : vector<16xf32> to vector<1x1x16xf32>
        tpu.vector_store %arg7[%parallel_loop3A_186, %parallel_loop3A_187, %parallel_loop3A_188], %parallel_loop3A_191 {strides = array<i32>} : memref<4x16x512xf32, #tpu.memory_space<vmem>>, vector<1x1x16xf32>,
        %parallel_loop3A_192 = arith.subf %parallel_loop3A_179, %parallel_loop3A_175 : vector<16xf32>
        %parallel_loop3A_193 = arith.constant 1 : i32
        %parallel_loop3A_194 = arith.constant 1 : i32
        %parallel_loop3A_195 = arith.index_cast %parallel_loop3A_193 : i32 to index
        %parallel_loop3A_196 = arith.index_cast %parallel_loop3A_194 : i32 to index
        %parallel_loop3A_197 = arith.index_cast %parallel_loop3A_110 : i32 to index
        %parallel_loop3A_198 = tpu.vector_load %arg7[%parallel_loop3A_195, %parallel_loop3A_196, %parallel_loop3A_197] {strides = array<i32>} : memref<4x16x512xf32, #tpu.memory_space<vmem>>, vector<1x1x16xf32>,
        %parallel_loop3A_199 = vector.shape_cast %parallel_loop3A_198 : vector<1x1x16xf32> to vector<16xf32>
        %parallel_loop3A_200 = vector.shape_cast %parallel_loop3A_192 : vector<16xf32> to vector<1x1x16xf32>
        tpu.vector_store %arg7[%parallel_loop3A_195, %parallel_loop3A_196, %parallel_loop3A_197], %parallel_loop3A_200 {strides = array<i32>} : memref<4x16x512xf32, #tpu.memory_space<vmem>>, vector<1x1x16xf32>,
        %parallel_loop3A_201 = arith.subf %parallel_loop3A_183, %parallel_loop3A_179 : vector<16xf32>
        %parallel_loop3A_202 = arith.constant 2 : i32
        %parallel_loop3A_203 = arith.constant 1 : i32
        %parallel_loop3A_204 = arith.index_cast %parallel_loop3A_202 : i32 to index
        %parallel_loop3A_205 = arith.index_cast %parallel_loop3A_203 : i32 to index
        %parallel_loop3A_206 = arith.index_cast %parallel_loop3A_110 : i32 to index
        %parallel_loop3A_207 = tpu.vector_load %arg7[%parallel_loop3A_204, %parallel_loop3A_205, %parallel_loop3A_206] {strides = array<i32>} : memref<4x16x512xf32, #tpu.memory_space<vmem>>, vector<1x1x16xf32>,
        %parallel_loop3A_208 = vector.shape_cast %parallel_loop3A_207 : vector<1x1x16xf32> to vector<16xf32>
        %parallel_loop3A_209 = vector.shape_cast %parallel_loop3A_201 : vector<16xf32> to vector<1x1x16xf32>
        tpu.vector_store %arg7[%parallel_loop3A_204, %parallel_loop3A_205, %parallel_loop3A_206], %parallel_loop3A_209 {strides = array<i32>} : memref<4x16x512xf32, #tpu.memory_space<vmem>>, vector<1x1x16xf32>,
        %parallel_loop3A_210 = arith.subf %parallel_loop3A_112, %parallel_loop3A_183 : vector<16xf32>
        %parallel_loop3A_211 = arith.constant 3 : i32
        %parallel_loop3A_212 = arith.constant 1 : i32
        %parallel_loop3A_213 = arith.index_cast %parallel_loop3A_211 : i32 to index
        %parallel_loop3A_214 = arith.index_cast %parallel_loop3A_212 : i32 to index
        %parallel_loop3A_215 = arith.index_cast %parallel_loop3A_110 : i32 to index
        %parallel_loop3A_216 = tpu.vector_load %arg7[%parallel_loop3A_213, %parallel_loop3A_214, %parallel_loop3A_215] {strides = array<i32>} : memref<4x16x512xf32, #tpu.memory_space<vmem>>, vector<1x1x16xf32>,
        %parallel_loop3A_217 = vector.shape_cast %parallel_loop3A_216 : vector<1x1x16xf32> to vector<16xf32>
        %parallel_loop3A_218 = vector.shape_cast %parallel_loop3A_210 : vector<16xf32> to vector<1x1x16xf32>
        tpu.vector_store %arg7[%parallel_loop3A_213, %parallel_loop3A_214, %parallel_loop3A_215], %parallel_loop3A_218 {strides = array<i32>} : memref<4x16x512xf32, #tpu.memory_space<vmem>>, vector<1x1x16xf32>,
        %parallel_loop3A_219 = arith.constant 2 : i32
        %parallel_loop3A_220 = arith.index_cast %parallel_loop3A_219 : i32 to index
        %parallel_loop3A_221 = arith.index_cast %parallel_loop3A_110 : i32 to index
        %parallel_loop3A_222 = tpu.vector_load %arg5[%parallel_loop3A_220, %parallel_loop3A_221] {strides = array<i32>} : memref<16x512xf32, #tpu.memory_space<vmem>>, vector<1x16xf32>,
        %parallel_loop3A_223 = vector.shape_cast %parallel_loop3A_222 : vector<1x16xf32> to vector<16xf32>
        %parallel_loop3A_224 = arith.constant 1.000000e-01 : f32
        %parallel_loop3A_225 = vector.broadcast %parallel_loop3A_224 : f32 to vector<16xf32>
        %parallel_loop3A_226 = arith.cmpf olt, %parallel_loop3A_223, %parallel_loop3A_225 : vector<16xf32>
        %parallel_loop3A_227 = arith.select %parallel_loop3A_226, %parallel_loop3A_112, %parallel_loop3A_114 : vector<16xi1>, vector<16xf32>
        %parallel_loop3A_228 = arith.constant 1.000000e+00 : f32
        %parallel_loop3A_229 = vector.broadcast %parallel_loop3A_228 : f32 to vector<16xf32>
        %parallel_loop3A_230 = arith.cmpf olt, %parallel_loop3A_223, %parallel_loop3A_229 : vector<16xf32>
        %parallel_loop3A_231 = arith.select %parallel_loop3A_230, %parallel_loop3A_112, %parallel_loop3A_114 : vector<16xi1>, vector<16xf32>
        %parallel_loop3A_232 = arith.constant 2.500000e+00 : f32
        %parallel_loop3A_233 = vector.broadcast %parallel_loop3A_232 : f32 to vector<16xf32>
        %parallel_loop3A_234 = arith.cmpf olt, %parallel_loop3A_223, %parallel_loop3A_233 : vector<16xf32>
        %parallel_loop3A_235 = arith.select %parallel_loop3A_234, %parallel_loop3A_112, %parallel_loop3A_114 : vector<16xi1>, vector<16xf32>
        %parallel_loop3A_236 = arith.constant 0 : i32
        %parallel_loop3A_237 = arith.constant 2 : i32
        %parallel_loop3A_238 = arith.index_cast %parallel_loop3A_236 : i32 to index
        %parallel_loop3A_239 = arith.index_cast %parallel_loop3A_237 : i32 to index
        %parallel_loop3A_240 = arith.index_cast %parallel_loop3A_110 : i32 to index
        %parallel_loop3A_241 = tpu.vector_load %arg7[%parallel_loop3A_238, %parallel_loop3A_239, %parallel_loop3A_240] {strides = array<i32>} : memref<4x16x512xf32, #tpu.memory_space<vmem>>, vector<1x1x16xf32>,
        %parallel_loop3A_242 = vector.shape_cast %parallel_loop3A_241 : vector<1x1x16xf32> to vector<16xf32>
        %parallel_loop3A_243 = vector.shape_cast %parallel_loop3A_227 : vector<16xf32> to vector<1x1x16xf32>
        tpu.vector_store %arg7[%parallel_loop3A_238, %parallel_loop3A_239, %parallel_loop3A_240], %parallel_loop3A_243 {strides = array<i32>} : memref<4x16x512xf32, #tpu.memory_space<vmem>>, vector<1x1x16xf32>,
        %parallel_loop3A_244 = arith.subf %parallel_loop3A_231, %parallel_loop3A_227 : vector<16xf32>
        %parallel_loop3A_245 = arith.constant 1 : i32
        %parallel_loop3A_246 = arith.constant 2 : i32
        %parallel_loop3A_247 = arith.index_cast %parallel_loop3A_245 : i32 to index
        %parallel_loop3A_248 = arith.index_cast %parallel_loop3A_246 : i32 to index
        %parallel_loop3A_249 = arith.index_cast %parallel_loop3A_110 : i32 to index
        %parallel_loop3A_250 = tpu.vector_load %arg7[%parallel_loop3A_247, %parallel_loop3A_248, %parallel_loop3A_249] {strides = array<i32>} : memref<4x16x512xf32, #tpu.memory_space<vmem>>, vector<1x1x16xf32>,
        %parallel_loop3A_251 = vector.shape_cast %parallel_loop3A_250 : vector<1x1x16xf32> to vector<16xf32>
        %parallel_loop3A_252 = vector.shape_cast %parallel_loop3A_244 : vector<16xf32> to vector<1x1x16xf32>
        tpu.vector_store %arg7[%parallel_loop3A_247, %parallel_loop3A_248, %parallel_loop3A_249], %parallel_loop3A_252 {strides = array<i32>} : memref<4x16x512xf32, #tpu.memory_space<vmem>>, vector<1x1x16xf32>,
        %parallel_loop3A_253 = arith.subf %parallel_loop3A_235, %parallel_loop3A_231 : vector<16xf32>
        %parallel_loop3A_254 = arith.constant 2 : i32
        %parallel_loop3A_255 = arith.constant 2 : i32
        %parallel_loop3A_256 = arith.index_cast %parallel_loop3A_254 : i32 to index
        %parallel_loop3A_257 = arith.index_cast %parallel_loop3A_255 : i32 to index
        %parallel_loop3A_258 = arith.index_cast %parallel_loop3A_110 : i32 to index
        %parallel_loop3A_259 = tpu.vector_load %arg7[%parallel_loop3A_256, %parallel_loop3A_257, %parallel_loop3A_258] {strides = array<i32>} : memref<4x16x512xf32, #tpu.memory_space<vmem>>, vector<1x1x16xf32>,
        %parallel_loop3A_260 = vector.shape_cast %parallel_loop3A_259 : vector<1x1x16xf32> to vector<16xf32>
        %parallel_loop3A_261 = vector.shape_cast %parallel_loop3A_253 : vector<16xf32> to vector<1x1x16xf32>
        tpu.vector_store %arg7[%parallel_loop3A_256, %parallel_loop3A_257, %parallel_loop3A_258], %parallel_loop3A_261 {strides = array<i32>} : memref<4x16x512xf32, #tpu.memory_space<vmem>>, vector<1x1x16xf32>,
        %parallel_loop3A_262 = arith.subf %parallel_loop3A_112, %parallel_loop3A_235 : vector<16xf32>
        %parallel_loop3A_263 = arith.constant 3 : i32
        %parallel_loop3A_264 = arith.constant 2 : i32
        %parallel_loop3A_265 = arith.index_cast %parallel_loop3A_263 : i32 to index
        %parallel_loop3A_266 = arith.index_cast %parallel_loop3A_264 : i32 to index
        %parallel_loop3A_267 = arith.index_cast %parallel_loop3A_110 : i32 to index
        %parallel_loop3A_268 = tpu.vector_load %arg7[%parallel_loop3A_265, %parallel_loop3A_266, %parallel_loop3A_267] {strides = array<i32>} : memref<4x16x512xf32, #tpu.memory_space<vmem>>, vector<1x1x16xf32>,
        %parallel_loop3A_269 = vector.shape_cast %parallel_loop3A_268 : vector<1x1x16xf32> to vector<16xf32>
        %parallel_loop3A_270 = vector.shape_cast %parallel_loop3A_262 : vector<16xf32> to vector<1x1x16xf32>
        tpu.vector_store %arg7[%parallel_loop3A_265, %parallel_loop3A_266, %parallel_loop3A_267], %parallel_loop3A_270 {strides = array<i32>} : memref<4x16x512xf32, #tpu.memory_space<vmem>>, vector<1x1x16xf32>,
        %parallel_loop3A_271 = arith.constant 3 : i32
        %parallel_loop3A_272 = arith.index_cast %parallel_loop3A_271 : i32 to index
        %parallel_loop3A_273 = arith.index_cast %parallel_loop3A_110 : i32 to index
        %parallel_loop3A_274 = tpu.vector_load %arg5[%parallel_loop3A_272, %parallel_loop3A_273] {strides = array<i32>} : memref<16x512xf32, #tpu.memory_space<vmem>>, vector<1x16xf32>,
        %parallel_loop3A_275 = vector.shape_cast %parallel_loop3A_274 : vector<1x16xf32> to vector<16xf32>
        %parallel_loop3A_276 = arith.constant 1.000000e-01 : f32
        %parallel_loop3A_277 = vector.broadcast %parallel_loop3A_276 : f32 to vector<16xf32>
        %parallel_loop3A_278 = arith.cmpf olt, %parallel_loop3A_275, %parallel_loop3A_277 : vector<16xf32>
        %parallel_loop3A_279 = arith.select %parallel_loop3A_278, %parallel_loop3A_112, %parallel_loop3A_114 : vector<16xi1>, vector<16xf32>
        %parallel_loop3A_280 = arith.constant 1.000000e+00 : f32
        %parallel_loop3A_281 = vector.broadcast %parallel_loop3A_280 : f32 to vector<16xf32>
        %parallel_loop3A_282 = arith.cmpf olt, %parallel_loop3A_275, %parallel_loop3A_281 : vector<16xf32>
        %parallel_loop3A_283 = arith.select %parallel_loop3A_282, %parallel_loop3A_112, %parallel_loop3A_114 : vector<16xi1>, vector<16xf32>
        %parallel_loop3A_284 = arith.constant 2.500000e+00 : f32
        %parallel_loop3A_285 = vector.broadcast %parallel_loop3A_284 : f32 to vector<16xf32>
        %parallel_loop3A_286 = arith.cmpf olt, %parallel_loop3A_275, %parallel_loop3A_285 : vector<16xf32>
        %parallel_loop3A_287 = arith.select %parallel_loop3A_286, %parallel_loop3A_112, %parallel_loop3A_114 : vector<16xi1>, vector<16xf32>
        %parallel_loop3A_288 = arith.constant 0 : i32
        %parallel_loop3A_289 = arith.constant 3 : i32
        %parallel_loop3A_290 = arith.index_cast %parallel_loop3A_288 : i32 to index
        %parallel_loop3A_291 = arith.index_cast %parallel_loop3A_289 : i32 to index
        %parallel_loop3A_292 = arith.index_cast %parallel_loop3A_110 : i32 to index
        %parallel_loop3A_293 = tpu.vector_load %arg7[%parallel_loop3A_290, %parallel_loop3A_291, %parallel_loop3A_292] {strides = array<i32>} : memref<4x16x512xf32, #tpu.memory_space<vmem>>, vector<1x1x16xf32>,
        %parallel_loop3A_294 = vector.shape_cast %parallel_loop3A_293 : vector<1x1x16xf32> to vector<16xf32>
        %parallel_loop3A_295 = vector.shape_cast %parallel_loop3A_279 : vector<16xf32> to vector<1x1x16xf32>
        tpu.vector_store %arg7[%parallel_loop3A_290, %parallel_loop3A_291, %parallel_loop3A_292], %parallel_loop3A_295 {strides = array<i32>} : memref<4x16x512xf32, #tpu.memory_space<vmem>>, vector<1x1x16xf32>,
        %parallel_loop3A_296 = arith.subf %parallel_loop3A_283, %parallel_loop3A_279 : vector<16xf32>
        %parallel_loop3A_297 = arith.constant 1 : i32
        %parallel_loop3A_298 = arith.constant 3 : i32
        %parallel_loop3A_299 = arith.index_cast %parallel_loop3A_297 : i32 to index
        %parallel_loop3A_300 = arith.index_cast %parallel_loop3A_298 : i32 to index
        %parallel_loop3A_301 = arith.index_cast %parallel_loop3A_110 : i32 to index
        %parallel_loop3A_302 = tpu.vector_load %arg7[%parallel_loop3A_299, %parallel_loop3A_300, %parallel_loop3A_301] {strides = array<i32>} : memref<4x16x512xf32, #tpu.memory_space<vmem>>, vector<1x1x16xf32>,
        %parallel_loop3A_303 = vector.shape_cast %parallel_loop3A_302 : vector<1x1x16xf32> to vector<16xf32>
        %parallel_loop3A_304 = vector.shape_cast %parallel_loop3A_296 : vector<16xf32> to vector<1x1x16xf32>
        tpu.vector_store %arg7[%parallel_loop3A_299, %parallel_loop3A_300, %parallel_loop3A_301], %parallel_loop3A_304 {strides = array<i32>} : memref<4x16x512xf32, #tpu.memory_space<vmem>>, vector<1x1x16xf32>,
        %parallel_loop3A_305 = arith.subf %parallel_loop3A_287, %parallel_loop3A_283 : vector<16xf32>
        %parallel_loop3A_306 = arith.constant 2 : i32
        %parallel_loop3A_307 = arith.constant 3 : i32
        %parallel_loop3A_308 = arith.index_cast %parallel_loop3A_306 : i32 to index
        %parallel_loop3A_309 = arith.index_cast %parallel_loop3A_307 : i32 to index
        %parallel_loop3A_310 = arith.index_cast %parallel_loop3A_110 : i32 to index
        %parallel_loop3A_311 = tpu.vector_load %arg7[%parallel_loop3A_308, %parallel_loop3A_309, %parallel_loop3A_310] {strides = array<i32>} : memref<4x16x512xf32, #tpu.memory_space<vmem>>, vector<1x1x16xf32>,
        %parallel_loop3A_312 = vector.shape_cast %parallel_loop3A_311 : vector<1x1x16xf32> to vector<16xf32>
        %parallel_loop3A_313 = vector.shape_cast %parallel_loop3A_305 : vector<16xf32> to vector<1x1x16xf32>
        tpu.vector_store %arg7[%parallel_loop3A_308, %parallel_loop3A_309, %parallel_loop3A_310], %parallel_loop3A_313 {strides = array<i32>} : memref<4x16x512xf32, #tpu.memory_space<vmem>>, vector<1x1x16xf32>,
        %parallel_loop3A_314 = arith.subf %parallel_loop3A_112, %parallel_loop3A_287 : vector<16xf32>
        %parallel_loop3A_315 = arith.constant 3 : i32
        %parallel_loop3A_316 = arith.constant 3 : i32
        %parallel_loop3A_317 = arith.index_cast %parallel_loop3A_315 : i32 to index
        %parallel_loop3A_318 = arith.index_cast %parallel_loop3A_316 : i32 to index
        %parallel_loop3A_319 = arith.index_cast %parallel_loop3A_110 : i32 to index
        %parallel_loop3A_320 = tpu.vector_load %arg7[%parallel_loop3A_317, %parallel_loop3A_318, %parallel_loop3A_319] {strides = array<i32>} : memref<4x16x512xf32, #tpu.memory_space<vmem>>, vector<1x1x16xf32>,
        %parallel_loop3A_321 = vector.shape_cast %parallel_loop3A_320 : vector<1x1x16xf32> to vector<16xf32>
        %parallel_loop3A_322 = vector.shape_cast %parallel_loop3A_314 : vector<16xf32> to vector<1x1x16xf32>
        tpu.vector_store %arg7[%parallel_loop3A_317, %parallel_loop3A_318, %parallel_loop3A_319], %parallel_loop3A_322 {strides = array<i32>} : memref<4x16x512xf32, #tpu.memory_space<vmem>>, vector<1x1x16xf32>,
        %parallel_loop3A_323 = arith.constant 4 : i32
        %parallel_loop3A_324 = arith.index_cast %parallel_loop3A_323 : i32 to index
        %parallel_loop3A_325 = arith.index_cast %parallel_loop3A_110 : i32 to index
        %parallel_loop3A_326 = tpu.vector_load %arg5[%parallel_loop3A_324, %parallel_loop3A_325] {strides = array<i32>} : memref<16x512xf32, #tpu.memory_space<vmem>>, vector<1x16xf32>,
        %parallel_loop3A_327 = vector.shape_cast %parallel_loop3A_326 : vector<1x16xf32> to vector<16xf32>
        %parallel_loop3A_328 = arith.constant 1.000000e-01 : f32
        %parallel_loop3A_329 = vector.broadcast %parallel_loop3A_328 : f32 to vector<16xf32>
        %parallel_loop3A_330 = arith.cmpf olt, %parallel_loop3A_327, %parallel_loop3A_329 : vector<16xf32>
        %parallel_loop3A_331 = arith.select %parallel_loop3A_330, %parallel_loop3A_112, %parallel_loop3A_114 : vector<16xi1>, vector<16xf32>
        %parallel_loop3A_332 = arith.constant 1.000000e+00 : f32
        %parallel_loop3A_333 = vector.broadcast %parallel_loop3A_332 : f32 to vector<16xf32>
        %parallel_loop3A_334 = arith.cmpf olt, %parallel_loop3A_327, %parallel_loop3A_333 : vector<16xf32>
        %parallel_loop3A_335 = arith.select %parallel_loop3A_334, %parallel_loop3A_112, %parallel_loop3A_114 : vector<16xi1>, vector<16xf32>
        %parallel_loop3A_336 = arith.constant 2.500000e+00 : f32
        %parallel_loop3A_337 = vector.broadcast %parallel_loop3A_336 : f32 to vector<16xf32>
        %parallel_loop3A_338 = arith.cmpf olt, %parallel_loop3A_327, %parallel_loop3A_337 : vector<16xf32>
        %parallel_loop3A_339 = arith.select %parallel_loop3A_338, %parallel_loop3A_112, %parallel_loop3A_114 : vector<16xi1>, vector<16xf32>
        %parallel_loop3A_340 = arith.constant 0 : i32
        %parallel_loop3A_341 = arith.constant 4 : i32
        %parallel_loop3A_342 = arith.index_cast %parallel_loop3A_340 : i32 to index
        %parallel_loop3A_343 = arith.index_cast %parallel_loop3A_341 : i32 to index
        %parallel_loop3A_344 = arith.index_cast %parallel_loop3A_110 : i32 to index
        %parallel_loop3A_345 = tpu.vector_load %arg7[%parallel_loop3A_342, %parallel_loop3A_343, %parallel_loop3A_344] {strides = array<i32>} : memref<4x16x512xf32, #tpu.memory_space<vmem>>, vector<1x1x16xf32>,
        %parallel_loop3A_346 = vector.shape_cast %parallel_loop3A_345 : vector<1x1x16xf32> to vector<16xf32>
        %parallel_loop3A_347 = vector.shape_cast %parallel_loop3A_331 : vector<16xf32> to vector<1x1x16xf32>
        tpu.vector_store %arg7[%parallel_loop3A_342, %parallel_loop3A_343, %parallel_loop3A_344], %parallel_loop3A_347 {strides = array<i32>} : memref<4x16x512xf32, #tpu.memory_space<vmem>>, vector<1x1x16xf32>,
        %parallel_loop3A_348 = arith.subf %parallel_loop3A_335, %parallel_loop3A_331 : vector<16xf32>
        %parallel_loop3A_349 = arith.constant 1 : i32
        %parallel_loop3A_350 = arith.constant 4 : i32
        %parallel_loop3A_351 = arith.index_cast %parallel_loop3A_349 : i32 to index
        %parallel_loop3A_352 = arith.index_cast %parallel_loop3A_350 : i32 to index
        %parallel_loop3A_353 = arith.index_cast %parallel_loop3A_110 : i32 to index
        %parallel_loop3A_354 = tpu.vector_load %arg7[%parallel_loop3A_351, %parallel_loop3A_352, %parallel_loop3A_353] {strides = array<i32>} : memref<4x16x512xf32, #tpu.memory_space<vmem>>, vector<1x1x16xf32>,
        %parallel_loop3A_355 = vector.shape_cast %parallel_loop3A_354 : vector<1x1x16xf32> to vector<16xf32>
        %parallel_loop3A_356 = vector.shape_cast %parallel_loop3A_348 : vector<16xf32> to vector<1x1x16xf32>
        tpu.vector_store %arg7[%parallel_loop3A_351, %parallel_loop3A_352, %parallel_loop3A_353], %parallel_loop3A_356 {strides = array<i32>} : memref<4x16x512xf32, #tpu.memory_space<vmem>>, vector<1x1x16xf32>,
        %parallel_loop3A_357 = arith.subf %parallel_loop3A_339, %parallel_loop3A_335 : vector<16xf32>
        %parallel_loop3A_358 = arith.constant 2 : i32
        %parallel_loop3A_359 = arith.constant 4 : i32
        %parallel_loop3A_360 = arith.index_cast %parallel_loop3A_358 : i32 to index
        %parallel_loop3A_361 = arith.index_cast %parallel_loop3A_359 : i32 to index
        %parallel_loop3A_362 = arith.index_cast %parallel_loop3A_110 : i32 to index
        %parallel_loop3A_363 = tpu.vector_load %arg7[%parallel_loop3A_360, %parallel_loop3A_361, %parallel_loop3A_362] {strides = array<i32>} : memref<4x16x512xf32, #tpu.memory_space<vmem>>, vector<1x1x16xf32>,
        %parallel_loop3A_364 = vector.shape_cast %parallel_loop3A_363 : vector<1x1x16xf32> to vector<16xf32>
        %parallel_loop3A_365 = vector.shape_cast %parallel_loop3A_357 : vector<16xf32> to vector<1x1x16xf32>
        tpu.vector_store %arg7[%parallel_loop3A_360, %parallel_loop3A_361, %parallel_loop3A_362], %parallel_loop3A_365 {strides = array<i32>} : memref<4x16x512xf32, #tpu.memory_space<vmem>>, vector<1x1x16xf32>,
        %parallel_loop3A_366 = arith.subf %parallel_loop3A_112, %parallel_loop3A_339 : vector<16xf32>
        %parallel_loop3A_367 = arith.constant 3 : i32
        %parallel_loop3A_368 = arith.constant 4 : i32
        %parallel_loop3A_369 = arith.index_cast %parallel_loop3A_367 : i32 to index
        %parallel_loop3A_370 = arith.index_cast %parallel_loop3A_368 : i32 to index
        %parallel_loop3A_371 = arith.index_cast %parallel_loop3A_110 : i32 to index
        %parallel_loop3A_372 = tpu.vector_load %arg7[%parallel_loop3A_369, %parallel_loop3A_370, %parallel_loop3A_371] {strides = array<i32>} : memref<4x16x512xf32, #tpu.memory_space<vmem>>, vector<1x1x16xf32>,
        %parallel_loop3A_373 = vector.shape_cast %parallel_loop3A_372 : vector<1x1x16xf32> to vector<16xf32>
        %parallel_loop3A_374 = vector.shape_cast %parallel_loop3A_366 : vector<16xf32> to vector<1x1x16xf32>
        tpu.vector_store %arg7[%parallel_loop3A_369, %parallel_loop3A_370, %parallel_loop3A_371], %parallel_loop3A_374 {strides = array<i32>} : memref<4x16x512xf32, #tpu.memory_space<vmem>>, vector<1x1x16xf32>,
        %parallel_loop3A_375 = arith.constant 5 : i32
        %parallel_loop3A_376 = arith.index_cast %parallel_loop3A_375 : i32 to index
        %parallel_loop3A_377 = arith.index_cast %parallel_loop3A_110 : i32 to index
        %parallel_loop3A_378 = tpu.vector_load %arg5[%parallel_loop3A_376, %parallel_loop3A_377] {strides = array<i32>} : memref<16x512xf32, #tpu.memory_space<vmem>>, vector<1x16xf32>,
        %parallel_loop3A_379 = vector.shape_cast %parallel_loop3A_378 : vector<1x16xf32> to vector<16xf32>
        %parallel_loop3A_380 = arith.constant 1.000000e-01 : f32
        %parallel_loop3A_381 = vector.broadcast %parallel_loop3A_380 : f32 to vector<16xf32>
        %parallel_loop3A_382 = arith.cmpf olt, %parallel_loop3A_379, %parallel_loop3A_381 : vector<16xf32>
        %parallel_loop3A_383 = arith.select %parallel_loop3A_382, %parallel_loop3A_112, %parallel_loop3A_114 : vector<16xi1>, vector<16xf32>
        %parallel_loop3A_384 = arith.constant 1.000000e+00 : f32
        %parallel_loop3A_385 = vector.broadcast %parallel_loop3A_384 : f32 to vector<16xf32>
        %parallel_loop3A_386 = arith.cmpf olt, %parallel_loop3A_379, %parallel_loop3A_385 : vector<16xf32>
        %parallel_loop3A_387 = arith.select %parallel_loop3A_386, %parallel_loop3A_112, %parallel_loop3A_114 : vector<16xi1>, vector<16xf32>
        %parallel_loop3A_388 = arith.constant 2.500000e+00 : f32
        %parallel_loop3A_389 = vector.broadcast %parallel_loop3A_388 : f32 to vector<16xf32>
        %parallel_loop3A_390 = arith.cmpf olt, %parallel_loop3A_379, %parallel_loop3A_389 : vector<16xf32>
        %parallel_loop3A_391 = arith.select %parallel_loop3A_390, %parallel_loop3A_112, %parallel_loop3A_114 : vector<16xi1>, vector<16xf32>
        %parallel_loop3A_392 = arith.constant 0 : i32
        %parallel_loop3A_393 = arith.constant 5 : i32
        %parallel_loop3A_394 = arith.index_cast %parallel_loop3A_392 : i32 to index
        %parallel_loop3A_395 = arith.index_cast %parallel_loop3A_393 : i32 to index
        %parallel_loop3A_396 = arith.index_cast %parallel_loop3A_110 : i32 to index
        %parallel_loop3A_397 = tpu.vector_load %arg7[%parallel_loop3A_394, %parallel_loop3A_395, %parallel_loop3A_396] {strides = array<i32>} : memref<4x16x512xf32, #tpu.memory_space<vmem>>, vector<1x1x16xf32>,
        %parallel_loop3A_398 = vector.shape_cast %parallel_loop3A_397 : vector<1x1x16xf32> to vector<16xf32>
        %parallel_loop3A_399 = vector.shape_cast %parallel_loop3A_383 : vector<16xf32> to vector<1x1x16xf32>
        tpu.vector_store %arg7[%parallel_loop3A_394, %parallel_loop3A_395, %parallel_loop3A_396], %parallel_loop3A_399 {strides = array<i32>} : memref<4x16x512xf32, #tpu.memory_space<vmem>>, vector<1x1x16xf32>,
        %parallel_loop3A_400 = arith.subf %parallel_loop3A_387, %parallel_loop3A_383 : vector<16xf32>
        %parallel_loop3A_401 = arith.constant 1 : i32
        %parallel_loop3A_402 = arith.constant 5 : i32
        %parallel_loop3A_403 = arith.index_cast %parallel_loop3A_401 : i32 to index
        %parallel_loop3A_404 = arith.index_cast %parallel_loop3A_402 : i32 to index
        %parallel_loop3A_405 = arith.index_cast %parallel_loop3A_110 : i32 to index
        %parallel_loop3A_406 = tpu.vector_load %arg7[%parallel_loop3A_403, %parallel_loop3A_404, %parallel_loop3A_405] {strides = array<i32>} : memref<4x16x512xf32, #tpu.memory_space<vmem>>, vector<1x1x16xf32>,
        %parallel_loop3A_407 = vector.shape_cast %parallel_loop3A_406 : vector<1x1x16xf32> to vector<16xf32>
        %parallel_loop3A_408 = vector.shape_cast %parallel_loop3A_400 : vector<16xf32> to vector<1x1x16xf32>
        tpu.vector_store %arg7[%parallel_loop3A_403, %parallel_loop3A_404, %parallel_loop3A_405], %parallel_loop3A_408 {strides = array<i32>} : memref<4x16x512xf32, #tpu.memory_space<vmem>>, vector<1x1x16xf32>,
        %parallel_loop3A_409 = arith.subf %parallel_loop3A_391, %parallel_loop3A_387 : vector<16xf32>
        %parallel_loop3A_410 = arith.constant 2 : i32
        %parallel_loop3A_411 = arith.constant 5 : i32
        %parallel_loop3A_412 = arith.index_cast %parallel_loop3A_410 : i32 to index
        %parallel_loop3A_413 = arith.index_cast %parallel_loop3A_411 : i32 to index
        %parallel_loop3A_414 = arith.index_cast %parallel_loop3A_110 : i32 to index
        %parallel_loop3A_415 = tpu.vector_load %arg7[%parallel_loop3A_412, %parallel_loop3A_413, %parallel_loop3A_414] {strides = array<i32>} : memref<4x16x512xf32, #tpu.memory_space<vmem>>, vector<1x1x16xf32>,
        %parallel_loop3A_416 = vector.shape_cast %parallel_loop3A_415 : vector<1x1x16xf32> to vector<16xf32>
        %parallel_loop3A_417 = vector.shape_cast %parallel_loop3A_409 : vector<16xf32> to vector<1x1x16xf32>
        tpu.vector_store %arg7[%parallel_loop3A_412, %parallel_loop3A_413, %parallel_loop3A_414], %parallel_loop3A_417 {strides = array<i32>} : memref<4x16x512xf32, #tpu.memory_space<vmem>>, vector<1x1x16xf32>,
        %parallel_loop3A_418 = arith.subf %parallel_loop3A_112, %parallel_loop3A_391 : vector<16xf32>
        %parallel_loop3A_419 = arith.constant 3 : i32
        %parallel_loop3A_420 = arith.constant 5 : i32
        %parallel_loop3A_421 = arith.index_cast %parallel_loop3A_419 : i32 to index
        %parallel_loop3A_422 = arith.index_cast %parallel_loop3A_420 : i32 to index
        %parallel_loop3A_423 = arith.index_cast %parallel_loop3A_110 : i32 to index
        %parallel_loop3A_424 = tpu.vector_load %arg7[%parallel_loop3A_421, %parallel_loop3A_422, %parallel_loop3A_423] {strides = array<i32>} : memref<4x16x512xf32, #tpu.memory_space<vmem>>, vector<1x1x16xf32>,
        %parallel_loop3A_425 = vector.shape_cast %parallel_loop3A_424 : vector<1x1x16xf32> to vector<16xf32>
        %parallel_loop3A_426 = vector.shape_cast %parallel_loop3A_418 : vector<16xf32> to vector<1x1x16xf32>
        tpu.vector_store %arg7[%parallel_loop3A_421, %parallel_loop3A_422, %parallel_loop3A_423], %parallel_loop3A_426 {strides = array<i32>} : memref<4x16x512xf32, #tpu.memory_space<vmem>>, vector<1x1x16xf32>,
        %parallel_loop3A_427 = arith.constant 6 : i32
        %parallel_loop3A_428 = arith.index_cast %parallel_loop3A_427 : i32 to index
        %parallel_loop3A_429 = arith.index_cast %parallel_loop3A_110 : i32 to index
        %parallel_loop3A_430 = tpu.vector_load %arg5[%parallel_loop3A_428, %parallel_loop3A_429] {strides = array<i32>} : memref<16x512xf32, #tpu.memory_space<vmem>>, vector<1x16xf32>,
        %parallel_loop3A_431 = vector.shape_cast %parallel_loop3A_430 : vector<1x16xf32> to vector<16xf32>
        %parallel_loop3A_432 = arith.constant 1.000000e-01 : f32
        %parallel_loop3A_433 = vector.broadcast %parallel_loop3A_432 : f32 to vector<16xf32>
        %parallel_loop3A_434 = arith.cmpf olt, %parallel_loop3A_431, %parallel_loop3A_433 : vector<16xf32>
        %parallel_loop3A_435 = arith.select %parallel_loop3A_434, %parallel_loop3A_112, %parallel_loop3A_114 : vector<16xi1>, vector<16xf32>
        %parallel_loop3A_436 = arith.constant 1.000000e+00 : f32
        %parallel_loop3A_437 = vector.broadcast %parallel_loop3A_436 : f32 to vector<16xf32>
        %parallel_loop3A_438 = arith.cmpf olt, %parallel_loop3A_431, %parallel_loop3A_437 : vector<16xf32>
        %parallel_loop3A_439 = arith.select %parallel_loop3A_438, %parallel_loop3A_112, %parallel_loop3A_114 : vector<16xi1>, vector<16xf32>
        %parallel_loop3A_440 = arith.constant 2.500000e+00 : f32
        %parallel_loop3A_441 = vector.broadcast %parallel_loop3A_440 : f32 to vector<16xf32>
        %parallel_loop3A_442 = arith.cmpf olt, %parallel_loop3A_431, %parallel_loop3A_441 : vector<16xf32>
        %parallel_loop3A_443 = arith.select %parallel_loop3A_442, %parallel_loop3A_112, %parallel_loop3A_114 : vector<16xi1>, vector<16xf32>
        %parallel_loop3A_444 = arith.constant 0 : i32
        %parallel_loop3A_445 = arith.constant 6 : i32
        %parallel_loop3A_446 = arith.index_cast %parallel_loop3A_444 : i32 to index
        %parallel_loop3A_447 = arith.index_cast %parallel_loop3A_445 : i32 to index
        %parallel_loop3A_448 = arith.index_cast %parallel_loop3A_110 : i32 to index
        %parallel_loop3A_449 = tpu.vector_load %arg7[%parallel_loop3A_446, %parallel_loop3A_447, %parallel_loop3A_448] {strides = array<i32>} : memref<4x16x512xf32, #tpu.memory_space<vmem>>, vector<1x1x16xf32>,
        %parallel_loop3A_450 = vector.shape_cast %parallel_loop3A_449 : vector<1x1x16xf32> to vector<16xf32>
        %parallel_loop3A_451 = vector.shape_cast %parallel_loop3A_435 : vector<16xf32> to vector<1x1x16xf32>
        tpu.vector_store %arg7[%parallel_loop3A_446, %parallel_loop3A_447, %parallel_loop3A_448], %parallel_loop3A_451 {strides = array<i32>} : memref<4x16x512xf32, #tpu.memory_space<vmem>>, vector<1x1x16xf32>,
        %parallel_loop3A_452 = arith.subf %parallel_loop3A_439, %parallel_loop3A_435 : vector<16xf32>
        %parallel_loop3A_453 = arith.constant 1 : i32
        %parallel_loop3A_454 = arith.constant 6 : i32
        %parallel_loop3A_455 = arith.index_cast %parallel_loop3A_453 : i32 to index
        %parallel_loop3A_456 = arith.index_cast %parallel_loop3A_454 : i32 to index
        %parallel_loop3A_457 = arith.index_cast %parallel_loop3A_110 : i32 to index
        %parallel_loop3A_458 = tpu.vector_load %arg7[%parallel_loop3A_455, %parallel_loop3A_456, %parallel_loop3A_457] {strides = array<i32>} : memref<4x16x512xf32, #tpu.memory_space<vmem>>, vector<1x1x16xf32>,
        %parallel_loop3A_459 = vector.shape_cast %parallel_loop3A_458 : vector<1x1x16xf32> to vector<16xf32>
        %parallel_loop3A_460 = vector.shape_cast %parallel_loop3A_452 : vector<16xf32> to vector<1x1x16xf32>
        tpu.vector_store %arg7[%parallel_loop3A_455, %parallel_loop3A_456, %parallel_loop3A_457], %parallel_loop3A_460 {strides = array<i32>} : memref<4x16x512xf32, #tpu.memory_space<vmem>>, vector<1x1x16xf32>,
        %parallel_loop3A_461 = arith.subf %parallel_loop3A_443, %parallel_loop3A_439 : vector<16xf32>
        %parallel_loop3A_462 = arith.constant 2 : i32
        %parallel_loop3A_463 = arith.constant 6 : i32
        %parallel_loop3A_464 = arith.index_cast %parallel_loop3A_462 : i32 to index
        %parallel_loop3A_465 = arith.index_cast %parallel_loop3A_463 : i32 to index
        %parallel_loop3A_466 = arith.index_cast %parallel_loop3A_110 : i32 to index
        %parallel_loop3A_467 = tpu.vector_load %arg7[%parallel_loop3A_464, %parallel_loop3A_465, %parallel_loop3A_466] {strides = array<i32>} : memref<4x16x512xf32, #tpu.memory_space<vmem>>, vector<1x1x16xf32>,
        %parallel_loop3A_468 = vector.shape_cast %parallel_loop3A_467 : vector<1x1x16xf32> to vector<16xf32>
        %parallel_loop3A_469 = vector.shape_cast %parallel_loop3A_461 : vector<16xf32> to vector<1x1x16xf32>
        tpu.vector_store %arg7[%parallel_loop3A_464, %parallel_loop3A_465, %parallel_loop3A_466], %parallel_loop3A_469 {strides = array<i32>} : memref<4x16x512xf32, #tpu.memory_space<vmem>>, vector<1x1x16xf32>,
        %parallel_loop3A_470 = arith.subf %parallel_loop3A_112, %parallel_loop3A_443 : vector<16xf32>
        %parallel_loop3A_471 = arith.constant 3 : i32
        %parallel_loop3A_472 = arith.constant 6 : i32
        %parallel_loop3A_473 = arith.index_cast %parallel_loop3A_471 : i32 to index
        %parallel_loop3A_474 = arith.index_cast %parallel_loop3A_472 : i32 to index
        %parallel_loop3A_475 = arith.index_cast %parallel_loop3A_110 : i32 to index
        %parallel_loop3A_476 = tpu.vector_load %arg7[%parallel_loop3A_473, %parallel_loop3A_474, %parallel_loop3A_475] {strides = array<i32>} : memref<4x16x512xf32, #tpu.memory_space<vmem>>, vector<1x1x16xf32>,
        %parallel_loop3A_477 = vector.shape_cast %parallel_loop3A_476 : vector<1x1x16xf32> to vector<16xf32>
        %parallel_loop3A_478 = vector.shape_cast %parallel_loop3A_470 : vector<16xf32> to vector<1x1x16xf32>
        tpu.vector_store %arg7[%parallel_loop3A_473, %parallel_loop3A_474, %parallel_loop3A_475], %parallel_loop3A_478 {strides = array<i32>} : memref<4x16x512xf32, #tpu.memory_space<vmem>>, vector<1x1x16xf32>,
        %parallel_loop3A_479 = arith.constant 7 : i32
        %parallel_loop3A_480 = arith.index_cast %parallel_loop3A_479 : i32 to index
        %parallel_loop3A_481 = arith.index_cast %parallel_loop3A_110 : i32 to index
        %parallel_loop3A_482 = tpu.vector_load %arg5[%parallel_loop3A_480, %parallel_loop3A_481] {strides = array<i32>} : memref<16x512xf32, #tpu.memory_space<vmem>>, vector<1x16xf32>,
        %parallel_loop3A_483 = vector.shape_cast %parallel_loop3A_482 : vector<1x16xf32> to vector<16xf32>
        %parallel_loop3A_484 = arith.constant 1.000000e-01 : f32
        %parallel_loop3A_485 = vector.broadcast %parallel_loop3A_484 : f32 to vector<16xf32>
        %parallel_loop3A_486 = arith.cmpf olt, %parallel_loop3A_483, %parallel_loop3A_485 : vector<16xf32>
        %parallel_loop3A_487 = arith.select %parallel_loop3A_486, %parallel_loop3A_112, %parallel_loop3A_114 : vector<16xi1>, vector<16xf32>
        %parallel_loop3A_488 = arith.constant 1.000000e+00 : f32
        %parallel_loop3A_489 = vector.broadcast %parallel_loop3A_488 : f32 to vector<16xf32>
        %parallel_loop3A_490 = arith.cmpf olt, %parallel_loop3A_483, %parallel_loop3A_489 : vector<16xf32>
        %parallel_loop3A_491 = arith.select %parallel_loop3A_490, %parallel_loop3A_112, %parallel_loop3A_114 : vector<16xi1>, vector<16xf32>
        %parallel_loop3A_492 = arith.constant 2.500000e+00 : f32
        %parallel_loop3A_493 = vector.broadcast %parallel_loop3A_492 : f32 to vector<16xf32>
        %parallel_loop3A_494 = arith.cmpf olt, %parallel_loop3A_483, %parallel_loop3A_493 : vector<16xf32>
        %parallel_loop3A_495 = arith.select %parallel_loop3A_494, %parallel_loop3A_112, %parallel_loop3A_114 : vector<16xi1>, vector<16xf32>
        %parallel_loop3A_496 = arith.constant 0 : i32
        %parallel_loop3A_497 = arith.constant 7 : i32
        %parallel_loop3A_498 = arith.index_cast %parallel_loop3A_496 : i32 to index
        %parallel_loop3A_499 = arith.index_cast %parallel_loop3A_497 : i32 to index
        %parallel_loop3A_500 = arith.index_cast %parallel_loop3A_110 : i32 to index
        %parallel_loop3A_501 = tpu.vector_load %arg7[%parallel_loop3A_498, %parallel_loop3A_499, %parallel_loop3A_500] {strides = array<i32>} : memref<4x16x512xf32, #tpu.memory_space<vmem>>, vector<1x1x16xf32>,
        %parallel_loop3A_502 = vector.shape_cast %parallel_loop3A_501 : vector<1x1x16xf32> to vector<16xf32>
        %parallel_loop3A_503 = vector.shape_cast %parallel_loop3A_487 : vector<16xf32> to vector<1x1x16xf32>
        tpu.vector_store %arg7[%parallel_loop3A_498, %parallel_loop3A_499, %parallel_loop3A_500], %parallel_loop3A_503 {strides = array<i32>} : memref<4x16x512xf32, #tpu.memory_space<vmem>>, vector<1x1x16xf32>,
        %parallel_loop3A_504 = arith.subf %parallel_loop3A_491, %parallel_loop3A_487 : vector<16xf32>
        %parallel_loop3A_505 = arith.constant 1 : i32
        %parallel_loop3A_506 = arith.constant 7 : i32
        %parallel_loop3A_507 = arith.index_cast %parallel_loop3A_505 : i32 to index
        %parallel_loop3A_508 = arith.index_cast %parallel_loop3A_506 : i32 to index
        %parallel_loop3A_509 = arith.index_cast %parallel_loop3A_110 : i32 to index
        %parallel_loop3A_510 = tpu.vector_load %arg7[%parallel_loop3A_507, %parallel_loop3A_508, %parallel_loop3A_509] {strides = array<i32>} : memref<4x16x512xf32, #tpu.memory_space<vmem>>, vector<1x1x16xf32>,
        %parallel_loop3A_511 = vector.shape_cast %parallel_loop3A_510 : vector<1x1x16xf32> to vector<16xf32>
        %parallel_loop3A_512 = vector.shape_cast %parallel_loop3A_504 : vector<16xf32> to vector<1x1x16xf32>
        tpu.vector_store %arg7[%parallel_loop3A_507, %parallel_loop3A_508, %parallel_loop3A_509], %parallel_loop3A_512 {strides = array<i32>} : memref<4x16x512xf32, #tpu.memory_space<vmem>>, vector<1x1x16xf32>,
        %parallel_loop3A_513 = arith.subf %parallel_loop3A_495, %parallel_loop3A_491 : vector<16xf32>
        %parallel_loop3A_514 = arith.constant 2 : i32
        %parallel_loop3A_515 = arith.constant 7 : i32
        %parallel_loop3A_516 = arith.index_cast %parallel_loop3A_514 : i32 to index
        %parallel_loop3A_517 = arith.index_cast %parallel_loop3A_515 : i32 to index
        %parallel_loop3A_518 = arith.index_cast %parallel_loop3A_110 : i32 to index
        %parallel_loop3A_519 = tpu.vector_load %arg7[%parallel_loop3A_516, %parallel_loop3A_517, %parallel_loop3A_518] {strides = array<i32>} : memref<4x16x512xf32, #tpu.memory_space<vmem>>, vector<1x1x16xf32>,
        %parallel_loop3A_520 = vector.shape_cast %parallel_loop3A_519 : vector<1x1x16xf32> to vector<16xf32>
        %parallel_loop3A_521 = vector.shape_cast %parallel_loop3A_513 : vector<16xf32> to vector<1x1x16xf32>
        tpu.vector_store %arg7[%parallel_loop3A_516, %parallel_loop3A_517, %parallel_loop3A_518], %parallel_loop3A_521 {strides = array<i32>} : memref<4x16x512xf32, #tpu.memory_space<vmem>>, vector<1x1x16xf32>,
        %parallel_loop3A_522 = arith.subf %parallel_loop3A_112, %parallel_loop3A_495 : vector<16xf32>
        %parallel_loop3A_523 = arith.constant 3 : i32
        %parallel_loop3A_524 = arith.constant 7 : i32
        %parallel_loop3A_525 = arith.index_cast %parallel_loop3A_523 : i32 to index
        %parallel_loop3A_526 = arith.index_cast %parallel_loop3A_524 : i32 to index
        %parallel_loop3A_527 = arith.index_cast %parallel_loop3A_110 : i32 to index
        %parallel_loop3A_528 = tpu.vector_load %arg7[%parallel_loop3A_525, %parallel_loop3A_526, %parallel_loop3A_527] {strides = array<i32>} : memref<4x16x512xf32, #tpu.memory_space<vmem>>, vector<1x1x16xf32>,
        %parallel_loop3A_529 = vector.shape_cast %parallel_loop3A_528 : vector<1x1x16xf32> to vector<16xf32>
        %parallel_loop3A_530 = vector.shape_cast %parallel_loop3A_522 : vector<16xf32> to vector<1x1x16xf32>
        tpu.vector_store %arg7[%parallel_loop3A_525, %parallel_loop3A_526, %parallel_loop3A_527], %parallel_loop3A_530 {strides = array<i32>} : memref<4x16x512xf32, #tpu.memory_space<vmem>>, vector<1x1x16xf32>,
        %parallel_loop3A_531 = arith.constant 8 : i32
        %parallel_loop3A_532 = arith.index_cast %parallel_loop3A_531 : i32 to index
        %parallel_loop3A_533 = arith.index_cast %parallel_loop3A_110 : i32 to index
        %parallel_loop3A_534 = tpu.vector_load %arg5[%parallel_loop3A_532, %parallel_loop3A_533] {strides = array<i32>} : memref<16x512xf32, #tpu.memory_space<vmem>>, vector<1x16xf32>,
        %parallel_loop3A_535 = vector.shape_cast %parallel_loop3A_534 : vector<1x16xf32> to vector<16xf32>
        %parallel_loop3A_536 = arith.constant 1.000000e-01 : f32
        %parallel_loop3A_537 = vector.broadcast %parallel_loop3A_536 : f32 to vector<16xf32>
        %parallel_loop3A_538 = arith.cmpf olt, %parallel_loop3A_535, %parallel_loop3A_537 : vector<16xf32>
        %parallel_loop3A_539 = arith.select %parallel_loop3A_538, %parallel_loop3A_112, %parallel_loop3A_114 : vector<16xi1>, vector<16xf32>
        %parallel_loop3A_540 = arith.constant 1.000000e+00 : f32
        %parallel_loop3A_541 = vector.broadcast %parallel_loop3A_540 : f32 to vector<16xf32>
        %parallel_loop3A_542 = arith.cmpf olt, %parallel_loop3A_535, %parallel_loop3A_541 : vector<16xf32>
        %parallel_loop3A_543 = arith.select %parallel_loop3A_542, %parallel_loop3A_112, %parallel_loop3A_114 : vector<16xi1>, vector<16xf32>
        %parallel_loop3A_544 = arith.constant 2.500000e+00 : f32
        %parallel_loop3A_545 = vector.broadcast %parallel_loop3A_544 : f32 to vector<16xf32>
        %parallel_loop3A_546 = arith.cmpf olt, %parallel_loop3A_535, %parallel_loop3A_545 : vector<16xf32>
        %parallel_loop3A_547 = arith.select %parallel_loop3A_546, %parallel_loop3A_112, %parallel_loop3A_114 : vector<16xi1>, vector<16xf32>
        %parallel_loop3A_548 = arith.constant 0 : i32
        %parallel_loop3A_549 = arith.constant 8 : i32
        %parallel_loop3A_550 = arith.index_cast %parallel_loop3A_548 : i32 to index
        %parallel_loop3A_551 = arith.index_cast %parallel_loop3A_549 : i32 to index
        %parallel_loop3A_552 = arith.index_cast %parallel_loop3A_110 : i32 to index
        %parallel_loop3A_553 = tpu.vector_load %arg7[%parallel_loop3A_550, %parallel_loop3A_551, %parallel_loop3A_552] {strides = array<i32>} : memref<4x16x512xf32, #tpu.memory_space<vmem>>, vector<1x1x16xf32>,
        %parallel_loop3A_554 = vector.shape_cast %parallel_loop3A_553 : vector<1x1x16xf32> to vector<16xf32>
        %parallel_loop3A_555 = vector.shape_cast %parallel_loop3A_539 : vector<16xf32> to vector<1x1x16xf32>
        tpu.vector_store %arg7[%parallel_loop3A_550, %parallel_loop3A_551, %parallel_loop3A_552], %parallel_loop3A_555 {strides = array<i32>} : memref<4x16x512xf32, #tpu.memory_space<vmem>>, vector<1x1x16xf32>,
        %parallel_loop3A_556 = arith.subf %parallel_loop3A_543, %parallel_loop3A_539 : vector<16xf32>
        %parallel_loop3A_557 = arith.constant 1 : i32
        %parallel_loop3A_558 = arith.constant 8 : i32
        %parallel_loop3A_559 = arith.index_cast %parallel_loop3A_557 : i32 to index
        %parallel_loop3A_560 = arith.index_cast %parallel_loop3A_558 : i32 to index
        %parallel_loop3A_561 = arith.index_cast %parallel_loop3A_110 : i32 to index
        %parallel_loop3A_562 = tpu.vector_load %arg7[%parallel_loop3A_559, %parallel_loop3A_560, %parallel_loop3A_561] {strides = array<i32>} : memref<4x16x512xf32, #tpu.memory_space<vmem>>, vector<1x1x16xf32>,
        %parallel_loop3A_563 = vector.shape_cast %parallel_loop3A_562 : vector<1x1x16xf32> to vector<16xf32>
        %parallel_loop3A_564 = vector.shape_cast %parallel_loop3A_556 : vector<16xf32> to vector<1x1x16xf32>
        tpu.vector_store %arg7[%parallel_loop3A_559, %parallel_loop3A_560, %parallel_loop3A_561], %parallel_loop3A_564 {strides = array<i32>} : memref<4x16x512xf32, #tpu.memory_space<vmem>>, vector<1x1x16xf32>,
        %parallel_loop3A_565 = arith.subf %parallel_loop3A_547, %parallel_loop3A_543 : vector<16xf32>
        %parallel_loop3A_566 = arith.constant 2 : i32
        %parallel_loop3A_567 = arith.constant 8 : i32
        %parallel_loop3A_568 = arith.index_cast %parallel_loop3A_566 : i32 to index
        %parallel_loop3A_569 = arith.index_cast %parallel_loop3A_567 : i32 to index
        %parallel_loop3A_570 = arith.index_cast %parallel_loop3A_110 : i32 to index
        %parallel_loop3A_571 = tpu.vector_load %arg7[%parallel_loop3A_568, %parallel_loop3A_569, %parallel_loop3A_570] {strides = array<i32>} : memref<4x16x512xf32, #tpu.memory_space<vmem>>, vector<1x1x16xf32>,
        %parallel_loop3A_572 = vector.shape_cast %parallel_loop3A_571 : vector<1x1x16xf32> to vector<16xf32>
        %parallel_loop3A_573 = vector.shape_cast %parallel_loop3A_565 : vector<16xf32> to vector<1x1x16xf32>
        tpu.vector_store %arg7[%parallel_loop3A_568, %parallel_loop3A_569, %parallel_loop3A_570], %parallel_loop3A_573 {strides = array<i32>} : memref<4x16x512xf32, #tpu.memory_space<vmem>>, vector<1x1x16xf32>,
        %parallel_loop3A_574 = arith.subf %parallel_loop3A_112, %parallel_loop3A_547 : vector<16xf32>
        %parallel_loop3A_575 = arith.constant 3 : i32
        %parallel_loop3A_576 = arith.constant 8 : i32
        %parallel_loop3A_577 = arith.index_cast %parallel_loop3A_575 : i32 to index
        %parallel_loop3A_578 = arith.index_cast %parallel_loop3A_576 : i32 to index
        %parallel_loop3A_579 = arith.index_cast %parallel_loop3A_110 : i32 to index
        %parallel_loop3A_580 = tpu.vector_load %arg7[%parallel_loop3A_577, %parallel_loop3A_578, %parallel_loop3A_579] {strides = array<i32>} : memref<4x16x512xf32, #tpu.memory_space<vmem>>, vector<1x1x16xf32>,
        %parallel_loop3A_581 = vector.shape_cast %parallel_loop3A_580 : vector<1x1x16xf32> to vector<16xf32>
        %parallel_loop3A_582 = vector.shape_cast %parallel_loop3A_574 : vector<16xf32> to vector<1x1x16xf32>
        tpu.vector_store %arg7[%parallel_loop3A_577, %parallel_loop3A_578, %parallel_loop3A_579], %parallel_loop3A_582 {strides = array<i32>} : memref<4x16x512xf32, #tpu.memory_space<vmem>>, vector<1x1x16xf32>,
        %parallel_loop3A_583 = arith.constant 9 : i32
        %parallel_loop3A_584 = arith.index_cast %parallel_loop3A_583 : i32 to index
        %parallel_loop3A_585 = arith.index_cast %parallel_loop3A_110 : i32 to index
        %parallel_loop3A_586 = tpu.vector_load %arg5[%parallel_loop3A_584, %parallel_loop3A_585] {strides = array<i32>} : memref<16x512xf32, #tpu.memory_space<vmem>>, vector<1x16xf32>,
        %parallel_loop3A_587 = vector.shape_cast %parallel_loop3A_586 : vector<1x16xf32> to vector<16xf32>
        %parallel_loop3A_588 = arith.constant 1.000000e-01 : f32
        %parallel_loop3A_589 = vector.broadcast %parallel_loop3A_588 : f32 to vector<16xf32>
        %parallel_loop3A_590 = arith.cmpf olt, %parallel_loop3A_587, %parallel_loop3A_589 : vector<16xf32>
        %parallel_loop3A_591 = arith.select %parallel_loop3A_590, %parallel_loop3A_112, %parallel_loop3A_114 : vector<16xi1>, vector<16xf32>
        %parallel_loop3A_592 = arith.constant 1.000000e+00 : f32
        %parallel_loop3A_593 = vector.broadcast %parallel_loop3A_592 : f32 to vector<16xf32>
        %parallel_loop3A_594 = arith.cmpf olt, %parallel_loop3A_587, %parallel_loop3A_593 : vector<16xf32>
        %parallel_loop3A_595 = arith.select %parallel_loop3A_594, %parallel_loop3A_112, %parallel_loop3A_114 : vector<16xi1>, vector<16xf32>
        %parallel_loop3A_596 = arith.constant 2.500000e+00 : f32
        %parallel_loop3A_597 = vector.broadcast %parallel_loop3A_596 : f32 to vector<16xf32>
        %parallel_loop3A_598 = arith.cmpf olt, %parallel_loop3A_587, %parallel_loop3A_597 : vector<16xf32>
        %parallel_loop3A_599 = arith.select %parallel_loop3A_598, %parallel_loop3A_112, %parallel_loop3A_114 : vector<16xi1>, vector<16xf32>
        %parallel_loop3A_600 = arith.constant 0 : i32
        %parallel_loop3A_601 = arith.constant 9 : i32
        %parallel_loop3A_602 = arith.index_cast %parallel_loop3A_600 : i32 to index
        %parallel_loop3A_603 = arith.index_cast %parallel_loop3A_601 : i32 to index
        %parallel_loop3A_604 = arith.index_cast %parallel_loop3A_110 : i32 to index
        %parallel_loop3A_605 = tpu.vector_load %arg7[%parallel_loop3A_602, %parallel_loop3A_603, %parallel_loop3A_604] {strides = array<i32>} : memref<4x16x512xf32, #tpu.memory_space<vmem>>, vector<1x1x16xf32>,
        %parallel_loop3A_606 = vector.shape_cast %parallel_loop3A_605 : vector<1x1x16xf32> to vector<16xf32>
        %parallel_loop3A_607 = vector.shape_cast %parallel_loop3A_591 : vector<16xf32> to vector<1x1x16xf32>
        tpu.vector_store %arg7[%parallel_loop3A_602, %parallel_loop3A_603, %parallel_loop3A_604], %parallel_loop3A_607 {strides = array<i32>} : memref<4x16x512xf32, #tpu.memory_space<vmem>>, vector<1x1x16xf32>,
        %parallel_loop3A_608 = arith.subf %parallel_loop3A_595, %parallel_loop3A_591 : vector<16xf32>
        %parallel_loop3A_609 = arith.constant 1 : i32
        %parallel_loop3A_610 = arith.constant 9 : i32
        %parallel_loop3A_611 = arith.index_cast %parallel_loop3A_609 : i32 to index
        %parallel_loop3A_612 = arith.index_cast %parallel_loop3A_610 : i32 to index
        %parallel_loop3A_613 = arith.index_cast %parallel_loop3A_110 : i32 to index
        %parallel_loop3A_614 = tpu.vector_load %arg7[%parallel_loop3A_611, %parallel_loop3A_612, %parallel_loop3A_613] {strides = array<i32>} : memref<4x16x512xf32, #tpu.memory_space<vmem>>, vector<1x1x16xf32>,
        %parallel_loop3A_615 = vector.shape_cast %parallel_loop3A_614 : vector<1x1x16xf32> to vector<16xf32>
        %parallel_loop3A_616 = vector.shape_cast %parallel_loop3A_608 : vector<16xf32> to vector<1x1x16xf32>
        tpu.vector_store %arg7[%parallel_loop3A_611, %parallel_loop3A_612, %parallel_loop3A_613], %parallel_loop3A_616 {strides = array<i32>} : memref<4x16x512xf32, #tpu.memory_space<vmem>>, vector<1x1x16xf32>,
        %parallel_loop3A_617 = arith.subf %parallel_loop3A_599, %parallel_loop3A_595 : vector<16xf32>
        %parallel_loop3A_618 = arith.constant 2 : i32
        %parallel_loop3A_619 = arith.constant 9 : i32
        %parallel_loop3A_620 = arith.index_cast %parallel_loop3A_618 : i32 to index
        %parallel_loop3A_621 = arith.index_cast %parallel_loop3A_619 : i32 to index
        %parallel_loop3A_622 = arith.index_cast %parallel_loop3A_110 : i32 to index
        %parallel_loop3A_623 = tpu.vector_load %arg7[%parallel_loop3A_620, %parallel_loop3A_621, %parallel_loop3A_622] {strides = array<i32>} : memref<4x16x512xf32, #tpu.memory_space<vmem>>, vector<1x1x16xf32>,
        %parallel_loop3A_624 = vector.shape_cast %parallel_loop3A_623 : vector<1x1x16xf32> to vector<16xf32>
        %parallel_loop3A_625 = vector.shape_cast %parallel_loop3A_617 : vector<16xf32> to vector<1x1x16xf32>
        tpu.vector_store %arg7[%parallel_loop3A_620, %parallel_loop3A_621, %parallel_loop3A_622], %parallel_loop3A_625 {strides = array<i32>} : memref<4x16x512xf32, #tpu.memory_space<vmem>>, vector<1x1x16xf32>,
        %parallel_loop3A_626 = arith.subf %parallel_loop3A_112, %parallel_loop3A_599 : vector<16xf32>
        %parallel_loop3A_627 = arith.constant 3 : i32
        %parallel_loop3A_628 = arith.constant 9 : i32
        %parallel_loop3A_629 = arith.index_cast %parallel_loop3A_627 : i32 to index
        %parallel_loop3A_630 = arith.index_cast %parallel_loop3A_628 : i32 to index
        %parallel_loop3A_631 = arith.index_cast %parallel_loop3A_110 : i32 to index
        %parallel_loop3A_632 = tpu.vector_load %arg7[%parallel_loop3A_629, %parallel_loop3A_630, %parallel_loop3A_631] {strides = array<i32>} : memref<4x16x512xf32, #tpu.memory_space<vmem>>, vector<1x1x16xf32>,
        %parallel_loop3A_633 = vector.shape_cast %parallel_loop3A_632 : vector<1x1x16xf32> to vector<16xf32>
        %parallel_loop3A_634 = vector.shape_cast %parallel_loop3A_626 : vector<16xf32> to vector<1x1x16xf32>
        tpu.vector_store %arg7[%parallel_loop3A_629, %parallel_loop3A_630, %parallel_loop3A_631], %parallel_loop3A_634 {strides = array<i32>} : memref<4x16x512xf32, #tpu.memory_space<vmem>>, vector<1x1x16xf32>,
        %parallel_loop3A_635 = arith.constant 10 : i32
        %parallel_loop3A_636 = arith.index_cast %parallel_loop3A_635 : i32 to index
        %parallel_loop3A_637 = arith.index_cast %parallel_loop3A_110 : i32 to index
        %parallel_loop3A_638 = tpu.vector_load %arg5[%parallel_loop3A_636, %parallel_loop3A_637] {strides = array<i32>} : memref<16x512xf32, #tpu.memory_space<vmem>>, vector<1x16xf32>,
        %parallel_loop3A_639 = vector.shape_cast %parallel_loop3A_638 : vector<1x16xf32> to vector<16xf32>
        %parallel_loop3A_640 = arith.constant 1.000000e-01 : f32
        %parallel_loop3A_641 = vector.broadcast %parallel_loop3A_640 : f32 to vector<16xf32>
        %parallel_loop3A_642 = arith.cmpf olt, %parallel_loop3A_639, %parallel_loop3A_641 : vector<16xf32>
        %parallel_loop3A_643 = arith.select %parallel_loop3A_642, %parallel_loop3A_112, %parallel_loop3A_114 : vector<16xi1>, vector<16xf32>
        %parallel_loop3A_644 = arith.constant 1.000000e+00 : f32
        %parallel_loop3A_645 = vector.broadcast %parallel_loop3A_644 : f32 to vector<16xf32>
        %parallel_loop3A_646 = arith.cmpf olt, %parallel_loop3A_639, %parallel_loop3A_645 : vector<16xf32>
        %parallel_loop3A_647 = arith.select %parallel_loop3A_646, %parallel_loop3A_112, %parallel_loop3A_114 : vector<16xi1>, vector<16xf32>
        %parallel_loop3A_648 = arith.constant 2.500000e+00 : f32
        %parallel_loop3A_649 = vector.broadcast %parallel_loop3A_648 : f32 to vector<16xf32>
        %parallel_loop3A_650 = arith.cmpf olt, %parallel_loop3A_639, %parallel_loop3A_649 : vector<16xf32>
        %parallel_loop3A_651 = arith.select %parallel_loop3A_650, %parallel_loop3A_112, %parallel_loop3A_114 : vector<16xi1>, vector<16xf32>
        %parallel_loop3A_652 = arith.constant 0 : i32
        %parallel_loop3A_653 = arith.constant 10 : i32
        %parallel_loop3A_654 = arith.index_cast %parallel_loop3A_652 : i32 to index
        %parallel_loop3A_655 = arith.index_cast %parallel_loop3A_653 : i32 to index
        %parallel_loop3A_656 = arith.index_cast %parallel_loop3A_110 : i32 to index
        %parallel_loop3A_657 = tpu.vector_load %arg7[%parallel_loop3A_654, %parallel_loop3A_655, %parallel_loop3A_656] {strides = array<i32>} : memref<4x16x512xf32, #tpu.memory_space<vmem>>, vector<1x1x16xf32>,
        %parallel_loop3A_658 = vector.shape_cast %parallel_loop3A_657 : vector<1x1x16xf32> to vector<16xf32>
        %parallel_loop3A_659 = vector.shape_cast %parallel_loop3A_643 : vector<16xf32> to vector<1x1x16xf32>
        tpu.vector_store %arg7[%parallel_loop3A_654, %parallel_loop3A_655, %parallel_loop3A_656], %parallel_loop3A_659 {strides = array<i32>} : memref<4x16x512xf32, #tpu.memory_space<vmem>>, vector<1x1x16xf32>,
        %parallel_loop3A_660 = arith.subf %parallel_loop3A_647, %parallel_loop3A_643 : vector<16xf32>
        %parallel_loop3A_661 = arith.constant 1 : i32
        %parallel_loop3A_662 = arith.constant 10 : i32
        %parallel_loop3A_663 = arith.index_cast %parallel_loop3A_661 : i32 to index
        %parallel_loop3A_664 = arith.index_cast %parallel_loop3A_662 : i32 to index
        %parallel_loop3A_665 = arith.index_cast %parallel_loop3A_110 : i32 to index
        %parallel_loop3A_666 = tpu.vector_load %arg7[%parallel_loop3A_663, %parallel_loop3A_664, %parallel_loop3A_665] {strides = array<i32>} : memref<4x16x512xf32, #tpu.memory_space<vmem>>, vector<1x1x16xf32>,
        %parallel_loop3A_667 = vector.shape_cast %parallel_loop3A_666 : vector<1x1x16xf32> to vector<16xf32>
        %parallel_loop3A_668 = vector.shape_cast %parallel_loop3A_660 : vector<16xf32> to vector<1x1x16xf32>
        tpu.vector_store %arg7[%parallel_loop3A_663, %parallel_loop3A_664, %parallel_loop3A_665], %parallel_loop3A_668 {strides = array<i32>} : memref<4x16x512xf32, #tpu.memory_space<vmem>>, vector<1x1x16xf32>,
        %parallel_loop3A_669 = arith.subf %parallel_loop3A_651, %parallel_loop3A_647 : vector<16xf32>
        %parallel_loop3A_670 = arith.constant 2 : i32
        %parallel_loop3A_671 = arith.constant 10 : i32
        %parallel_loop3A_672 = arith.index_cast %parallel_loop3A_670 : i32 to index
        %parallel_loop3A_673 = arith.index_cast %parallel_loop3A_671 : i32 to index
        %parallel_loop3A_674 = arith.index_cast %parallel_loop3A_110 : i32 to index
        %parallel_loop3A_675 = tpu.vector_load %arg7[%parallel_loop3A_672, %parallel_loop3A_673, %parallel_loop3A_674] {strides = array<i32>} : memref<4x16x512xf32, #tpu.memory_space<vmem>>, vector<1x1x16xf32>,
        %parallel_loop3A_676 = vector.shape_cast %parallel_loop3A_675 : vector<1x1x16xf32> to vector<16xf32>
        %parallel_loop3A_677 = vector.shape_cast %parallel_loop3A_669 : vector<16xf32> to vector<1x1x16xf32>
        tpu.vector_store %arg7[%parallel_loop3A_672, %parallel_loop3A_673, %parallel_loop3A_674], %parallel_loop3A_677 {strides = array<i32>} : memref<4x16x512xf32, #tpu.memory_space<vmem>>, vector<1x1x16xf32>,
        %parallel_loop3A_678 = arith.subf %parallel_loop3A_112, %parallel_loop3A_651 : vector<16xf32>
        %parallel_loop3A_679 = arith.constant 3 : i32
        %parallel_loop3A_680 = arith.constant 10 : i32
        %parallel_loop3A_681 = arith.index_cast %parallel_loop3A_679 : i32 to index
        %parallel_loop3A_682 = arith.index_cast %parallel_loop3A_680 : i32 to index
        %parallel_loop3A_683 = arith.index_cast %parallel_loop3A_110 : i32 to index
        %parallel_loop3A_684 = tpu.vector_load %arg7[%parallel_loop3A_681, %parallel_loop3A_682, %parallel_loop3A_683] {strides = array<i32>} : memref<4x16x512xf32, #tpu.memory_space<vmem>>, vector<1x1x16xf32>,
        %parallel_loop3A_685 = vector.shape_cast %parallel_loop3A_684 : vector<1x1x16xf32> to vector<16xf32>
        %parallel_loop3A_686 = vector.shape_cast %parallel_loop3A_678 : vector<16xf32> to vector<1x1x16xf32>
        tpu.vector_store %arg7[%parallel_loop3A_681, %parallel_loop3A_682, %parallel_loop3A_683], %parallel_loop3A_686 {strides = array<i32>} : memref<4x16x512xf32, #tpu.memory_space<vmem>>, vector<1x1x16xf32>,
        %parallel_loop3A_687 = arith.constant 11 : i32
        %parallel_loop3A_688 = arith.index_cast %parallel_loop3A_687 : i32 to index
        %parallel_loop3A_689 = arith.index_cast %parallel_loop3A_110 : i32 to index
        %parallel_loop3A_690 = tpu.vector_load %arg5[%parallel_loop3A_688, %parallel_loop3A_689] {strides = array<i32>} : memref<16x512xf32, #tpu.memory_space<vmem>>, vector<1x16xf32>,
        %parallel_loop3A_691 = vector.shape_cast %parallel_loop3A_690 : vector<1x16xf32> to vector<16xf32>
        %parallel_loop3A_692 = arith.constant 1.000000e-01 : f32
        %parallel_loop3A_693 = vector.broadcast %parallel_loop3A_692 : f32 to vector<16xf32>
        %parallel_loop3A_694 = arith.cmpf olt, %parallel_loop3A_691, %parallel_loop3A_693 : vector<16xf32>
        %parallel_loop3A_695 = arith.select %parallel_loop3A_694, %parallel_loop3A_112, %parallel_loop3A_114 : vector<16xi1>, vector<16xf32>
        %parallel_loop3A_696 = arith.constant 1.000000e+00 : f32
        %parallel_loop3A_697 = vector.broadcast %parallel_loop3A_696 : f32 to vector<16xf32>
        %parallel_loop3A_698 = arith.cmpf olt, %parallel_loop3A_691, %parallel_loop3A_697 : vector<16xf32>
        %parallel_loop3A_699 = arith.select %parallel_loop3A_698, %parallel_loop3A_112, %parallel_loop3A_114 : vector<16xi1>, vector<16xf32>
        %parallel_loop3A_700 = arith.constant 2.500000e+00 : f32
        %parallel_loop3A_701 = vector.broadcast %parallel_loop3A_700 : f32 to vector<16xf32>
        %parallel_loop3A_702 = arith.cmpf olt, %parallel_loop3A_691, %parallel_loop3A_701 : vector<16xf32>
        %parallel_loop3A_703 = arith.select %parallel_loop3A_702, %parallel_loop3A_112, %parallel_loop3A_114 : vector<16xi1>, vector<16xf32>
        %parallel_loop3A_704 = arith.constant 0 : i32
        %parallel_loop3A_705 = arith.constant 11 : i32
        %parallel_loop3A_706 = arith.index_cast %parallel_loop3A_704 : i32 to index
        %parallel_loop3A_707 = arith.index_cast %parallel_loop3A_705 : i32 to index
        %parallel_loop3A_708 = arith.index_cast %parallel_loop3A_110 : i32 to index
        %parallel_loop3A_709 = tpu.vector_load %arg7[%parallel_loop3A_706, %parallel_loop3A_707, %parallel_loop3A_708] {strides = array<i32>} : memref<4x16x512xf32, #tpu.memory_space<vmem>>, vector<1x1x16xf32>,
        %parallel_loop3A_710 = vector.shape_cast %parallel_loop3A_709 : vector<1x1x16xf32> to vector<16xf32>
        %parallel_loop3A_711 = vector.shape_cast %parallel_loop3A_695 : vector<16xf32> to vector<1x1x16xf32>
        tpu.vector_store %arg7[%parallel_loop3A_706, %parallel_loop3A_707, %parallel_loop3A_708], %parallel_loop3A_711 {strides = array<i32>} : memref<4x16x512xf32, #tpu.memory_space<vmem>>, vector<1x1x16xf32>,
        %parallel_loop3A_712 = arith.subf %parallel_loop3A_699, %parallel_loop3A_695 : vector<16xf32>
        %parallel_loop3A_713 = arith.constant 1 : i32
        %parallel_loop3A_714 = arith.constant 11 : i32
        %parallel_loop3A_715 = arith.index_cast %parallel_loop3A_713 : i32 to index
        %parallel_loop3A_716 = arith.index_cast %parallel_loop3A_714 : i32 to index
        %parallel_loop3A_717 = arith.index_cast %parallel_loop3A_110 : i32 to index
        %parallel_loop3A_718 = tpu.vector_load %arg7[%parallel_loop3A_715, %parallel_loop3A_716, %parallel_loop3A_717] {strides = array<i32>} : memref<4x16x512xf32, #tpu.memory_space<vmem>>, vector<1x1x16xf32>,
        %parallel_loop3A_719 = vector.shape_cast %parallel_loop3A_718 : vector<1x1x16xf32> to vector<16xf32>
        %parallel_loop3A_720 = vector.shape_cast %parallel_loop3A_712 : vector<16xf32> to vector<1x1x16xf32>
        tpu.vector_store %arg7[%parallel_loop3A_715, %parallel_loop3A_716, %parallel_loop3A_717], %parallel_loop3A_720 {strides = array<i32>} : memref<4x16x512xf32, #tpu.memory_space<vmem>>, vector<1x1x16xf32>,
        %parallel_loop3A_721 = arith.subf %parallel_loop3A_703, %parallel_loop3A_699 : vector<16xf32>
        %parallel_loop3A_722 = arith.constant 2 : i32
        %parallel_loop3A_723 = arith.constant 11 : i32
        %parallel_loop3A_724 = arith.index_cast %parallel_loop3A_722 : i32 to index
        %parallel_loop3A_725 = arith.index_cast %parallel_loop3A_723 : i32 to index
        %parallel_loop3A_726 = arith.index_cast %parallel_loop3A_110 : i32 to index
        %parallel_loop3A_727 = tpu.vector_load %arg7[%parallel_loop3A_724, %parallel_loop3A_725, %parallel_loop3A_726] {strides = array<i32>} : memref<4x16x512xf32, #tpu.memory_space<vmem>>, vector<1x1x16xf32>,
        %parallel_loop3A_728 = vector.shape_cast %parallel_loop3A_727 : vector<1x1x16xf32> to vector<16xf32>
        %parallel_loop3A_729 = vector.shape_cast %parallel_loop3A_721 : vector<16xf32> to vector<1x1x16xf32>
        tpu.vector_store %arg7[%parallel_loop3A_724, %parallel_loop3A_725, %parallel_loop3A_726], %parallel_loop3A_729 {strides = array<i32>} : memref<4x16x512xf32, #tpu.memory_space<vmem>>, vector<1x1x16xf32>,
        %parallel_loop3A_730 = arith.subf %parallel_loop3A_112, %parallel_loop3A_703 : vector<16xf32>
        %parallel_loop3A_731 = arith.constant 3 : i32
        %parallel_loop3A_732 = arith.constant 11 : i32
        %parallel_loop3A_733 = arith.index_cast %parallel_loop3A_731 : i32 to index
        %parallel_loop3A_734 = arith.index_cast %parallel_loop3A_732 : i32 to index
        %parallel_loop3A_735 = arith.index_cast %parallel_loop3A_110 : i32 to index
        %parallel_loop3A_736 = tpu.vector_load %arg7[%parallel_loop3A_733, %parallel_loop3A_734, %parallel_loop3A_735] {strides = array<i32>} : memref<4x16x512xf32, #tpu.memory_space<vmem>>, vector<1x1x16xf32>,
        %parallel_loop3A_737 = vector.shape_cast %parallel_loop3A_736 : vector<1x1x16xf32> to vector<16xf32>
        %parallel_loop3A_738 = vector.shape_cast %parallel_loop3A_730 : vector<16xf32> to vector<1x1x16xf32>
        tpu.vector_store %arg7[%parallel_loop3A_733, %parallel_loop3A_734, %parallel_loop3A_735], %parallel_loop3A_738 {strides = array<i32>} : memref<4x16x512xf32, #tpu.memory_space<vmem>>, vector<1x1x16xf32>,
        %parallel_loop3A_739 = arith.constant 12 : i32
        %parallel_loop3A_740 = arith.index_cast %parallel_loop3A_739 : i32 to index
        %parallel_loop3A_741 = arith.index_cast %parallel_loop3A_110 : i32 to index
        %parallel_loop3A_742 = tpu.vector_load %arg5[%parallel_loop3A_740, %parallel_loop3A_741] {strides = array<i32>} : memref<16x512xf32, #tpu.memory_space<vmem>>, vector<1x16xf32>,
        %parallel_loop3A_743 = vector.shape_cast %parallel_loop3A_742 : vector<1x16xf32> to vector<16xf32>
        %parallel_loop3A_744 = arith.constant 1.000000e-01 : f32
        %parallel_loop3A_745 = vector.broadcast %parallel_loop3A_744 : f32 to vector<16xf32>
        %parallel_loop3A_746 = arith.cmpf olt, %parallel_loop3A_743, %parallel_loop3A_745 : vector<16xf32>
        %parallel_loop3A_747 = arith.select %parallel_loop3A_746, %parallel_loop3A_112, %parallel_loop3A_114 : vector<16xi1>, vector<16xf32>
        %parallel_loop3A_748 = arith.constant 1.000000e+00 : f32
        %parallel_loop3A_749 = vector.broadcast %parallel_loop3A_748 : f32 to vector<16xf32>
        %parallel_loop3A_750 = arith.cmpf olt, %parallel_loop3A_743, %parallel_loop3A_749 : vector<16xf32>
        %parallel_loop3A_751 = arith.select %parallel_loop3A_750, %parallel_loop3A_112, %parallel_loop3A_114 : vector<16xi1>, vector<16xf32>
        %parallel_loop3A_752 = arith.constant 2.500000e+00 : f32
        %parallel_loop3A_753 = vector.broadcast %parallel_loop3A_752 : f32 to vector<16xf32>
        %parallel_loop3A_754 = arith.cmpf olt, %parallel_loop3A_743, %parallel_loop3A_753 : vector<16xf32>
        %parallel_loop3A_755 = arith.select %parallel_loop3A_754, %parallel_loop3A_112, %parallel_loop3A_114 : vector<16xi1>, vector<16xf32>
        %parallel_loop3A_756 = arith.constant 0 : i32
        %parallel_loop3A_757 = arith.constant 12 : i32
        %parallel_loop3A_758 = arith.index_cast %parallel_loop3A_756 : i32 to index
        %parallel_loop3A_759 = arith.index_cast %parallel_loop3A_757 : i32 to index
        %parallel_loop3A_760 = arith.index_cast %parallel_loop3A_110 : i32 to index
        %parallel_loop3A_761 = tpu.vector_load %arg7[%parallel_loop3A_758, %parallel_loop3A_759, %parallel_loop3A_760] {strides = array<i32>} : memref<4x16x512xf32, #tpu.memory_space<vmem>>, vector<1x1x16xf32>,
        %parallel_loop3A_762 = vector.shape_cast %parallel_loop3A_761 : vector<1x1x16xf32> to vector<16xf32>
        %parallel_loop3A_763 = vector.shape_cast %parallel_loop3A_747 : vector<16xf32> to vector<1x1x16xf32>
        tpu.vector_store %arg7[%parallel_loop3A_758, %parallel_loop3A_759, %parallel_loop3A_760], %parallel_loop3A_763 {strides = array<i32>} : memref<4x16x512xf32, #tpu.memory_space<vmem>>, vector<1x1x16xf32>,
        %parallel_loop3A_764 = arith.subf %parallel_loop3A_751, %parallel_loop3A_747 : vector<16xf32>
        %parallel_loop3A_765 = arith.constant 1 : i32
        %parallel_loop3A_766 = arith.constant 12 : i32
        %parallel_loop3A_767 = arith.index_cast %parallel_loop3A_765 : i32 to index
        %parallel_loop3A_768 = arith.index_cast %parallel_loop3A_766 : i32 to index
        %parallel_loop3A_769 = arith.index_cast %parallel_loop3A_110 : i32 to index
        %parallel_loop3A_770 = tpu.vector_load %arg7[%parallel_loop3A_767, %parallel_loop3A_768, %parallel_loop3A_769] {strides = array<i32>} : memref<4x16x512xf32, #tpu.memory_space<vmem>>, vector<1x1x16xf32>,
        %parallel_loop3A_771 = vector.shape_cast %parallel_loop3A_770 : vector<1x1x16xf32> to vector<16xf32>
        %parallel_loop3A_772 = vector.shape_cast %parallel_loop3A_764 : vector<16xf32> to vector<1x1x16xf32>
        tpu.vector_store %arg7[%parallel_loop3A_767, %parallel_loop3A_768, %parallel_loop3A_769], %parallel_loop3A_772 {strides = array<i32>} : memref<4x16x512xf32, #tpu.memory_space<vmem>>, vector<1x1x16xf32>,
        %parallel_loop3A_773 = arith.subf %parallel_loop3A_755, %parallel_loop3A_751 : vector<16xf32>
        %parallel_loop3A_774 = arith.constant 2 : i32
        %parallel_loop3A_775 = arith.constant 12 : i32
        %parallel_loop3A_776 = arith.index_cast %parallel_loop3A_774 : i32 to index
        %parallel_loop3A_777 = arith.index_cast %parallel_loop3A_775 : i32 to index
        %parallel_loop3A_778 = arith.index_cast %parallel_loop3A_110 : i32 to index
        %parallel_loop3A_779 = tpu.vector_load %arg7[%parallel_loop3A_776, %parallel_loop3A_777, %parallel_loop3A_778] {strides = array<i32>} : memref<4x16x512xf32, #tpu.memory_space<vmem>>, vector<1x1x16xf32>,
        %parallel_loop3A_780 = vector.shape_cast %parallel_loop3A_779 : vector<1x1x16xf32> to vector<16xf32>
        %parallel_loop3A_781 = vector.shape_cast %parallel_loop3A_773 : vector<16xf32> to vector<1x1x16xf32>
        tpu.vector_store %arg7[%parallel_loop3A_776, %parallel_loop3A_777, %parallel_loop3A_778], %parallel_loop3A_781 {strides = array<i32>} : memref<4x16x512xf32, #tpu.memory_space<vmem>>, vector<1x1x16xf32>,
        %parallel_loop3A_782 = arith.subf %parallel_loop3A_112, %parallel_loop3A_755 : vector<16xf32>
        %parallel_loop3A_783 = arith.constant 3 : i32
        %parallel_loop3A_784 = arith.constant 12 : i32
        %parallel_loop3A_785 = arith.index_cast %parallel_loop3A_783 : i32 to index
        %parallel_loop3A_786 = arith.index_cast %parallel_loop3A_784 : i32 to index
        %parallel_loop3A_787 = arith.index_cast %parallel_loop3A_110 : i32 to index
        %parallel_loop3A_788 = tpu.vector_load %arg7[%parallel_loop3A_785, %parallel_loop3A_786, %parallel_loop3A_787] {strides = array<i32>} : memref<4x16x512xf32, #tpu.memory_space<vmem>>, vector<1x1x16xf32>,
        %parallel_loop3A_789 = vector.shape_cast %parallel_loop3A_788 : vector<1x1x16xf32> to vector<16xf32>
        %parallel_loop3A_790 = vector.shape_cast %parallel_loop3A_782 : vector<16xf32> to vector<1x1x16xf32>
        tpu.vector_store %arg7[%parallel_loop3A_785, %parallel_loop3A_786, %parallel_loop3A_787], %parallel_loop3A_790 {strides = array<i32>} : memref<4x16x512xf32, #tpu.memory_space<vmem>>, vector<1x1x16xf32>,
        %parallel_loop3A_791 = arith.constant 13 : i32
        %parallel_loop3A_792 = arith.index_cast %parallel_loop3A_791 : i32 to index
        %parallel_loop3A_793 = arith.index_cast %parallel_loop3A_110 : i32 to index
        %parallel_loop3A_794 = tpu.vector_load %arg5[%parallel_loop3A_792, %parallel_loop3A_793] {strides = array<i32>} : memref<16x512xf32, #tpu.memory_space<vmem>>, vector<1x16xf32>,
        %parallel_loop3A_795 = vector.shape_cast %parallel_loop3A_794 : vector<1x16xf32> to vector<16xf32>
        %parallel_loop3A_796 = arith.constant 1.000000e-01 : f32
        %parallel_loop3A_797 = vector.broadcast %parallel_loop3A_796 : f32 to vector<16xf32>
        %parallel_loop3A_798 = arith.cmpf olt, %parallel_loop3A_795, %parallel_loop3A_797 : vector<16xf32>
        %parallel_loop3A_799 = arith.select %parallel_loop3A_798, %parallel_loop3A_112, %parallel_loop3A_114 : vector<16xi1>, vector<16xf32>
        %parallel_loop3A_800 = arith.constant 1.000000e+00 : f32
        %parallel_loop3A_801 = vector.broadcast %parallel_loop3A_800 : f32 to vector<16xf32>
        %parallel_loop3A_802 = arith.cmpf olt, %parallel_loop3A_795, %parallel_loop3A_801 : vector<16xf32>
        %parallel_loop3A_803 = arith.select %parallel_loop3A_802, %parallel_loop3A_112, %parallel_loop3A_114 : vector<16xi1>, vector<16xf32>
        %parallel_loop3A_804 = arith.constant 2.500000e+00 : f32
        %parallel_loop3A_805 = vector.broadcast %parallel_loop3A_804 : f32 to vector<16xf32>
        %parallel_loop3A_806 = arith.cmpf olt, %parallel_loop3A_795, %parallel_loop3A_805 : vector<16xf32>
        %parallel_loop3A_807 = arith.select %parallel_loop3A_806, %parallel_loop3A_112, %parallel_loop3A_114 : vector<16xi1>, vector<16xf32>
        %parallel_loop3A_808 = arith.constant 0 : i32
        %parallel_loop3A_809 = arith.constant 13 : i32
        %parallel_loop3A_810 = arith.index_cast %parallel_loop3A_808 : i32 to index
        %parallel_loop3A_811 = arith.index_cast %parallel_loop3A_809 : i32 to index
        %parallel_loop3A_812 = arith.index_cast %parallel_loop3A_110 : i32 to index
        %parallel_loop3A_813 = tpu.vector_load %arg7[%parallel_loop3A_810, %parallel_loop3A_811, %parallel_loop3A_812] {strides = array<i32>} : memref<4x16x512xf32, #tpu.memory_space<vmem>>, vector<1x1x16xf32>,
        %parallel_loop3A_814 = vector.shape_cast %parallel_loop3A_813 : vector<1x1x16xf32> to vector<16xf32>
        %parallel_loop3A_815 = vector.shape_cast %parallel_loop3A_799 : vector<16xf32> to vector<1x1x16xf32>
        tpu.vector_store %arg7[%parallel_loop3A_810, %parallel_loop3A_811, %parallel_loop3A_812], %parallel_loop3A_815 {strides = array<i32>} : memref<4x16x512xf32, #tpu.memory_space<vmem>>, vector<1x1x16xf32>,
        %parallel_loop3A_816 = arith.subf %parallel_loop3A_803, %parallel_loop3A_799 : vector<16xf32>
        %parallel_loop3A_817 = arith.constant 1 : i32
        %parallel_loop3A_818 = arith.constant 13 : i32
        %parallel_loop3A_819 = arith.index_cast %parallel_loop3A_817 : i32 to index
        %parallel_loop3A_820 = arith.index_cast %parallel_loop3A_818 : i32 to index
        %parallel_loop3A_821 = arith.index_cast %parallel_loop3A_110 : i32 to index
        %parallel_loop3A_822 = tpu.vector_load %arg7[%parallel_loop3A_819, %parallel_loop3A_820, %parallel_loop3A_821] {strides = array<i32>} : memref<4x16x512xf32, #tpu.memory_space<vmem>>, vector<1x1x16xf32>,
        %parallel_loop3A_823 = vector.shape_cast %parallel_loop3A_822 : vector<1x1x16xf32> to vector<16xf32>
        %parallel_loop3A_824 = vector.shape_cast %parallel_loop3A_816 : vector<16xf32> to vector<1x1x16xf32>
        tpu.vector_store %arg7[%parallel_loop3A_819, %parallel_loop3A_820, %parallel_loop3A_821], %parallel_loop3A_824 {strides = array<i32>} : memref<4x16x512xf32, #tpu.memory_space<vmem>>, vector<1x1x16xf32>,
        %parallel_loop3A_825 = arith.subf %parallel_loop3A_807, %parallel_loop3A_803 : vector<16xf32>
        %parallel_loop3A_826 = arith.constant 2 : i32
        %parallel_loop3A_827 = arith.constant 13 : i32
        %parallel_loop3A_828 = arith.index_cast %parallel_loop3A_826 : i32 to index
        %parallel_loop3A_829 = arith.index_cast %parallel_loop3A_827 : i32 to index
        %parallel_loop3A_830 = arith.index_cast %parallel_loop3A_110 : i32 to index
        %parallel_loop3A_831 = tpu.vector_load %arg7[%parallel_loop3A_828, %parallel_loop3A_829, %parallel_loop3A_830] {strides = array<i32>} : memref<4x16x512xf32, #tpu.memory_space<vmem>>, vector<1x1x16xf32>,
        %parallel_loop3A_832 = vector.shape_cast %parallel_loop3A_831 : vector<1x1x16xf32> to vector<16xf32>
        %parallel_loop3A_833 = vector.shape_cast %parallel_loop3A_825 : vector<16xf32> to vector<1x1x16xf32>
        tpu.vector_store %arg7[%parallel_loop3A_828, %parallel_loop3A_829, %parallel_loop3A_830], %parallel_loop3A_833 {strides = array<i32>} : memref<4x16x512xf32, #tpu.memory_space<vmem>>, vector<1x1x16xf32>,
        %parallel_loop3A_834 = arith.subf %parallel_loop3A_112, %parallel_loop3A_807 : vector<16xf32>
        %parallel_loop3A_835 = arith.constant 3 : i32
        %parallel_loop3A_836 = arith.constant 13 : i32
        %parallel_loop3A_837 = arith.index_cast %parallel_loop3A_835 : i32 to index
        %parallel_loop3A_838 = arith.index_cast %parallel_loop3A_836 : i32 to index
        %parallel_loop3A_839 = arith.index_cast %parallel_loop3A_110 : i32 to index
        %parallel_loop3A_840 = tpu.vector_load %arg7[%parallel_loop3A_837, %parallel_loop3A_838, %parallel_loop3A_839] {strides = array<i32>} : memref<4x16x512xf32, #tpu.memory_space<vmem>>, vector<1x1x16xf32>,
        %parallel_loop3A_841 = vector.shape_cast %parallel_loop3A_840 : vector<1x1x16xf32> to vector<16xf32>
        %parallel_loop3A_842 = vector.shape_cast %parallel_loop3A_834 : vector<16xf32> to vector<1x1x16xf32>
        tpu.vector_store %arg7[%parallel_loop3A_837, %parallel_loop3A_838, %parallel_loop3A_839], %parallel_loop3A_842 {strides = array<i32>} : memref<4x16x512xf32, #tpu.memory_space<vmem>>, vector<1x1x16xf32>,
        %parallel_loop3A_843 = arith.constant 14 : i32
        %parallel_loop3A_844 = arith.index_cast %parallel_loop3A_843 : i32 to index
        %parallel_loop3A_845 = arith.index_cast %parallel_loop3A_110 : i32 to index
        %parallel_loop3A_846 = tpu.vector_load %arg5[%parallel_loop3A_844, %parallel_loop3A_845] {strides = array<i32>} : memref<16x512xf32, #tpu.memory_space<vmem>>, vector<1x16xf32>,
        %parallel_loop3A_847 = vector.shape_cast %parallel_loop3A_846 : vector<1x16xf32> to vector<16xf32>
        %parallel_loop3A_848 = arith.constant 1.000000e-01 : f32
        %parallel_loop3A_849 = vector.broadcast %parallel_loop3A_848 : f32 to vector<16xf32>
        %parallel_loop3A_850 = arith.cmpf olt, %parallel_loop3A_847, %parallel_loop3A_849 : vector<16xf32>
        %parallel_loop3A_851 = arith.select %parallel_loop3A_850, %parallel_loop3A_112, %parallel_loop3A_114 : vector<16xi1>, vector<16xf32>
        %parallel_loop3A_852 = arith.constant 1.000000e+00 : f32
        %parallel_loop3A_853 = vector.broadcast %parallel_loop3A_852 : f32 to vector<16xf32>
        %parallel_loop3A_854 = arith.cmpf olt, %parallel_loop3A_847, %parallel_loop3A_853 : vector<16xf32>
        %parallel_loop3A_855 = arith.select %parallel_loop3A_854, %parallel_loop3A_112, %parallel_loop3A_114 : vector<16xi1>, vector<16xf32>
        %parallel_loop3A_856 = arith.constant 2.500000e+00 : f32
        %parallel_loop3A_857 = vector.broadcast %parallel_loop3A_856 : f32 to vector<16xf32>
        %parallel_loop3A_858 = arith.cmpf olt, %parallel_loop3A_847, %parallel_loop3A_857 : vector<16xf32>
        %parallel_loop3A_859 = arith.select %parallel_loop3A_858, %parallel_loop3A_112, %parallel_loop3A_114 : vector<16xi1>, vector<16xf32>
        %parallel_loop3A_860 = arith.constant 0 : i32
        %parallel_loop3A_861 = arith.constant 14 : i32
        %parallel_loop3A_862 = arith.index_cast %parallel_loop3A_860 : i32 to index
        %parallel_loop3A_863 = arith.index_cast %parallel_loop3A_861 : i32 to index
        %parallel_loop3A_864 = arith.index_cast %parallel_loop3A_110 : i32 to index
        %parallel_loop3A_865 = tpu.vector_load %arg7[%parallel_loop3A_862, %parallel_loop3A_863, %parallel_loop3A_864] {strides = array<i32>} : memref<4x16x512xf32, #tpu.memory_space<vmem>>, vector<1x1x16xf32>,
        %parallel_loop3A_866 = vector.shape_cast %parallel_loop3A_865 : vector<1x1x16xf32> to vector<16xf32>
        %parallel_loop3A_867 = vector.shape_cast %parallel_loop3A_851 : vector<16xf32> to vector<1x1x16xf32>
        tpu.vector_store %arg7[%parallel_loop3A_862, %parallel_loop3A_863, %parallel_loop3A_864], %parallel_loop3A_867 {strides = array<i32>} : memref<4x16x512xf32, #tpu.memory_space<vmem>>, vector<1x1x16xf32>,
        %parallel_loop3A_868 = arith.subf %parallel_loop3A_855, %parallel_loop3A_851 : vector<16xf32>
        %parallel_loop3A_869 = arith.constant 1 : i32
        %parallel_loop3A_870 = arith.constant 14 : i32
        %parallel_loop3A_871 = arith.index_cast %parallel_loop3A_869 : i32 to index
        %parallel_loop3A_872 = arith.index_cast %parallel_loop3A_870 : i32 to index
        %parallel_loop3A_873 = arith.index_cast %parallel_loop3A_110 : i32 to index
        %parallel_loop3A_874 = tpu.vector_load %arg7[%parallel_loop3A_871, %parallel_loop3A_872, %parallel_loop3A_873] {strides = array<i32>} : memref<4x16x512xf32, #tpu.memory_space<vmem>>, vector<1x1x16xf32>,
        %parallel_loop3A_875 = vector.shape_cast %parallel_loop3A_874 : vector<1x1x16xf32> to vector<16xf32>
        %parallel_loop3A_876 = vector.shape_cast %parallel_loop3A_868 : vector<16xf32> to vector<1x1x16xf32>
        tpu.vector_store %arg7[%parallel_loop3A_871, %parallel_loop3A_872, %parallel_loop3A_873], %parallel_loop3A_876 {strides = array<i32>} : memref<4x16x512xf32, #tpu.memory_space<vmem>>, vector<1x1x16xf32>,
        %parallel_loop3A_877 = arith.subf %parallel_loop3A_859, %parallel_loop3A_855 : vector<16xf32>
        %parallel_loop3A_878 = arith.constant 2 : i32
        %parallel_loop3A_879 = arith.constant 14 : i32
        %parallel_loop3A_880 = arith.index_cast %parallel_loop3A_878 : i32 to index
        %parallel_loop3A_881 = arith.index_cast %parallel_loop3A_879 : i32 to index
        %parallel_loop3A_882 = arith.index_cast %parallel_loop3A_110 : i32 to index
        %parallel_loop3A_883 = tpu.vector_load %arg7[%parallel_loop3A_880, %parallel_loop3A_881, %parallel_loop3A_882] {strides = array<i32>} : memref<4x16x512xf32, #tpu.memory_space<vmem>>, vector<1x1x16xf32>,
        %parallel_loop3A_884 = vector.shape_cast %parallel_loop3A_883 : vector<1x1x16xf32> to vector<16xf32>
        %parallel_loop3A_885 = vector.shape_cast %parallel_loop3A_877 : vector<16xf32> to vector<1x1x16xf32>
        tpu.vector_store %arg7[%parallel_loop3A_880, %parallel_loop3A_881, %parallel_loop3A_882], %parallel_loop3A_885 {strides = array<i32>} : memref<4x16x512xf32, #tpu.memory_space<vmem>>, vector<1x1x16xf32>,
        %parallel_loop3A_886 = arith.subf %parallel_loop3A_112, %parallel_loop3A_859 : vector<16xf32>
        %parallel_loop3A_887 = arith.constant 3 : i32
        %parallel_loop3A_888 = arith.constant 14 : i32
        %parallel_loop3A_889 = arith.index_cast %parallel_loop3A_887 : i32 to index
        %parallel_loop3A_890 = arith.index_cast %parallel_loop3A_888 : i32 to index
        %parallel_loop3A_891 = arith.index_cast %parallel_loop3A_110 : i32 to index
        %parallel_loop3A_892 = tpu.vector_load %arg7[%parallel_loop3A_889, %parallel_loop3A_890, %parallel_loop3A_891] {strides = array<i32>} : memref<4x16x512xf32, #tpu.memory_space<vmem>>, vector<1x1x16xf32>,
        %parallel_loop3A_893 = vector.shape_cast %parallel_loop3A_892 : vector<1x1x16xf32> to vector<16xf32>
        %parallel_loop3A_894 = vector.shape_cast %parallel_loop3A_886 : vector<16xf32> to vector<1x1x16xf32>
        tpu.vector_store %arg7[%parallel_loop3A_889, %parallel_loop3A_890, %parallel_loop3A_891], %parallel_loop3A_894 {strides = array<i32>} : memref<4x16x512xf32, #tpu.memory_space<vmem>>, vector<1x1x16xf32>,
        %parallel_loop3A_895 = arith.constant 15 : i32
        %parallel_loop3A_896 = arith.index_cast %parallel_loop3A_895 : i32 to index
        %parallel_loop3A_897 = arith.index_cast %parallel_loop3A_110 : i32 to index
        %parallel_loop3A_898 = tpu.vector_load %arg5[%parallel_loop3A_896, %parallel_loop3A_897] {strides = array<i32>} : memref<16x512xf32, #tpu.memory_space<vmem>>, vector<1x16xf32>,
        %parallel_loop3A_899 = vector.shape_cast %parallel_loop3A_898 : vector<1x16xf32> to vector<16xf32>
        %parallel_loop3A_900 = arith.constant 1.000000e-01 : f32
        %parallel_loop3A_901 = vector.broadcast %parallel_loop3A_900 : f32 to vector<16xf32>
        %parallel_loop3A_902 = arith.cmpf olt, %parallel_loop3A_899, %parallel_loop3A_901 : vector<16xf32>
        %parallel_loop3A_903 = arith.select %parallel_loop3A_902, %parallel_loop3A_112, %parallel_loop3A_114 : vector<16xi1>, vector<16xf32>
        %parallel_loop3A_904 = arith.constant 1.000000e+00 : f32
        %parallel_loop3A_905 = vector.broadcast %parallel_loop3A_904 : f32 to vector<16xf32>
        %parallel_loop3A_906 = arith.cmpf olt, %parallel_loop3A_899, %parallel_loop3A_905 : vector<16xf32>
        %parallel_loop3A_907 = arith.select %parallel_loop3A_906, %parallel_loop3A_112, %parallel_loop3A_114 : vector<16xi1>, vector<16xf32>
        %parallel_loop3A_908 = arith.constant 2.500000e+00 : f32
        %parallel_loop3A_909 = vector.broadcast %parallel_loop3A_908 : f32 to vector<16xf32>
        %parallel_loop3A_910 = arith.cmpf olt, %parallel_loop3A_899, %parallel_loop3A_909 : vector<16xf32>
        %parallel_loop3A_911 = arith.select %parallel_loop3A_910, %parallel_loop3A_112, %parallel_loop3A_114 : vector<16xi1>, vector<16xf32>
        %parallel_loop3A_912 = arith.constant 0 : i32
        %parallel_loop3A_913 = arith.constant 15 : i32
        %parallel_loop3A_914 = arith.index_cast %parallel_loop3A_912 : i32 to index
        %parallel_loop3A_915 = arith.index_cast %parallel_loop3A_913 : i32 to index
        %parallel_loop3A_916 = arith.index_cast %parallel_loop3A_110 : i32 to index
        %parallel_loop3A_917 = tpu.vector_load %arg7[%parallel_loop3A_914, %parallel_loop3A_915, %parallel_loop3A_916] {strides = array<i32>} : memref<4x16x512xf32, #tpu.memory_space<vmem>>, vector<1x1x16xf32>,
        %parallel_loop3A_918 = vector.shape_cast %parallel_loop3A_917 : vector<1x1x16xf32> to vector<16xf32>
        %parallel_loop3A_919 = vector.shape_cast %parallel_loop3A_903 : vector<16xf32> to vector<1x1x16xf32>
        tpu.vector_store %arg7[%parallel_loop3A_914, %parallel_loop3A_915, %parallel_loop3A_916], %parallel_loop3A_919 {strides = array<i32>} : memref<4x16x512xf32, #tpu.memory_space<vmem>>, vector<1x1x16xf32>,
        %parallel_loop3A_920 = arith.subf %parallel_loop3A_907, %parallel_loop3A_903 : vector<16xf32>
        %parallel_loop3A_921 = arith.constant 1 : i32
        %parallel_loop3A_922 = arith.constant 15 : i32
        %parallel_loop3A_923 = arith.index_cast %parallel_loop3A_921 : i32 to index
        %parallel_loop3A_924 = arith.index_cast %parallel_loop3A_922 : i32 to index
        %parallel_loop3A_925 = arith.index_cast %parallel_loop3A_110 : i32 to index
        %parallel_loop3A_926 = tpu.vector_load %arg7[%parallel_loop3A_923, %parallel_loop3A_924, %parallel_loop3A_925] {strides = array<i32>} : memref<4x16x512xf32, #tpu.memory_space<vmem>>, vector<1x1x16xf32>,
        %parallel_loop3A_927 = vector.shape_cast %parallel_loop3A_926 : vector<1x1x16xf32> to vector<16xf32>
        %parallel_loop3A_928 = vector.shape_cast %parallel_loop3A_920 : vector<16xf32> to vector<1x1x16xf32>
        tpu.vector_store %arg7[%parallel_loop3A_923, %parallel_loop3A_924, %parallel_loop3A_925], %parallel_loop3A_928 {strides = array<i32>} : memref<4x16x512xf32, #tpu.memory_space<vmem>>, vector<1x1x16xf32>,
        %parallel_loop3A_929 = arith.subf %parallel_loop3A_911, %parallel_loop3A_907 : vector<16xf32>
        %parallel_loop3A_930 = arith.constant 2 : i32
        %parallel_loop3A_931 = arith.constant 15 : i32
        %parallel_loop3A_932 = arith.index_cast %parallel_loop3A_930 : i32 to index
        %parallel_loop3A_933 = arith.index_cast %parallel_loop3A_931 : i32 to index
        %parallel_loop3A_934 = arith.index_cast %parallel_loop3A_110 : i32 to index
        %parallel_loop3A_935 = tpu.vector_load %arg7[%parallel_loop3A_932, %parallel_loop3A_933, %parallel_loop3A_934] {strides = array<i32>} : memref<4x16x512xf32, #tpu.memory_space<vmem>>, vector<1x1x16xf32>,
        %parallel_loop3A_936 = vector.shape_cast %parallel_loop3A_935 : vector<1x1x16xf32> to vector<16xf32>
        %parallel_loop3A_937 = vector.shape_cast %parallel_loop3A_929 : vector<16xf32> to vector<1x1x16xf32>
        tpu.vector_store %arg7[%parallel_loop3A_932, %parallel_loop3A_933, %parallel_loop3A_934], %parallel_loop3A_937 {strides = array<i32>} : memref<4x16x512xf32, #tpu.memory_space<vmem>>, vector<1x1x16xf32>,
        %parallel_loop3A_938 = arith.subf %parallel_loop3A_112, %parallel_loop3A_911 : vector<16xf32>
        %parallel_loop3A_939 = arith.constant 3 : i32
        %parallel_loop3A_940 = arith.constant 15 : i32
        %parallel_loop3A_941 = arith.index_cast %parallel_loop3A_939 : i32 to index
        %parallel_loop3A_942 = arith.index_cast %parallel_loop3A_940 : i32 to index
        %parallel_loop3A_943 = arith.index_cast %parallel_loop3A_110 : i32 to index
        %parallel_loop3A_944 = tpu.vector_load %arg7[%parallel_loop3A_941, %parallel_loop3A_942, %parallel_loop3A_943] {strides = array<i32>} : memref<4x16x512xf32, #tpu.memory_space<vmem>>, vector<1x1x16xf32>,
        %parallel_loop3A_945 = vector.shape_cast %parallel_loop3A_944 : vector<1x1x16xf32> to vector<16xf32>
        %parallel_loop3A_946 = vector.shape_cast %parallel_loop3A_938 : vector<16xf32> to vector<1x1x16xf32>
        tpu.vector_store %arg7[%parallel_loop3A_941, %parallel_loop3A_942, %parallel_loop3A_943], %parallel_loop3A_946 {strides = array<i32>} : memref<4x16x512xf32, #tpu.memory_space<vmem>>, vector<1x1x16xf32>,
      } {sc.loop_unroll_factor = 1 : i64, sc.parallel_access}
      %mul3A_93 = arith.constant 16 : i32
      %mul3A_94 = arith.muli %add3A_76, %mul3A_93 : i32
      %dma_start3A_95 = arith.constant 0 : i32
      %dma_start3A_96 = arith.constant 0 : i32
      %dma_start3A_97 = tpu.memref_slice %arg3[%add3A, %dma_start3A_95, %mul3A_94, %dma_start3A_96] : memref<32x4x512x512xf32, #tpu.memory_space<hbm>> -> memref<1x4x16x512xf32, #tpu.memory_space<hbm>>
      %dma_start3A_98 = tpu.memref_squeeze %dma_start3A_97 : memref<1x4x16x512xf32, #tpu.memory_space<hbm>> -> memref<4x16x512xf32, #tpu.memory_space<hbm>>
      %dma_start3A_99 = arith.constant 0 : i32
      %dma_start3A_100 = arith.constant 0 : i32
      %dma_start3A_101 = tpu.memref_slice %arg3[%add3A, %dma_start3A_99, %mul3A_94, %dma_start3A_100] : memref<32x4x512x512xf32, #tpu.memory_space<hbm>> -> memref<1x4x16x512xf32, #tpu.memory_space<hbm>>
      %dma_start3A_102 = tpu.memref_squeeze %dma_start3A_101 : memref<1x4x16x512xf32, #tpu.memory_space<hbm>> -> memref<4x16x512xf32, #tpu.memory_space<hbm>>
      tpu.enqueue_dma source(%arg7 : memref<4x16x512xf32, #tpu.memory_space<vmem>>) target(%dma_start3A_102 : memref<4x16x512xf32, #tpu.memory_space<hbm>>) target_semaphore(%arg11 : memref<!tpu.dma_semaphore, #tpu.memory_space<semaphore_mem>>)
      %add3A_103 = arith.constant 2 : i32
      %add3A_104 = arith.addi %add3A_76, %add3A_103 : i32
      %lt3A_105 = arith.constant 32 : i32
      %lt3A_106 = arith.cmpi slt, %add3A_104, %lt3A_105 : i32
      %convert_element_type3A_107 = arith.extui %lt3A_106 : i1 to i32
      %cond3A_108 = arith.constant 0 : i32
      %cond3A_109 = arith.cmpi ne, %convert_element_type3A_107, %cond3A_108 : i32
      scf.if %cond3A_109 {
        %add3A_110 = arith.constant 2 : i32
        %add3A_111 = arith.addi %add3A_76, %add3A_110 : i32
        %mul3A_112 = arith.constant 16 : i32
        %mul3A_113 = arith.muli %add3A_111, %mul3A_112 : i32
        %dma_start3A_114 = arith.constant 0 : i32
        %dma_start3A_115 = tpu.memref_slice %arg2[%add3A, %mul3A_113, %dma_start3A_114] : memref<32x512x512xf32, #tpu.memory_space<hbm>> -> memref<1x16x512xf32, #tpu.memory_space<hbm>>
        %dma_start3A_116 = tpu.memref_squeeze %dma_start3A_115 : memref<1x16x512xf32, #tpu.memory_space<hbm>> -> memref<16x512xf32, #tpu.memory_space<hbm>>
        %dma_start3A_117 = arith.constant 0 : i32
        %dma_start3A_118 = tpu.memref_slice %arg2[%add3A, %mul3A_113, %dma_start3A_117] : memref<32x512x512xf32, #tpu.memory_space<hbm>> -> memref<1x16x512xf32, #tpu.memory_space<hbm>>
        %dma_start3A_119 = tpu.memref_squeeze %dma_start3A_118 : memref<1x16x512xf32, #tpu.memory_space<hbm>> -> memref<16x512xf32, #tpu.memory_space<hbm>>
        tpu.enqueue_dma source(%dma_start3A_119 : memref<16x512xf32, #tpu.memory_space<hbm>>) target(%arg5 : memref<16x512xf32, #tpu.memory_space<vmem>>) target_semaphore(%arg9 : memref<!tpu.dma_semaphore, #tpu.memory_space<semaphore_mem>>)
      } else {
      }
    }
    %scan3A_20 = arith.constant 16 : i32
    %dma_wait3A = arith.constant 0 : i32
    %dma_wait3A_21 = arith.constant 480 : i32
    %dma_wait3A_22 = arith.constant 0 : i32
    %dma_wait3A_23 = tpu.memref_slice %arg3[%add3A, %dma_wait3A, %dma_wait3A_21, %dma_wait3A_22] : memref<32x4x512x512xf32, #tpu.memory_space<hbm>> -> memref<1x4x16x512xf32, #tpu.memory_space<hbm>>
    %dma_wait3A_24 = tpu.memref_squeeze %dma_wait3A_23 : memref<1x4x16x512xf32, #tpu.memory_space<hbm>> -> memref<4x16x512xf32, #tpu.memory_space<hbm>>
    %dma_wait3A_25 = arith.constant 0 : i32
    %dma_wait3A_26 = arith.constant 480 : i32
    %dma_wait3A_27 = arith.constant 0 : i32
    %dma_wait3A_28 = tpu.memref_slice %arg3[%add3A, %dma_wait3A_25, %dma_wait3A_26, %dma_wait3A_27] : memref<32x4x512x512xf32, #tpu.memory_space<hbm>> -> memref<1x4x16x512xf32, #tpu.memory_space<hbm>>
    %dma_wait3A_29 = tpu.memref_squeeze %dma_wait3A_28 : memref<1x4x16x512xf32, #tpu.memory_space<hbm>> -> memref<4x16x512xf32, #tpu.memory_space<hbm>>
    tpu.wait_dma2 semaphore(%arg10 : memref<!tpu.dma_semaphore, #tpu.memory_space<semaphore_mem>>) src(%arg6 : memref<4x16x512xf32, #tpu.memory_space<vmem>>) dst(%dma_wait3A_29 : memref<4x16x512xf32, #tpu.memory_space<hbm>>)
    %dma_wait3A_30 = arith.constant 0 : i32
    %dma_wait3A_31 = arith.constant 496 : i32
    %dma_wait3A_32 = arith.constant 0 : i32
    %dma_wait3A_33 = tpu.memref_slice %arg3[%add3A, %dma_wait3A_30, %dma_wait3A_31, %dma_wait3A_32] : memref<32x4x512x512xf32, #tpu.memory_space<hbm>> -> memref<1x4x16x512xf32, #tpu.memory_space<hbm>>
    %dma_wait3A_34 = tpu.memref_squeeze %dma_wait3A_33 : memref<1x4x16x512xf32, #tpu.memory_space<hbm>> -> memref<4x16x512xf32, #tpu.memory_space<hbm>>
    %dma_wait3A_35 = arith.constant 0 : i32
    %dma_wait3A_36 = arith.constant 496 : i32
    %dma_wait3A_37 = arith.constant 0 : i32
    %dma_wait3A_38 = tpu.memref_slice %arg3[%add3A, %dma_wait3A_35, %dma_wait3A_36, %dma_wait3A_37] : memref<32x4x512x512xf32, #tpu.memory_space<hbm>> -> memref<1x4x16x512xf32, #tpu.memory_space<hbm>>
    %dma_wait3A_39 = tpu.memref_squeeze %dma_wait3A_38 : memref<1x4x16x512xf32, #tpu.memory_space<hbm>> -> memref<4x16x512xf32, #tpu.memory_space<hbm>>
    tpu.wait_dma2 semaphore(%arg11 : memref<!tpu.dma_semaphore, #tpu.memory_space<semaphore_mem>>) src(%arg7 : memref<4x16x512xf32, #tpu.memory_space<vmem>>) dst(%dma_wait3A_39 : memref<4x16x512xf32, #tpu.memory_space<hbm>>)
    return
  }
}

</mosaic_0001>

<sc_bundles>
// kernel: kernel.3.cloned.1.call-start
scs
__scs_entry_jumppad:
0x0: {  	(pc) =	sbr.rel $0x88, $3  }
0x1: {  	(tag) =	ssettag $0x0;
	lr =	simm.s32 $0x1  }
0x2: {  	[smem:$0x3FA0] =	sst lr;
	_ =	strace $0xD0000000  }
0x3: {  	_ = 	snop  }
0x4: {  	_ = 	snop  }
0x5: {  	_ = 	snop  }
0x6: {  	_ = 	snop  }
0x7: {  	_ = 	snop  }
__scs_overlays_trampoline_lowered:
0x8: {  	[smem:$0x3FAF] =	sst s0  }
0x9: {  	[smem:$0x3FB0] =	sst s1  }
0xa: {  	[smem:$0x3FB1] =	sst s2  }
0xb: {  	[smem:$0x3FB2] =	sst s3  }
0xc: {  	[smem:$0x3FB3] =	sst s4  }
0xd: {  	[smem:$0x3FB4] =	sst s5  }
0xe: {  	[smem:$0x3FB5] =	sst s6  }
0xf: {  	[smem:$0x3FB6] =	sst s7  }
0x10: {  	[smem:$0x3FB7] =	sst s8  }
0x11: {  	[smem:$0x3FB8] =	sst s9;
	s0 =	simm.s32 @!p0 $0x0  }
0x12: {  	s1 =	sld [smem:$0x3F9E];
	s0 =	simm.s32 @p0 $0x1  }
0x13: {  	[smem:$0x3FB9] =	sst s0;
	s0 =	simm.s32 @!p1 $0x0  }
0x14: {  	s2 =	sld [smem:$0x3F9D];
	s0 =	simm.s32 @p1 $0x1  }
0x15: {  	[smem:$0x3FBA] =	sst s0;
	s0 =	simm.s32 @!p2 $0x0  }
0x16: {  	s3 =	sld [smem:$0x3FDB];
	s0 =	simm.s32 @p2 $0x1  }
0x17: {  	s4 =	simm.s32 $0x1BF5;
	[smem:$0x3FBC] =	sst s0  }
0x18: {  	s0 =	sld [smem:$0x3F9F];
	_ =	swait.ge [sflag:s4], $0x0  }
0x19: {  	s7 =	sld [smem:$0x3FA0]  }
0x1a: {  	s8 =	sadd.s32 $0xFFFFE003, lr  }
0x1b: {  	s9 =	sadd.s32 $0xFFFFFEF7, lr;
	s5 =	simm.s32 $0xFFFFFFFF;
	p2 =	slt.u32 s8, $0xFFFFF086  }
0x1c: {  	p1 =	slt.u32 s9, $0xF7A;
	s5 =	simm.s32 @!p2 $0x0  }
0x1d: {  	s5 =	simm.s32 @p1 $0x1;
	p0 =	seq.s32 s7, s2  }
0x1e: {  	s7 =	smul.u32 @!p0 $0xF7A, s2;
	p2 =	seq.s32 @!p0 s5, $0x0  }
0x1f: {  	s9 =	smul.u32 $0xF7A, s1;
	s8 =	simm.s32 @!p0 $0x1BF5;
	p2 =	por !p2, p0  }
0x20: {  	[sflag:s8] =	ssyncset.s32 @!p0 $0xFFFFF086;
	s6 =	sadd.s32 @!p0 s3, s7;
	s7 =	simm.s32 @!p0 $0x108  }
0x21: {  	s3 =	sadd.s32 s3, s9;
	s6 =	sadd.s32 @!p0 $0x88, s6;
	s7 =	simm.s32 @p2 $0x1082  }
0x22: {  	[simem:s7], [sflag:s8] =	dma.local @!p0 [hbm:s6], $0xF7A  }
0x23: {  	s9 =	sor.u32 $0xD0000000, s2;
	s6 =	simm.s32 $0x108;
	_ =	swait.ge @!p0 [sflag:s8], $0x0  }
0x24: {  	s3 =	sadd.s32 $0x88, s3;
	s6 =	simm.s32 @!p1 $0x1082;
	[sflag:s4] =	ssyncset.s32 $0xFFFFF086  }
0x25: {  	[simem:s6], [sflag:s4] =	dma.local [hbm:s3], $0xF7A  }
0x26: {  	[smem:$0x3FA0] =	sst s1;
	(tag) =	ssettag s2;
	_ =	strace s9  }
0x27: {  	s1 =	sld [smem:$0x3FB0]  }
0x28: {  	s2 =	sld [smem:$0x3FB1]  }
0x29: {  	s4 =	sld [smem:$0x3FB3]  }
0x2a: {  	p0 =	seq.s32 s5, $0x0;
	s5 =	sld [smem:$0x3FB4]  }
0x2b: {  	s6 =	sld [smem:$0x3FB5]  }
0x2c: {  	s7 =	sld [smem:$0x3FB6]  }
0x2d: {  	s3 =	simm.s32 $0x108;
	s8 =	sld [smem:$0x3FB7]  }
0x2e: {  	s3 =	simm.s32 @!p0 $0x1082;
	s9 =	sld [smem:$0x3FB8]  }
0x2f: {  	lr =	sadd.s32 s0, s3;
	s0 =	sld [smem:$0x3FAF]  }
0x30: {  	s3 =	sld [smem:$0x3FB2]  }
0x31: {  	[smem:$0x3FBB] =	sst s10  }
0x32: {  	s10 =	sld [smem:$0x3FB9];
	_ =	sdelay $0x3  }
0x33: {  	p0 =	seq.s32 s10, $0x1;
	s10 =	sld [smem:$0x3FBB];
	_ =	sdelay $0x3  }
0x34: {  	[smem:$0x3FBB] =	sst s10  }
0x35: {  	s10 =	sld [smem:$0x3FBA];
	_ =	sdelay $0x3  }
0x36: {  	p1 =	seq.s32 s10, $0x1;
	s10 =	sld [smem:$0x3FBB];
	_ =	sdelay $0x3  }
0x37: {  	[smem:$0x3FBB] =	sst s10  }
0x38: {  	s10 =	sld [smem:$0x3FBC]  }
0x39: {  	_ = 	snop;
	(pc) =	sbr.ind lr, $3  }
0x3a: {  	_ = 	snop  }
0x3b: {  	_ = 	snop  }
0x3c: {  	p2 =	seq.s32 s10, $0x1;
	s10 =	sld [smem:$0x3FBB]  }
0x3d: {  	_ =	shalt  }
0x3e: {  	_ =	shalt  }
0x3f: {  	_ =	shalt  }
0x40: {  	_ =	shalt  }
0x41: {  	_ =	shalt  }
0x42: {  	_ =	shalt  }
0x43: {  	_ =	shalt  }
0x44: {  	_ =	shalt  }
0x45: {  	_ =	shalt  }
0x46: {  	_ =	shalt  }
0x47: {  	_ =	shalt  }
0x48: {  	_ =	shalt  }
0x49: {  	_ =	shalt  }
0x4a: {  	_ =	shalt  }
0x4b: {  	_ =	shalt  }
0x4c: {  	_ =	shalt  }
0x4d: {  	_ =	shalt  }
0x4e: {  	_ =	shalt  }
0x4f: {  	_ =	shalt  }
0x50: {  	_ =	shalt  }
0x51: {  	_ =	shalt  }
0x52: {  	_ =	shalt  }
0x53: {  	_ =	shalt  }
0x54: {  	_ =	shalt  }
0x55: {  	_ =	shalt  }
0x56: {  	_ =	shalt  }
0x57: {  	_ =	shalt  }
0x58: {  	_ =	shalt  }
0x59: {  	_ =	shalt  }
0x5a: {  	_ =	shalt  }
0x5b: {  	_ =	shalt  }
0x5c: {  	_ =	shalt  }
0x5d: {  	_ =	shalt  }
0x5e: {  	_ =	shalt  }
0x5f: {  	_ =	shalt  }
0x60: {  	_ =	shalt  }
0x61: {  	_ =	shalt  }
0x62: {  	_ =	shalt  }
0x63: {  	_ =	shalt  }
0x64: {  	_ =	shalt  }
0x65: {  	_ =	shalt  }
0x66: {  	_ =	shalt  }
0x67: {  	_ =	shalt  }
0x68: {  	_ =	shalt  }
0x69: {  	_ =	shalt  }
0x6a: {  	_ =	shalt  }
0x6b: {  	_ =	shalt  }
0x6c: {  	_ =	shalt  }
0x6d: {  	_ =	shalt  }
0x6e: {  	_ =	shalt  }
0x6f: {  	_ =	shalt  }
0x70: {  	_ =	shalt  }
0x71: {  	_ =	shalt  }
0x72: {  	_ =	shalt  }
0x73: {  	_ =	shalt  }
0x74: {  	_ =	shalt  }
0x75: {  	_ =	shalt  }
0x76: {  	_ =	shalt  }
0x77: {  	_ =	shalt  }
0x78: {  	_ =	shalt  }
0x79: {  	_ =	shalt  }
0x7a: {  	_ =	shalt  }
0x7b: {  	_ =	shalt  }
0x7c: {  	_ =	shalt  }
0x7d: {  	_ =	shalt  }
0x7e: {  	_ =	shalt  }
0x7f: {  	_ =	shalt  }
0x80: {  	_ =	shalt  }
0x81: {  	_ =	shalt  }
0x82: {  	_ =	shalt  }
0x83: {  	_ =	shalt  }
0x84: {  	_ =	shalt  }
0x85: {  	_ =	shalt  }
0x86: {  	_ =	shalt  }
0x87: {  	_ =	shalt  }
.Lfunc_end0:
.L_simem_size_0:
called_computation_lowered:
.L_overlay_start_0:
0x88: {  	s2 =	sld [smem:$0x3FD9]  }
0x89: {  	s3 =	sld [smem:$0x3FFE];
	_ =	sdelay $0x1  }
0x8a: {  	s1 =	srdreg.scid  }
0x8b: {  	s0 =	sand.u32 $0x1, s1  }
0x8c: {  	s18 =	sshll.u32 s0, $0xA;
	s2 =	sadd.s32 s3, s2  }
0x8d: {  	s2 =	sadd.s32 s2, s18  }
0x8e: {  	[smem:$0x3FC7] =	sst s2  }
0x8f: {  	_ = 	snop  }
0x90: {  	s2 =	sld [smem:$0x3FC9]  }
0x91: {  	s19 =	sld [smem:$0x3FD0];
	(tm) =	ssettm $0x1  }
0x92: {  	s4 =	sld [smem:$0x3FFB];
	_ =	sdelay $0x3  }
0x93: {  	_ =	strace s4  }
0x94: {  	s4 =	sld [smem:$0x3FFC];
	_ =	sdelay $0x3  }
0x95: {  	_ =	strace s4  }
0x96: {  	s4 =	sld [smem:$0x3FFD];
	_ =	sdelay $0x3  }
0x97: {  	_ =	strace s4  }
0x98: {  	_ =	strace $0x8FFFFFFF  }
0x99: {  	s20 =	sld [smem:$0x3FDB];
	_ =	sdelay $0x1  }
0x9a: {  	s5 =	simm.s32 $_scs_section_size  }
0x9b: {  	s6 =	simm.s32 $_size__tile_overlayer_lowered;
	s7 =	simm.s32 $_tile_overlayer_lowered  }
0x9c: {  	s23 =	simm.s32 $0x1BFF;
	s22 =	sshll.u32 s7, $0x1;
	s4 =	sadd.s32 s5, s20  }
0x9d: {  	s8 =	simm.s32 $0x0;
	s21 =	sshll.u32 s6, $0x1;
	s6 =	sadd.s32 s22, s4  }
0x9e: {  	[timem:s8], [sflag:s23] =	dma.local [hbm:s6], s21  }
0x9f: {  	_ =	swait.ge [sflag:s23], s21  }
0xa0: {  	s5 =	ssub.s32 $0x0, s21;
	[sflag:s23] =	ssyncset.done $0x0  }
0xa1: {  	[sflag:s23] =	ssyncadd.s32 s5;
	_ =	sdelay $0x1  }
0xa2: {  	s24 =	simm.s32 $0x1B8B  }
0xa3: {  	_ =	swait.ge [sflag:s24], $0x1  }
0xa4: {  	[sflag:s24] =	ssyncset.done $0x0  }
0xa5: {  	s25 =	simm.s32 $0x1B8E;
	[sflag:s24] =	ssyncadd.s32 $0xFFFFFFFF  }
0xa6: {  	s26 =	simm.s32 $execute0_lowered;
	[smem:$0x3FD2] =	sst s25  }
0xa7: {  	s5 =	sshll.u32 s26, $0x1;
	_ =	strace $0x80000046;
	[dreg:$0x1] =	wrdreg $0xFFFFFFFF  }
0xa8: {  	s28 =	simm.s32 $_size_execute0_lowered;
	s4 =	sadd.s32 s4, s5;
	[dreg:$0x0] =	wrdreg $0x0  }
0xa9: {  	s5 =	sshll.u32 s28, $0x1;
	[dreg:$0x2] =	wrdreg s4  }
0xaa: {  	[dreg:$0x3] =	wrdreg s5  }
0xab: {  	[dreg:$0x4] =	wrdreg $0xC0  }
0xac: {  	_ =	task [dreg:s8], $0x5FFFF  }
0xad: {  	[dreg:$0x1] =	wrdreg $0xFFFFFFFF  }
0xae: {  	[dreg:$0x0] =	wrdreg $0x60  }
0xaf: {  	[dreg:$0x2] =	wrdreg s2  }
0xb0: {  	[dreg:$0x3] =	wrdreg s19  }
0xb1: {  	[dreg:$0x4] =	wrdreg $0x9  }
0xb2: {  	_ =	task.clear_ibuf [dreg:s8], $0x5FFFF;
	_ =	strace $0x90000046  }
0xb3: {  	s29 =	simm.s32 $0x9;
	_ =	strace $0x80000048  }
0xb4: {  	_ =	swait.ge [sflag:s29], $0x1  }
0xb5: {  	[sflag:s29] =	ssyncadd.s32 $0xFFFFFFFF  }
0xb6: {  	_ =	strace $0x90000048  }
0xb7: {  	_ =	sfence  }
0xb8: {  	s30 =	sld [smem:$0x0];
	_ =	sdelay $0x2  }
0xb9: {  	s31 =	sshll.u32 s1, $0xD;
	s1 =	sshrl.u32 s1, $0x2  }
0xba: {  	s3 =	sand.u32 $0x4000, s31;
	s1 =	sadd.s32 s1, s30  }
0xbb: {  	s0 =	sor.u32 s3, s0;
	s1 =	sshll.u32 s1, $0x11  }
0xbc: {  	s0 =	sor.u32 s1, s0  }
0xbd: {  	s0 =	sadd.s32 $0x8F2B, s0  }
0xbe: {  	[sflag:s0] =	ssyncadd.remote.s32 $0x1  }
0xbf: {  	_ =	sfence.sel $0xFFFF  }
0xc0: {  	[dreg:$0x0] =	wrdreg $0xFFFFFFFF;
	(pc) =	sbr.abs _section_cstart, $3  }
0xc1: {  	[dreg:$0x1] =	wrdreg $0xFFFFFFFF  }
0xc2: {  	_ =	task.clear_ibuf [dreg:s8], $0x2FFFF;
	_ =	strace $0x9FFFFFFF  }
0xc3: {  	(tm) =	ssettm $0x7FFFFFFF  }
tec
execute0_lowered:
.L_overlay_start_1:
0x0: {  	(tag) =	ssettag $0x1  }
0x1: {  	s2 =	rddreg [dreg:$0x0]  }
0x2: {  	s3 =	rddreg [dreg:$0x1];
	s4 =	srdreg.scid  }
0x3: {  	s1 =	stileid.u32;
	s0 =	rddreg [dreg:$0x2]  }
0x4: {  	s11 =	simm.s32 $0x2000;
	s12 =	simm.s32 $0x1;
	s13 =	simm.s32 $0x40000  }
0x5: {  	s14 =	simm.s32 $0x4000;
	s15 =	simm.s32 $0x2;
	s16 =	simm.s32 $0x4  }
0x6: {  	s17 =	simm.s32 $0xC000;
	s18 =	simm.s32 $0x3;
	s19 =	simm.s32 $0x0  }
0x7: {  	s5 =	sand.u32 $0x1, s4;
	s6 =	sshll.u32 s1, $0x1;
	s4 =	simm.s32 $0x0  }
.Ltmp0:
0x8: {  	s7 =	ssub.s32 $0x2, s5;
	s8 =	sor.u32 s5, s6;
	(pc) =	sbr.rel .LBB2_1-.Ltmp0, $4  }
0x9: {  	[smem:$0x7FF] =	sst s4;
	s31 =	sshrl.u32 s7, $0x1;
	s6 =	sshll.u32 s8, $0xF  }
0xa: {  	_ =	strace $0x80000047;
	s9 =	sshll.u32 s8, $0x12;
	s10 =	ssub.s32 s7, s31  }
0xb: {  	s5 =	sadd.s32 s2, s6;
	s7 =	sshll.u32 s8, $0x14;
	s8 =	sor.u32 $0x4000, s9  }
0xc: {  	v0 =	vimm.f32 $0.0e+00;
	s9 =	sor.u32 $0x6000, s9;
	s6 =	sadd.s32 $0x400, s5;
	s10 =	smax.u32 s10, $0x1  }
.LBB2_12:
0xd: {  	s19 =	sadd.s32 $0x1, s19  }
0xe: {  	_ =	swait.ge [sflag:s18], $0x8000;
	p0 =	sne.s32 s19, s10  }
.Ltmp1:
0xf: {  	[sflag:s18] =	ssyncset.done $0x0;
	(pc) =	sbr.rel @!p0 .LBB2_13-.Ltmp1, $4  }
0x10: {  	[sflag:s18] =	ssyncadd.s32 $0xFFFF8000  }
0x11: {  	_ =	swait.ge [sflag:s16], $0x8000  }
0x12: {  	[sflag:s16] =	ssyncset.done $0x0  }
0x13: {  	[sflag:s16] =	ssyncadd.s32 $0xFFFF8000  }
.LBB2_1:
0x14: {  	[tilespmem:s4], [sflag:$0x1] =	stream.linear.gather [hbm4b:s5+s4], $0x2000, $0x38;
	[tilespmem:$0x14000] =	vst v63  }
0x15: {  	s20 =	simm.s32 $0x0  }
0x16: {  	[tilespmem:s11], [sflag:$0x2] =	stream.linear.gather [hbm4b:s6+s4], $0x2000, $0x38;
	[tilespmem:$0x14000] =	vst v63  }
.LBB2_2:
0x17: {  	_ =	swait.ge [sflag:s12], $0x2000  }
0x18: {  	p0 =	seq.s32 s20, $0x0;
	[sflag:s12] =	ssyncset.done $0x0  }
0x19: {  	s21 =	simm.s32 @!p0 $0x3;
	[sflag:s12] =	ssyncadd.s32 $0xFFFFE000  }
0x1a: {  	s22 =	simm.s32 $0x0;
	_ =	swait.ge @!p0 [sflag:s21], $0x8000  }
0x1b: {  	s23 =	sand.u32 $0x70, s22;
	s24 =	sand.u32 $0xC00, s22;
	[sflag:s21] =	ssyncset.done @!p0 $0x0  }
0x1c: {  	s23 =	sor.u32 s23, s24;
	[sflag:s21] =	ssyncadd.s32 @!p0 $0xFFFF8000  }
0x1d: {  	v1 =	vld [tilespmem:s23+$0x0]  }
0x1e: {  	v2 =	vld [tilespmem:s23+$0x100]  }
0x1f: {  	v3 =	vld [tilespmem:s23+$0x80];
	_ =	sdelay $0x3  }
0x20: {  	vm0 =	vlt.f32 v1, $1.000000010e-01;
	vm1 =	vlt.f32 v1, $2.500000000e+00  }
0x21: {  	vm2 =	vlt.f32 v2, $1.000000000e+00;
	vm3 =	vlt.f32 v3, $2.500000000e+00;
	v4 =	vsel vm0, $0x3F800000, v0  }
0x22: {  	v5 =	vsel vm1, $0x3F800000, v0;
	vm0 =	vlt.f32 v2, $1.000000010e-01;
	vm1 =	vlt.f32 v3, $1.000000000e+00  }
0x23: {  	v10 =	vsel vm3, $0x3F800000, v0;
	v6 =	vsub.f32 $1.000000000e+00, v5;
	[tilespmem:s23+$0x4000] =	vst v4;
	v7 =	vsel vm0, $0x3F800000, v0  }
0x24: {  	v9 =	vsel vm1, $0x3F800000, v0;
	vm0 =	vlt.f32 v2, $2.500000000e+00;
	v2 =	vsub.f32 $1.000000000e+00, v10;
	[tilespmem:s23+$0x4100] =	vst v7  }
0x25: {  	v8 =	vsel vm2, $0x3F800000, v0;
	v11 =	vsub.f32 v10, v9;
	[tilespmem:s23+$0xA000] =	vst v6  }
0x26: {  	v6 =	vsub.f32 v8, v7;
	v7 =	vsel vm0, $0x3F800000, v0;
	[tilespmem:s23+$0xA080] =	vst v2  }
0x27: {  	vm0 =	vlt.f32 v1, $1.000000000e+00;
	[tilespmem:s23+$0x8080] =	vst v11;
	v1 =	vsub.f32 v7, v8  }
0x28: {  	[tilespmem:s23+$0x6100] =	vst v6;
	v6 =	vsel vm0, $0x3F800000, v0;
	vm0 =	vlt.f32 v3, $1.000000010e-01  }
0x29: {  	v3 =	vsub.f32 $1.000000000e+00, v7;
	[tilespmem:s23+$0x8100] =	vst v1;
	v1 =	vsel vm0, $0x3F800000, v0  }
0x2a: {  	v2 =	vsub.f32 v6, v4;
	[tilespmem:s23+$0x4080] =	vst v1  }
0x2b: {  	v1 =	vsub.f32 v9, v1;
	[tilespmem:s23+$0xA100] =	vst v3  }
0x2c: {  	s30 =	sand.u32 $0xFFFFFC00, s22;
	[tilespmem:s23+$0x6000] =	vst v2;
	v2 =	vsub.f32 v5, v6  }
0x2d: {  	s26 =	sadd.s32 $0x0, s30;
	[tilespmem:s23+$0x6080] =	vst v1  }
0x2e: {  	s21 =	sor.u32 $0x180, s26;
	[tilespmem:s23+$0x8000] =	vst v2  }
0x2f: {  	v1 =	vld [tilespmem:s21+$0x0];
	_ =	sdelay $0x4  }
0x30: {  	vm0 =	vlt.f32 v1, $1.000000010e-01  }
0x31: {  	vm1 =	vlt.f32 v1, $1.000000000e+00;
	vm2 =	vlt.f32 v1, $2.500000000e+00;
	v1 =	vsel vm0, $0x3F800000, v0  }
0x32: {  	v2 =	vsel vm1, $0x3F800000, v0;
	v3 =	vsel vm2, $0x3F800000, v0;
	[tilespmem:s21+$0x4000] =	vst v1  }
0x33: {  	v4 =	vsub.f32 v3, v2;
	v5 =	vld [tilespmem:s23+$0x200]  }
0x34: {  	v6 =	vld [tilespmem:s23+$0x280]  }
0x35: {  	[tilespmem:s23+$0x8180] =	vst v4;
	v4 =	vld [tilespmem:s23+$0x300];
	_ =	sdelay $0x1  }
0x36: {  	v3 =	vsub.f32 $1.000000000e+00, v3  }
0x37: {  	v1 =	vsub.f32 v2, v1;
	vm0 =	vlt.f32 v5, $1.000000010e-01;
	vm1 =	vlt.f32 v5, $1.000000000e+00  }
0x38: {  	[tilespmem:s23+$0xA180] =	vst v3;
	vm2 =	vlt.f32 v5, $2.500000000e+00;
	vm4 =	vlt.f32 v6, $1.000000010e-01;
	v3 =	vsel vm0, $0x3F800000, v0  }
0x39: {  	[tilespmem:s23+$0x6180] =	vst v1;
	vm0 =	vlt.f32 v4, $1.000000000e+00;
	vm3 =	vlt.f32 v4, $1.000000010e-01;
	v59 =	vsel vm2, $0x3F800000, v0  }
0x3a: {  	v60 =	vsel vm4, $0x3F800000, v0;
	v61 =	vsel vm1, $0x3F800000, v0;
	[tilespmem:s23+$0x4200] =	vst v3;
	v5 =	vsel vm3, $0x3F800000, v0  }
0x3b: {  	v7 =	vsel vm0, $0x3F800000, v0;
	vm0 =	vlt.f32 v4, $2.500000000e+00;
	v4 =	vsub.f32 $1.000000000e+00, v59;
	[tilespmem:s23+$0x4280] =	vst v60  }
0x3c: {  	v3 =	vsub.f32 v61, v3;
	[tilespmem:s23+$0x4300] =	vst v5  }
0x3d: {  	v2 =	vsub.f32 v59, v61;
	[tilespmem:s23+$0xA200] =	vst v4  }
0x3e: {  	v5 =	vsub.f32 v7, v5;
	v62 =	vsel vm0, $0x3F800000, v0;
	vm0 =	vlt.f32 v6, $2.500000000e+00;
	[tilespmem:s23+$0x6200] =	vst v3  }
0x3f: {  	vm1 =	vlt.f32 v6, $1.000000000e+00;
	v4 =	vsub.f32 v62, v7;
	v6 =	vsel vm0, $0x3F800000, v0;
	[tilespmem:s23+$0x8200] =	vst v2  }
0x40: {  	[tilespmem:s23+$0x6300] =	vst v5;
	v5 =	vsel vm1, $0x3F800000, v0;
	v7 =	vsub.f32 $1.000000000e+00, v6  }
0x41: {  	v3 =	vsub.f32 v5, v60;
	[tilespmem:s23+$0x8300] =	vst v4  }
0x42: {  	v4 =	vsub.f32 v6, v5;
	[tilespmem:s23+$0xA280] =	vst v7  }
0x43: {  	[tilespmem:s23+$0x6280] =	vst v3;
	v3 =	vsub.f32 $1.000000000e+00, v62  }
0x44: {  	s24 =	sor.u32 s22, s22;
	[tilespmem:s23+$0x8280] =	vst v4  }
0x45: {  	s31 =	sor.u32 $0x380, s24;
	[tilespmem:s23+$0xA300] =	vst v3  }
0x46: {  	v1 =	vld [tilespmem:s31+$0x0];
	_ =	sdelay $0x4  }
0x47: {  	vm0 =	vlt.f32 v1, $1.000000010e-01  }
0x48: {  	v2 =	vsel vm0, $0x3F800000, v0  }
0x49: {  	[tilespmem:s31+$0x4000] =	vst v2  }
0x4a: {  	v5 =	vld [tilespmem:s23+$0x1100]  }
0x4b: {  	vm1 =	vlt.f32 v1, $2.500000000e+00;
	v6 =	vld [tilespmem:s23+$0x1080]  }
0x4c: {  	v3 =	vsel vm1, $0x3F800000, v0;
	vm0 =	vlt.f32 v1, $1.000000000e+00  }
0x4d: {  	v1 =	vsub.f32 $1.000000000e+00, v3;
	v4 =	vsel vm0, $0x3F800000, v0;
	v7 =	vld [tilespmem:s23+$0x1000]  }
0x4e: {  	v2 =	vsub.f32 v4, v2;
	v4 =	vsub.f32 v3, v4  }
0x4f: {  	vm0 =	vlt.f32 v5, $1.000000010e-01;
	vm1 =	vlt.f32 v5, $1.000000000e+00;
	vm2 =	vlt.f32 v5, $2.500000000e+00  }
0x50: {  	[tilespmem:s23+$0xA380] =	vst v1;
	vm3 =	vlt.f32 v6, $1.000000010e-01;
	vm4 =	vlt.f32 v6, $1.000000000e+00;
	v1 =	vsel vm1, $0x3F800000, v0  }
0x51: {  	[tilespmem:s23+$0x6380] =	vst v2;
	v63 =	vsel vm3, $0x3F800000, v0;
	v2 =	vsel vm4, $0x3F800000, v0;
	v3 =	vsel vm2, $0x3F800000, v0  }
0x52: {  	[tilespmem:s23+$0x8380] =	vst v4;
	vm3 =	vlt.f32 v7, $1.000000000e+00;
	vm2 =	vlt.f32 v7, $2.500000000e+00;
	vm4 =	vlt.f32 v7, $1.000000010e-01  }
0x53: {  	s25 =	simm.s32 $0x10;
	s21 =	sshll.u32 s20, $0xE;
	vm1 =	vlt.f32 v6, $2.500000000e+00;
	v5 =	vsub.f32 v2, v63;
	[tilespmem:s23+$0x5080] =	vst v63;
	v4 =	vsub.f32 $1.000000000e+00, v3  }
.LBB2_3:
0x54: {  	p1 =	slt.u32 s25, $0x1F0  }
0x55: {  	v6 =	vsel vm4, $0x3F800000, v0;
	v7 =	vsel vm3, $0x3F800000, v0;
	v8 =	vsel vm2, $0x3F800000, v0;
	[tilespmem:s23+$0x7080] =	vst v5;
	s22 =	sadd.s32 $0x80, s22;
	s28 =	smov.u32 s25;
	s25 =	sadd.s32 $0x10, s25  }
0x56: {  	v9 =	vsel vm1, $0x3F800000, v0;
	[tilespmem:s23+$0x5000] =	vst v6;
	v5 =	vsub.f32 v7, v6;
	v6 =	vsub.f32 $1.000000000e+00, v8  }
0x57: {  	v10 =	vsel vm0, $0x3F800000, v0;
	v2 =	vsub.f32 v9, v2;
	v9 =	vsub.f32 $1.000000000e+00, v9;
	[tilespmem:s23+$0xB100] =	vst v4  }
0x58: {  	v3 =	vsub.f32 v3, v1;
	v4 =	vsub.f32 v8, v7;
	[tilespmem:s23+$0x7000] =	vst v5  }
0x59: {  	v1 =	vsub.f32 v1, v10;
	[tilespmem:s23+$0x5100] =	vst v10  }
0x5a: {  	[tilespmem:s23+$0x9100] =	vst v3  }
0x5b: {  	[tilespmem:s23+$0xB000] =	vst v6  }
0x5c: {  	[tilespmem:s23+$0x9000] =	vst v4  }
0x5d: {  	[tilespmem:s23+$0x7100] =	vst v1  }
0x5e: {  	[tilespmem:s23+$0xB080] =	vst v9  }
0x5f: {  	s26 =	sor.u32 $0x1180, s26;
	[tilespmem:s23+$0x9080] =	vst v2  }
0x60: {  	v1 =	vld [tilespmem:s26+$0x0];
	_ =	sdelay $0x4  }
0x61: {  	vm0 =	vlt.f32 v1, $1.000000010e-01;
	vm1 =	vlt.f32 v1, $1.000000000e+00;
	vm2 =	vlt.f32 v1, $2.500000000e+00  }
0x62: {  	v1 =	vsel vm0, $0x3F800000, v0;
	v2 =	vsel vm1, $0x3F800000, v0;
	v3 =	vsel vm2, $0x3F800000, v0  }
0x63: {  	[tilespmem:s26+$0x4000] =	vst v1;
	v1 =	vsub.f32 v2, v1;
	v2 =	vsub.f32 v3, v2  }
0x64: {  	v3 =	vsub.f32 $1.000000000e+00, v3;
	v4 =	vld [tilespmem:s23+$0x1200]  }
0x65: {  	[tilespmem:s23+$0x7180] =	vst v1;
	v1 =	vld [tilespmem:s23+$0x1280]  }
0x66: {  	[tilespmem:s23+$0x9180] =	vst v2;
	v2 =	vld [tilespmem:s23+$0x1300]  }
0x67: {  	[tilespmem:s23+$0xB180] =	vst v3;
	_ =	sdelay $0x1  }
0x68: {  	vm0 =	vlt.f32 v4, $1.000000010e-01;
	vm1 =	vlt.f32 v4, $1.000000000e+00;
	vm2 =	vlt.f32 v4, $2.500000000e+00  }
0x69: {  	s29 =	sand.u32 $0xC00, s22;
	s26 =	sand.u32 $0x70, s28;
	v3 =	vsel vm2, $0x3F800000, v0;
	vm2 =	vlt.f32 v1, $1.000000010e-01;
	vm3 =	vlt.f32 v1, $1.000000000e+00  }
0x6a: {  	s29 =	sor.u32 s26, s29;
	v4 =	vsub.f32 $1.000000000e+00, v3;
	v5 =	vsel vm2, $0x3F800000, v0;
	v6 =	vsel vm3, $0x3F800000, v0  }
0x6b: {  	vm2 =	vlt.f32 v2, $1.000000010e-01;
	v7 =	vld [tilespmem:s29+$0x0];
	[tilespmem:s23+$0x5280] =	vst v5;
	v5 =	vsub.f32 v6, v5  }
0x6c: {  	v8 =	vld [tilespmem:s29+$0x100];
	[tilespmem:s23+$0xB200] =	vst v4;
	v4 =	vsel vm2, $0x3F800000, v0;
	vm2 =	vlt.f32 v2, $1.000000000e+00  }
0x6d: {  	v10 =	vsel vm0, $0x3F800000, v0;
	vm0 =	vlt.f32 v2, $2.500000000e+00;
	v9 =	vld [tilespmem:s29+$0x80];
	[tilespmem:s23+$0x7280] =	vst v5;
	v5 =	vsel vm2, $0x3F800000, v0  }
0x6e: {  	v11 =	vsel vm0, $0x3F800000, v0;
	v2 =	vsel vm1, $0x3F800000, v0;
	v12 =	vsub.f32 v5, v4  }
0x6f: {  	vm0 =	vlt.f32 v1, $2.500000000e+00;
	v3 =	vsub.f32 v3, v2;
	v1 =	vsub.f32 v11, v5;
	[tilespmem:s23+$0x5300] =	vst v4  }
0x70: {  	v2 =	vsub.f32 v2, v10;
	v5 =	vsub.f32 $1.000000000e+00, v11;
	v4 =	vsel vm0, $0x3F800000, v0;
	[tilespmem:s23+$0x7300] =	vst v12  }
0x71: {  	vm0 =	vlt.f32 v7, $1.000000010e-01;
	vm1 =	vlt.f32 v7, $1.000000000e+00;
	vm2 =	vlt.f32 v8, $1.000000000e+00;
	[tilespmem:s23+$0x5200] =	vst v10  }
0x72: {  	v10 =	vsel vm0, $0x3F800000, v0;
	vm0 =	vlt.f32 v7, $2.500000000e+00;
	vm3 =	vlt.f32 v8, $1.000000010e-01;
	[tilespmem:s23+$0x7200] =	vst v2  }
0x73: {  	v2 =	vsel vm1, $0x3F800000, v0;
	v7 =	vsel vm0, $0x3F800000, v0;
	[tilespmem:s23+$0x9200] =	vst v3;
	v3 =	vsub.f32 v4, v6  }
0x74: {  	vm0 =	vlt.f32 v9, $1.000000000e+00;
	v6 =	vsub.f32 $1.000000000e+00, v7;
	v4 =	vsub.f32 $1.000000000e+00, v4;
	[tilespmem:s23+$0x9300] =	vst v1  }
0x75: {  	v1 =	vsel vm0, $0x3F800000, v0;
	vm0 =	vlt.f32 v9, $2.500000000e+00;
	[tilespmem:s23+$0x9280] =	vst v3  }
0x76: {  	v11 =	vsel vm3, $0x3F800000, v0;
	v12 =	vsel vm2, $0x3F800000, v0;
	v3 =	vsel vm0, $0x3F800000, v0;
	[tilespmem:s29+$0x4000] =	vst v10  }
0x77: {  	vm0 =	vlt.f32 v8, $2.500000000e+00;
	v8 =	vsub.f32 v12, v11;
	[tilespmem:s29+$0xA000] =	vst v6;
	v6 =	vsub.f32 v3, v1  }
0x78: {  	v7 =	vsub.f32 v7, v2;
	v13 =	vsel vm0, $0x3F800000, v0;
	v3 =	vsub.f32 $1.000000000e+00, v3;
	[tilespmem:s29+$0x4100] =	vst v11  }
0x79: {  	v2 =	vsub.f32 v2, v10;
	[tilespmem:s29+$0x6100] =	vst v8;
	v8 =	vsub.f32 $1.000000000e+00, v13  }
0x7a: {  	[tilespmem:s29+$0x8080] =	vst v6;
	v6 =	vsub.f32 v13, v12  }
0x7b: {  	[tilespmem:s29+$0xA080] =	vst v3  }
0x7c: {  	vm0 =	vlt.f32 v9, $1.000000010e-01;
	[tilespmem:s29+$0x8100] =	vst v6  }
0x7d: {  	v3 =	vsel vm0, $0x3F800000, v0;
	[tilespmem:s23+$0xB280] =	vst v4  }
0x7e: {  	v1 =	vsub.f32 v1, v3;
	[tilespmem:s29+$0x4080] =	vst v3  }
0x7f: {  	[tilespmem:s29+$0x6000] =	vst v2  }
0x80: {  	s26 =	sand.u32 $0xFFFFFC00, s22;
	[tilespmem:s29+$0x6080] =	vst v1  }
0x81: {  	s26 =	sadd.s32 s26, s28;
	[tilespmem:s29+$0xA100] =	vst v8  }
0x82: {  	s30 =	sor.u32 $0x180, s26;
	[tilespmem:s29+$0x8000] =	vst v7  }
0x83: {  	s24 =	sor.u32 $0x1380, s24;
	v1 =	vld [tilespmem:s30+$0x0];
	[tilespmem:s23+$0xB300] =	vst v5  }
0x84: {  	v2 =	vld [tilespmem:s24+$0x0];
	_ =	sdelay $0x3  }
0x85: {  	vm0 =	vlt.f32 v1, $1.000000010e-01;
	vm1 =	vlt.f32 v1, $1.000000000e+00;
	vm2 =	vlt.f32 v1, $2.500000000e+00  }
0x86: {  	v1 =	vsel vm0, $0x3F800000, v0;
	v3 =	vsel vm1, $0x3F800000, v0;
	v4 =	vsel vm2, $0x3F800000, v0  }
0x87: {  	vm0 =	vlt.f32 v2, $1.000000010e-01;
	[tilespmem:s30+$0x4000] =	vst v1;
	v5 =	vsub.f32 v4, v3;
	v4 =	vsub.f32 $1.000000000e+00, v4  }
0x88: {  	vm1 =	vlt.f32 v2, $1.000000000e+00;
	vm2 =	vlt.f32 v2, $2.500000000e+00;
	v1 =	vsub.f32 v3, v1;
	v3 =	vld [tilespmem:s29+$0x200]  }
0x89: {  	v6 =	vsel vm1, $0x3F800000, v0;
	v7 =	vsel vm2, $0x3F800000, v0;
	[tilespmem:s29+$0x8180] =	vst v5;
	v2 =	vld [tilespmem:s29+$0x280];
	v5 =	vsel vm0, $0x3F800000, v0  }
0x8a: {  	v8 =	vld [tilespmem:s29+$0x300];
	[tilespmem:s24+$0x4000] =	vst v5;
	v5 =	vsub.f32 v6, v5;
	v6 =	vsub.f32 v7, v6  }
0x8b: {  	[tilespmem:s29+$0xA180] =	vst v4;
	v4 =	vsub.f32 $1.000000000e+00, v7  }
0x8c: {  	[tilespmem:s23+$0x7380] =	vst v5  }
0x8d: {  	vm0 =	vlt.f32 v3, $1.000000010e-01;
	vm1 =	vlt.f32 v3, $1.000000000e+00;
	vm2 =	vlt.f32 v3, $2.500000000e+00;
	[tilespmem:s23+$0xB380] =	vst v4  }
0x8e: {  	vm3 =	vlt.f32 v2, $1.000000010e-01;
	vm4 =	vlt.f32 v2, $1.000000000e+00;
	vm5 =	vlt.f32 v2, $2.500000000e+00;
	[tilespmem:s23+$0x9380] =	vst v6;
	s23 =	smov.u32 s29  }
0x8f: {  	v2 =	vsel vm0, $0x3F800000, v0;
	vm0 =	vlt.f32 v8, $1.000000000e+00;
	vm6 =	vlt.f32 v8, $2.500000000e+00  }
0x90: {  	v3 =	vsel vm4, $0x3F800000, v0;
	vm4 =	vlt.f32 v8, $1.000000010e-01;
	[tilespmem:s23+$0x4200] =	vst v2;
	v4 =	vsel vm6, $0x3F800000, v0  }
0x91: {  	v5 =	vsel vm2, $0x3F800000, v0;
	v6 =	vsel vm4, $0x3F800000, v0;
	v7 =	vsel vm0, $0x3F800000, v0  }
0x92: {  	v8 =	vsub.f32 $1.000000000e+00, v5;
	v9 =	vsel vm3, $0x3F800000, v0;
	[tilespmem:s23+$0x4300] =	vst v6;
	v6 =	vsub.f32 v7, v6  }
0x93: {  	v10 =	vsel vm1, $0x3F800000, v0;
	v11 =	vsel vm5, $0x3F800000, v0;
	v12 =	vsub.f32 $1.000000000e+00, v4;
	[tilespmem:s23+$0x4280] =	vst v9  }
0x94: {  	v2 =	vsub.f32 v10, v2;
	v13 =	vsub.f32 v11, v3;
	[tilespmem:s23+$0x6300] =	vst v6  }
0x95: {  	v5 =	vsub.f32 v5, v10;
	v4 =	vsub.f32 v4, v7;
	[tilespmem:s23+$0xA200] =	vst v8  }
0x96: {  	[tilespmem:s23+$0x6200] =	vst v2;
	v2 =	vsub.f32 v3, v9  }
0x97: {  	v3 =	vsub.f32 $1.000000000e+00, v11;
	[tilespmem:s23+$0x8300] =	vst v4  }
0x98: {  	[tilespmem:s23+$0x6280] =	vst v2  }
0x99: {  	[tilespmem:s23+$0xA280] =	vst v3  }
0x9a: {  	[tilespmem:s23+$0x8280] =	vst v13  }
0x9b: {  	[tilespmem:s23+$0xA300] =	vst v12;
	_ =	sdelay $0x1  }
0x9c: {  	s24 =	sor.u32 s28, s22;
	[tilespmem:s23+$0x6180] =	vst v1  }
0x9d: {  	s28 =	sor.u32 $0x380, s24;
	[tilespmem:s23+$0x8200] =	vst v5  }
0x9e: {  	v1 =	vld [tilespmem:s28+$0x0];
	_ =	sdelay $0x4  }
0x9f: {  	vm0 =	vlt.f32 v1, $1.000000010e-01;
	vm1 =	vlt.f32 v1, $1.000000000e+00;
	vm2 =	vlt.f32 v1, $2.500000000e+00  }
0xa0: {  	v1 =	vsel vm0, $0x3F800000, v0;
	v2 =	vsel vm1, $0x3F800000, v0;
	v3 =	vsel vm2, $0x3F800000, v0  }
0xa1: {  	[tilespmem:s28+$0x4000] =	vst v1;
	v1 =	vsub.f32 v2, v1;
	v4 =	vsub.f32 $1.000000000e+00, v3  }
0xa2: {  	v2 =	vsub.f32 v3, v2;
	v3 =	vld [tilespmem:s23+$0x1100]  }
0xa3: {  	[tilespmem:s23+$0xA380] =	vst v4;
	v4 =	vld [tilespmem:s23+$0x1080]  }
0xa4: {  	[tilespmem:s23+$0x6380] =	vst v1;
	v6 =	vld [tilespmem:s23+$0x1000]  }
0xa5: {  	[tilespmem:s23+$0x8380] =	vst v2;
	_ =	sdelay $0x1  }
.Ltmp2:
0xa6: {  	vm0 =	vlt.f32 v3, $1.000000010e-01;
	vm1 =	vlt.f32 v3, $1.000000000e+00;
	vm2 =	vlt.f32 v3, $2.500000000e+00;
	(pc) =	sbr.rel @p1 .LBB2_3-.Ltmp2, $4  }
0xa7: {  	vm3 =	vlt.f32 v4, $1.000000010e-01;
	vm4 =	vlt.f32 v4, $1.000000000e+00;
	v1 =	vsel vm1, $0x3F800000, v0  }
0xa8: {  	v3 =	vsel vm2, $0x3F800000, v0;
	v5 =	vsel vm3, $0x3F800000, v0;
	v2 =	vsel vm4, $0x3F800000, v0  }
0xa9: {  	vm3 =	vlt.f32 v6, $1.000000000e+00;
	vm2 =	vlt.f32 v6, $2.500000000e+00;
	[tilespmem:s23+$0x5080] =	vst v5;
	v5 =	vsub.f32 v2, v5  }
0xaa: {  	vm1 =	vlt.f32 v4, $2.500000000e+00;
	vm4 =	vlt.f32 v6, $1.000000010e-01;
	v4 =	vsub.f32 $1.000000000e+00, v3  }
0xab: {  	v6 =	vsel vm4, $0x3F800000, v0;
	[tilespmem:s23+$0x7080] =	vst v5  }
0xac: {  	[tilespmem:s23+$0x5000] =	vst v6  }
0xad: {  	v7 =	vsel vm3, $0x3F800000, v0;
	v51 =	vsel vm0, $0x3F800000, v0;
	v3 =	vsub.f32 v3, v1;
	[tilespmem:s23+$0xB100] =	vst v4  }
0xae: {  	v50 =	vsel vm2, $0x3F800000, v0;
	v49 =	vsub.f32 v7, v6;
	[tilespmem:s23+$0x5100] =	vst v51  }
0xaf: {  	v52 =	vsub.f32 $1.000000000e+00, v50;
	[tilespmem:s23+$0x9100] =	vst v3  }
0xb0: {  	v4 =	vsub.f32 v50, v7;
	[tilespmem:s23+$0x7000] =	vst v49  }
0xb1: {  	v1 =	vsub.f32 v1, v51;
	v3 =	vsel vm1, $0x3F800000, v0;
	[tilespmem:s23+$0xB000] =	vst v52  }
0xb2: {  	v53 =	vsub.f32 $1.000000000e+00, v3;
	[tilespmem:s23+$0x9000] =	vst v4  }
0xb3: {  	v2 =	vsub.f32 v3, v2;
	[tilespmem:s23+$0x7100] =	vst v1  }
0xb4: {  	[tilespmem:s23+$0xB080] =	vst v53  }
0xb5: {  	s22 =	sor.u32 $0x1180, s26;
	[tilespmem:s23+$0x9080] =	vst v2  }
0xb6: {  	v1 =	vld [tilespmem:s22+$0x0];
	_ =	sdelay $0x4  }
0xb7: {  	vm13 =	vlt.f32 v1, $1.000000010e-01  }
0xb8: {  	vm14 =	vlt.f32 v1, $1.000000000e+00;
	v2 =	vsel vm13, $0x3F800000, v0  }
0xb9: {  	v3 =	vsel vm14, $0x3F800000, v0;
	[tilespmem:s22+$0x4000] =	vst v2  }
0xba: {  	vm15 =	vlt.f32 v1, $2.500000000e+00;
	v1 =	vsub.f32 v3, v2;
	v54 =	vld [tilespmem:s23+$0x1200];
	_ =	sdelay $0x1  }
0xbb: {  	v2 =	vsel vm15, $0x3F800000, v0;
	[tilespmem:s23+$0x7180] =	vst v1;
	v1 =	vld [tilespmem:s23+$0x1280]  }
0xbc: {  	v3 =	vsub.f32 v2, v3;
	_ =	sdelay $0x1  }
0xbd: {  	v2 =	vsub.f32 $1.000000000e+00, v2;
	[tilespmem:s23+$0x9180] =	vst v3;
	v3 =	vld [tilespmem:s23+$0x1300];
	vm4 =	vlt.f32 v54, $2.500000000e+00  }
0xbe: {  	vm9 =	vlt.f32 v54, $1.000000010e-01;
	vm10 =	vlt.f32 v54, $1.000000000e+00;
	v55 =	vsel vm4, $0x3F800000, v0  }
0xbf: {  	[tilespmem:s23+$0xB180] =	vst v2;
	vm5 =	vlt.f32 v1, $1.000000010e-01;
	vm6 =	vlt.f32 v1, $1.000000000e+00;
	v59 =	vsel vm9, $0x3F800000, v0  }
0xc0: {  	v9 =	vsel vm10, $0x3F800000, v0;
	v2 =	vsub.f32 $1.000000000e+00, v55;
	v56 =	vsel vm5, $0x3F800000, v0;
	[tilespmem:s23+$0x5200] =	vst v59  }
0xc1: {  	vm12 =	vlt.f32 v1, $2.500000000e+00;
	v57 =	vsel vm6, $0x3F800000, v0;
	v60 =	vsub.f32 v55, v9;
	[tilespmem:s23+$0x5280] =	vst v56  }
0xc2: {  	vm7 =	vlt.f32 v3, $1.000000010e-01;
	vm8 =	vlt.f32 v3, $1.000000000e+00;
	v6 =	vsub.f32 v57, v56;
	[tilespmem:s23+$0xB200] =	vst v2  }
0xc3: {  	vm11 =	vlt.f32 v3, $2.500000000e+00;
	v61 =	vsel vm12, $0x3F800000, v0;
	v8 =	vsel vm8, $0x3F800000, v0;
	[tilespmem:s23+$0x9200] =	vst v60  }
0xc4: {  	v3 =	vsel vm11, $0x3F800000, v0;
	v62 =	vsub.f32 $1.000000000e+00, v61;
	v2 =	vsel vm7, $0x3F800000, v0;
	[tilespmem:s23+$0x7280] =	vst v6  }
0xc5: {  	v1 =	vsub.f32 v3, v8;
	[tilespmem:s23+$0x5300] =	vst v2  }
0xc6: {  	v58 =	vsub.f32 v8, v2;
	[tilespmem:s23+$0xB280] =	vst v62  }
0xc7: {  	v2 =	vsub.f32 v9, v59;
	[tilespmem:s23+$0x9300] =	vst v1  }
0xc8: {  	v1 =	vsub.f32 $1.000000000e+00, v3;
	[tilespmem:s23+$0x7300] =	vst v58  }
0xc9: {  	[tilespmem:s23+$0x7200] =	vst v2;
	v2 =	vsub.f32 v61, v57  }
0xca: {  	[tilespmem:s23+$0xB300] =	vst v1  }
0xcb: {  	s29 =	sor.u32 $0x1380, s24;
	[tilespmem:s23+$0x9280] =	vst v2  }
0xcc: {  	v1 =	vld [tilespmem:s29+$0x0];
	_ =	sdelay $0x4  }
0xcd: {  	vm13 =	vlt.f32 v1, $1.000000010e-01;
	vm14 =	vlt.f32 v1, $1.000000000e+00  }
0xce: {  	vm15 =	vlt.f32 v1, $2.500000000e+00;
	v1 =	vsel vm13, $0x3F800000, v0;
	v2 =	vsel vm14, $0x3F800000, v0  }
0xcf: {  	p1 =	sne.s32 s20, $0xF;
	v3 =	vsel vm15, $0x3F800000, v0;
	v63 =	vsub.f32 v2, v1  }
.Ltmp3:
0xd0: {  	[tilespmem:s29+$0x4000] =	vst v1;
	v1 =	vsub.f32 $1.000000000e+00, v3;
	(pc) =	sbr.rel @p1 .LBB2_6-.Ltmp3, $4  }
0xd1: {  	s30 =	sor.u32 s7, s21;
	v2 =	vsub.f32 v3, v2;
	[tilespmem:s23+$0x7380] =	vst v63  }
0xd2: {  	s22 =	sshrl.u32 s30, $0x3;
	[tilespmem:s23+$0xB380] =	vst v1  }
0xd3: {  	s31 =	sadd.s32 s3, s22;
	[tilespmem:s23+$0x9380] =	vst v2  }
0xd4: {  	[hbm4b:s31+s11] =	stream.strided.scatter [tilespmem:s14], [sflag:$0x3], $0x8000, s13, s11, $0x38;
	[tilespmem:$0x14000] =	vst v63  }
.Ltmp4:
0xd5: {  	(pc) =	sbr.rel .LBB2_7-.Ltmp4, $4  }
0xd6: {  	_ = 	snop  }
0xd7: {  	_ =	swait.ge [sflag:s15], $0x2000  }
0xd8: {  	[sflag:s15] =	ssyncset.done $0x0  }
0xd9: {  	[sflag:s15] =	ssyncadd.s32 $0xFFFFE000  }
.LBB2_6:
0xda: {  	s23 =	sadd.s32 s21, s8  }
0xdb: {  	s23 =	sshrl.u32 s23, $0x3  }
.Ltmp5:
0xdc: {  	s23 =	sadd.s32 s2, s23;
	(pc) =	sbr.rel @p0 .LBB2_8-.Ltmp5, $4  }
0xdd: {  	[tilespmem:s4], [sflag:$0x1] =	stream.linear.gather [hbm4b:s23+s4], $0x2000, $0x38;
	[tilespmem:$0x14000] =	vst v63  }
0xde: {  	_ =	swait.ge [sflag:s15], $0x2000  }
0xdf: {  	[sflag:s15] =	ssyncset.done $0x0  }
0xe0: {  	[sflag:s15] =	ssyncadd.s32 $0xFFFFE000  }
.LBB2_7:
0xe1: {  	_ =	swait.ge [sflag:s16], $0x8000  }
0xe2: {  	[sflag:s16] =	ssyncset.done $0x0  }
0xe3: {  	[sflag:s16] =	ssyncadd.s32 $0xFFFF8000  }
.LBB2_8:
0xe4: {  	s24 =	simm.s32 $0x0  }
0xe5: {  	s23 =	sand.u32 $0x70, s24;
	s25 =	sand.u32 $0xC00, s24  }
0xe6: {  	s23 =	sor.u32 s23, s25  }
0xe7: {  	v1 =	vld [tilespmem:s23+$0x2000]  }
0xe8: {  	v2 =	vld [tilespmem:s23+$0x2100]  }
0xe9: {  	v3 =	vld [tilespmem:s23+$0x2080];
	_ =	sdelay $0x3  }
0xea: {  	vm0 =	vlt.f32 v1, $1.000000010e-01;
	vm1 =	vlt.f32 v1, $2.500000000e+00  }
0xeb: {  	vm2 =	vlt.f32 v2, $1.000000000e+00;
	vm3 =	vlt.f32 v3, $2.500000000e+00;
	v4 =	vsel vm0, $0x3F800000, v0  }
0xec: {  	v5 =	vsel vm1, $0x3F800000, v0;
	vm0 =	vlt.f32 v2, $1.000000010e-01;
	vm1 =	vlt.f32 v3, $1.000000000e+00  }
0xed: {  	v10 =	vsel vm3, $0x3F800000, v0;
	v6 =	vsub.f32 $1.000000000e+00, v5;
	[tilespmem:s23+$0xC000] =	vst v4;
	v7 =	vsel vm0, $0x3F800000, v0  }
0xee: {  	v9 =	vsel vm1, $0x3F800000, v0;
	vm0 =	vlt.f32 v2, $2.500000000e+00;
	v2 =	vsub.f32 $1.000000000e+00, v10;
	[tilespmem:s23+$0xC100] =	vst v7  }
0xef: {  	v8 =	vsel vm2, $0x3F800000, v0;
	v11 =	vsub.f32 v10, v9;
	[tilespmem:s23+$0x12000] =	vst v6  }
0xf0: {  	v6 =	vsub.f32 v8, v7;
	v7 =	vsel vm0, $0x3F800000, v0;
	[tilespmem:s23+$0x12080] =	vst v2  }
0xf1: {  	vm0 =	vlt.f32 v1, $1.000000000e+00;
	[tilespmem:s23+$0x10080] =	vst v11;
	v1 =	vsub.f32 v7, v8  }
0xf2: {  	[tilespmem:s23+$0xE100] =	vst v6;
	v6 =	vsel vm0, $0x3F800000, v0;
	vm0 =	vlt.f32 v3, $1.000000010e-01  }
0xf3: {  	v3 =	vsub.f32 $1.000000000e+00, v7;
	[tilespmem:s23+$0x10100] =	vst v1;
	v1 =	vsel vm0, $0x3F800000, v0  }
0xf4: {  	v2 =	vsub.f32 v6, v4;
	[tilespmem:s23+$0xC080] =	vst v1  }
0xf5: {  	v1 =	vsub.f32 v9, v1;
	[tilespmem:s23+$0x12100] =	vst v3  }
0xf6: {  	s31 =	sand.u32 $0xFFFFFC00, s24;
	[tilespmem:s23+$0xE000] =	vst v2;
	v2 =	vsub.f32 v5, v6  }
0xf7: {  	s28 =	sadd.s32 $0x0, s31;
	[tilespmem:s23+$0xE080] =	vst v1  }
0xf8: {  	s25 =	sor.u32 $0x180, s28;
	[tilespmem:s23+$0x10000] =	vst v2  }
0xf9: {  	v1 =	vld [tilespmem:s25+$0x2000];
	_ =	sdelay $0x4  }
0xfa: {  	vm0 =	vlt.f32 v1, $1.000000010e-01  }
0xfb: {  	vm1 =	vlt.f32 v1, $1.000000000e+00;
	vm2 =	vlt.f32 v1, $2.500000000e+00;
	v1 =	vsel vm0, $0x3F800000, v0  }
0xfc: {  	v2 =	vsel vm1, $0x3F800000, v0;
	v3 =	vsel vm2, $0x3F800000, v0;
	[tilespmem:s25+$0xC000] =	vst v1  }
0xfd: {  	v4 =	vsub.f32 v3, v2;
	v5 =	vld [tilespmem:s23+$0x2200]  }
0xfe: {  	v6 =	vld [tilespmem:s23+$0x2280]  }
0xff: {  	[tilespmem:s23+$0x10180] =	vst v4;
	v4 =	vld [tilespmem:s23+$0x2300];
	_ =	sdelay $0x1  }
0x100: {  	v3 =	vsub.f32 $1.000000000e+00, v3  }
0x101: {  	v1 =	vsub.f32 v2, v1;
	vm0 =	vlt.f32 v5, $1.000000010e-01;
	vm1 =	vlt.f32 v5, $1.000000000e+00  }
0x102: {  	[tilespmem:s23+$0x12180] =	vst v3;
	vm2 =	vlt.f32 v5, $2.500000000e+00;
	vm4 =	vlt.f32 v6, $1.000000010e-01;
	v3 =	vsel vm0, $0x3F800000, v0  }
0x103: {  	[tilespmem:s23+$0xE180] =	vst v1;
	vm0 =	vlt.f32 v4, $1.000000000e+00;
	vm3 =	vlt.f32 v4, $1.000000010e-01;
	v59 =	vsel vm2, $0x3F800000, v0  }
0x104: {  	v60 =	vsel vm4, $0x3F800000, v0;
	v61 =	vsel vm1, $0x3F800000, v0;
	[tilespmem:s23+$0xC200] =	vst v3;
	v5 =	vsel vm3, $0x3F800000, v0  }
0x105: {  	v7 =	vsel vm0, $0x3F800000, v0;
	vm0 =	vlt.f32 v4, $2.500000000e+00;
	v4 =	vsub.f32 $1.000000000e+00, v59;
	[tilespmem:s23+$0xC280] =	vst v60  }
0x106: {  	v3 =	vsub.f32 v61, v3;
	[tilespmem:s23+$0xC300] =	vst v5  }
0x107: {  	v2 =	vsub.f32 v59, v61;
	[tilespmem:s23+$0x12200] =	vst v4  }
0x108: {  	v5 =	vsub.f32 v7, v5;
	v62 =	vsel vm0, $0x3F800000, v0;
	vm0 =	vlt.f32 v6, $2.500000000e+00;
	[tilespmem:s23+$0xE200] =	vst v3  }
0x109: {  	vm1 =	vlt.f32 v6, $1.000000000e+00;
	v4 =	vsub.f32 v62, v7;
	v6 =	vsel vm0, $0x3F800000, v0;
	[tilespmem:s23+$0x10200] =	vst v2  }
0x10a: {  	[tilespmem:s23+$0xE300] =	vst v5;
	v5 =	vsel vm1, $0x3F800000, v0;
	v7 =	vsub.f32 $1.000000000e+00, v6  }
0x10b: {  	v3 =	vsub.f32 v5, v60;
	[tilespmem:s23+$0x10300] =	vst v4  }
0x10c: {  	v4 =	vsub.f32 v6, v5;
	[tilespmem:s23+$0x12280] =	vst v7  }
0x10d: {  	[tilespmem:s23+$0xE280] =	vst v3;
	v3 =	vsub.f32 $1.000000000e+00, v62  }
0x10e: {  	s25 =	sor.u32 s24, s24;
	[tilespmem:s23+$0x10280] =	vst v4  }
0x10f: {  	s26 =	sor.u32 $0x380, s25;
	[tilespmem:s23+$0x12300] =	vst v3  }
0x110: {  	v1 =	vld [tilespmem:s26+$0x2000];
	_ =	sdelay $0x4  }
0x111: {  	vm0 =	vlt.f32 v1, $1.000000010e-01  }
0x112: {  	v2 =	vsel vm0, $0x3F800000, v0  }
0x113: {  	[tilespmem:s26+$0xC000] =	vst v2  }
0x114: {  	v5 =	vld [tilespmem:s23+$0x3100]  }
0x115: {  	vm1 =	vlt.f32 v1, $2.500000000e+00;
	v6 =	vld [tilespmem:s23+$0x3080]  }
0x116: {  	v3 =	vsel vm1, $0x3F800000, v0;
	vm0 =	vlt.f32 v1, $1.000000000e+00  }
0x117: {  	v1 =	vsub.f32 $1.000000000e+00, v3;
	v4 =	vsel vm0, $0x3F800000, v0;
	v7 =	vld [tilespmem:s23+$0x3000]  }
0x118: {  	v2 =	vsub.f32 v4, v2;
	v4 =	vsub.f32 v3, v4  }
0x119: {  	vm0 =	vlt.f32 v5, $1.000000010e-01;
	vm1 =	vlt.f32 v5, $1.000000000e+00;
	vm2 =	vlt.f32 v5, $2.500000000e+00  }
0x11a: {  	[tilespmem:s23+$0x12380] =	vst v1;
	vm3 =	vlt.f32 v6, $1.000000010e-01;
	vm4 =	vlt.f32 v6, $1.000000000e+00;
	v1 =	vsel vm1, $0x3F800000, v0  }
0x11b: {  	[tilespmem:s23+$0xE380] =	vst v2;
	v63 =	vsel vm3, $0x3F800000, v0;
	v2 =	vsel vm4, $0x3F800000, v0;
	v3 =	vsel vm2, $0x3F800000, v0  }
0x11c: {  	[tilespmem:s23+$0x10380] =	vst v4;
	vm3 =	vlt.f32 v7, $1.000000000e+00;
	vm2 =	vlt.f32 v7, $2.500000000e+00;
	vm4 =	vlt.f32 v7, $1.000000010e-01  }
0x11d: {  	s26 =	simm.s32 $0x10;
	vm1 =	vlt.f32 v6, $2.500000000e+00;
	v5 =	vsub.f32 v2, v63;
	[tilespmem:s23+$0xD080] =	vst v63;
	v4 =	vsub.f32 $1.000000000e+00, v3  }
.LBB2_9:
0x11e: {  	p0 =	slt.u32 s26, $0x1F0  }
0x11f: {  	v6 =	vsel vm4, $0x3F800000, v0;
	v7 =	vsel vm3, $0x3F800000, v0;
	v8 =	vsel vm2, $0x3F800000, v0;
	[tilespmem:s23+$0xF080] =	vst v5;
	s24 =	sadd.s32 $0x80, s24;
	s29 =	smov.u32 s26;
	s26 =	sadd.s32 $0x10, s26  }
0x120: {  	v9 =	vsel vm1, $0x3F800000, v0;
	[tilespmem:s23+$0xD000] =	vst v6;
	v5 =	vsub.f32 v7, v6;
	v6 =	vsub.f32 $1.000000000e+00, v8  }
0x121: {  	v10 =	vsel vm0, $0x3F800000, v0;
	v2 =	vsub.f32 v9, v2;
	v9 =	vsub.f32 $1.000000000e+00, v9;
	[tilespmem:s23+$0x13100] =	vst v4  }
0x122: {  	v3 =	vsub.f32 v3, v1;
	v4 =	vsub.f32 v8, v7;
	[tilespmem:s23+$0xF000] =	vst v5  }
0x123: {  	v1 =	vsub.f32 v1, v10;
	[tilespmem:s23+$0xD100] =	vst v10  }
0x124: {  	[tilespmem:s23+$0x11100] =	vst v3  }
0x125: {  	[tilespmem:s23+$0x13000] =	vst v6  }
0x126: {  	[tilespmem:s23+$0x11000] =	vst v4  }
0x127: {  	[tilespmem:s23+$0xF100] =	vst v1  }
0x128: {  	[tilespmem:s23+$0x13080] =	vst v9  }
0x129: {  	s28 =	sor.u32 $0x1180, s28;
	[tilespmem:s23+$0x11080] =	vst v2  }
0x12a: {  	v1 =	vld [tilespmem:s28+$0x2000];
	_ =	sdelay $0x4  }
0x12b: {  	vm0 =	vlt.f32 v1, $1.000000010e-01;
	vm1 =	vlt.f32 v1, $1.000000000e+00;
	vm2 =	vlt.f32 v1, $2.500000000e+00  }
0x12c: {  	v1 =	vsel vm0, $0x3F800000, v0;
	v2 =	vsel vm1, $0x3F800000, v0;
	v3 =	vsel vm2, $0x3F800000, v0  }
0x12d: {  	[tilespmem:s28+$0xC000] =	vst v1;
	v1 =	vsub.f32 v2, v1;
	v2 =	vsub.f32 v3, v2  }
0x12e: {  	v3 =	vsub.f32 $1.000000000e+00, v3;
	v4 =	vld [tilespmem:s23+$0x3200]  }
0x12f: {  	[tilespmem:s23+$0xF180] =	vst v1;
	v1 =	vld [tilespmem:s23+$0x3280]  }
0x130: {  	[tilespmem:s23+$0x11180] =	vst v2;
	v2 =	vld [tilespmem:s23+$0x3300]  }
0x131: {  	[tilespmem:s23+$0x13180] =	vst v3;
	_ =	sdelay $0x1  }
0x132: {  	vm0 =	vlt.f32 v4, $1.000000010e-01;
	vm1 =	vlt.f32 v4, $1.000000000e+00;
	vm2 =	vlt.f32 v4, $2.500000000e+00  }
0x133: {  	s30 =	sand.u32 $0xC00, s24;
	s28 =	sand.u32 $0x70, s29;
	v3 =	vsel vm2, $0x3F800000, v0;
	vm2 =	vlt.f32 v1, $1.000000010e-01;
	vm3 =	vlt.f32 v1, $1.000000000e+00  }
0x134: {  	s30 =	sor.u32 s28, s30;
	v4 =	vsub.f32 $1.000000000e+00, v3;
	v5 =	vsel vm2, $0x3F800000, v0;
	v6 =	vsel vm3, $0x3F800000, v0  }
0x135: {  	vm2 =	vlt.f32 v2, $1.000000010e-01;
	v7 =	vld [tilespmem:s30+$0x2000];
	[tilespmem:s23+$0xD280] =	vst v5;
	v5 =	vsub.f32 v6, v5  }
0x136: {  	v8 =	vld [tilespmem:s30+$0x2100];
	[tilespmem:s23+$0x13200] =	vst v4;
	v4 =	vsel vm2, $0x3F800000, v0;
	vm2 =	vlt.f32 v2, $1.000000000e+00  }
0x137: {  	v10 =	vsel vm0, $0x3F800000, v0;
	vm0 =	vlt.f32 v2, $2.500000000e+00;
	v9 =	vld [tilespmem:s30+$0x2080];
	[tilespmem:s23+$0xF280] =	vst v5;
	v5 =	vsel vm2, $0x3F800000, v0  }
0x138: {  	v11 =	vsel vm0, $0x3F800000, v0;
	v2 =	vsel vm1, $0x3F800000, v0;
	v12 =	vsub.f32 v5, v4  }
0x139: {  	vm0 =	vlt.f32 v1, $2.500000000e+00;
	v3 =	vsub.f32 v3, v2;
	v1 =	vsub.f32 v11, v5;
	[tilespmem:s23+$0xD300] =	vst v4  }
0x13a: {  	v2 =	vsub.f32 v2, v10;
	v5 =	vsub.f32 $1.000000000e+00, v11;
	v4 =	vsel vm0, $0x3F800000, v0;
	[tilespmem:s23+$0xF300] =	vst v12  }
0x13b: {  	vm0 =	vlt.f32 v7, $1.000000010e-01;
	vm1 =	vlt.f32 v7, $1.000000000e+00;
	vm2 =	vlt.f32 v8, $1.000000000e+00;
	[tilespmem:s23+$0xD200] =	vst v10  }
0x13c: {  	v10 =	vsel vm0, $0x3F800000, v0;
	vm0 =	vlt.f32 v7, $2.500000000e+00;
	vm3 =	vlt.f32 v8, $1.000000010e-01;
	[tilespmem:s23+$0xF200] =	vst v2  }
0x13d: {  	v2 =	vsel vm1, $0x3F800000, v0;
	v7 =	vsel vm0, $0x3F800000, v0;
	[tilespmem:s23+$0x11200] =	vst v3;
	v3 =	vsub.f32 v4, v6  }
0x13e: {  	vm0 =	vlt.f32 v9, $1.000000000e+00;
	v6 =	vsub.f32 $1.000000000e+00, v7;
	v4 =	vsub.f32 $1.000000000e+00, v4;
	[tilespmem:s23+$0x11300] =	vst v1  }
0x13f: {  	v1 =	vsel vm0, $0x3F800000, v0;
	vm0 =	vlt.f32 v9, $2.500000000e+00;
	[tilespmem:s23+$0x11280] =	vst v3  }
0x140: {  	v11 =	vsel vm3, $0x3F800000, v0;
	v12 =	vsel vm2, $0x3F800000, v0;
	v3 =	vsel vm0, $0x3F800000, v0;
	[tilespmem:s30+$0xC000] =	vst v10  }
0x141: {  	vm0 =	vlt.f32 v8, $2.500000000e+00;
	v8 =	vsub.f32 v12, v11;
	[tilespmem:s30+$0x12000] =	vst v6;
	v6 =	vsub.f32 v3, v1  }
0x142: {  	v7 =	vsub.f32 v7, v2;
	v13 =	vsel vm0, $0x3F800000, v0;
	v3 =	vsub.f32 $1.000000000e+00, v3;
	[tilespmem:s30+$0xC100] =	vst v11  }
0x143: {  	v2 =	vsub.f32 v2, v10;
	[tilespmem:s30+$0xE100] =	vst v8;
	v8 =	vsub.f32 $1.000000000e+00, v13  }
0x144: {  	[tilespmem:s30+$0x10080] =	vst v6;
	v6 =	vsub.f32 v13, v12  }
0x145: {  	[tilespmem:s30+$0x12080] =	vst v3  }
0x146: {  	vm0 =	vlt.f32 v9, $1.000000010e-01;
	[tilespmem:s30+$0x10100] =	vst v6  }
0x147: {  	v3 =	vsel vm0, $0x3F800000, v0;
	[tilespmem:s23+$0x13280] =	vst v4  }
0x148: {  	v1 =	vsub.f32 v1, v3;
	[tilespmem:s30+$0xC080] =	vst v3  }
0x149: {  	[tilespmem:s30+$0xE000] =	vst v2  }
0x14a: {  	s28 =	sand.u32 $0xFFFFFC00, s24;
	[tilespmem:s30+$0xE080] =	vst v1  }
0x14b: {  	s28 =	sadd.s32 s28, s29;
	[tilespmem:s30+$0x12100] =	vst v8  }
0x14c: {  	s31 =	sor.u32 $0x180, s28;
	[tilespmem:s30+$0x10000] =	vst v7  }
0x14d: {  	s25 =	sor.u32 $0x1380, s25;
	v1 =	vld [tilespmem:s31+$0x2000];
	[tilespmem:s23+$0x13300] =	vst v5  }
0x14e: {  	v2 =	vld [tilespmem:s25+$0x2000];
	_ =	sdelay $0x3  }
0x14f: {  	vm0 =	vlt.f32 v1, $1.000000010e-01;
	vm1 =	vlt.f32 v1, $1.000000000e+00;
	vm2 =	vlt.f32 v1, $2.500000000e+00  }
0x150: {  	v1 =	vsel vm0, $0x3F800000, v0;
	v3 =	vsel vm1, $0x3F800000, v0;
	v4 =	vsel vm2, $0x3F800000, v0  }
0x151: {  	vm0 =	vlt.f32 v2, $1.000000010e-01;
	[tilespmem:s31+$0xC000] =	vst v1;
	v5 =	vsub.f32 v4, v3;
	v4 =	vsub.f32 $1.000000000e+00, v4  }
0x152: {  	vm1 =	vlt.f32 v2, $1.000000000e+00;
	vm2 =	vlt.f32 v2, $2.500000000e+00;
	v1 =	vsub.f32 v3, v1;
	v3 =	vld [tilespmem:s30+$0x2200]  }
0x153: {  	v6 =	vsel vm1, $0x3F800000, v0;
	v7 =	vsel vm2, $0x3F800000, v0;
	[tilespmem:s30+$0x10180] =	vst v5;
	v2 =	vld [tilespmem:s30+$0x2280];
	v5 =	vsel vm0, $0x3F800000, v0  }
0x154: {  	v8 =	vld [tilespmem:s30+$0x2300];
	[tilespmem:s25+$0xC000] =	vst v5;
	v5 =	vsub.f32 v6, v5;
	v6 =	vsub.f32 v7, v6  }
0x155: {  	[tilespmem:s30+$0x12180] =	vst v4;
	v4 =	vsub.f32 $1.000000000e+00, v7  }
0x156: {  	[tilespmem:s23+$0xF380] =	vst v5  }
0x157: {  	vm0 =	vlt.f32 v3, $1.000000010e-01;
	vm1 =	vlt.f32 v3, $1.000000000e+00;
	vm2 =	vlt.f32 v3, $2.500000000e+00;
	[tilespmem:s23+$0x13380] =	vst v4  }
0x158: {  	vm3 =	vlt.f32 v2, $1.000000010e-01;
	vm4 =	vlt.f32 v2, $1.000000000e+00;
	vm5 =	vlt.f32 v2, $2.500000000e+00;
	[tilespmem:s23+$0x11380] =	vst v6;
	s23 =	smov.u32 s30  }
0x159: {  	v2 =	vsel vm0, $0x3F800000, v0;
	vm0 =	vlt.f32 v8, $1.000000000e+00;
	vm6 =	vlt.f32 v8, $2.500000000e+00  }
0x15a: {  	v3 =	vsel vm4, $0x3F800000, v0;
	vm4 =	vlt.f32 v8, $1.000000010e-01;
	[tilespmem:s23+$0xC200] =	vst v2;
	v4 =	vsel vm6, $0x3F800000, v0  }
0x15b: {  	v5 =	vsel vm2, $0x3F800000, v0;
	v6 =	vsel vm4, $0x3F800000, v0;
	v7 =	vsel vm0, $0x3F800000, v0  }
0x15c: {  	v8 =	vsub.f32 $1.000000000e+00, v5;
	v9 =	vsel vm3, $0x3F800000, v0;
	[tilespmem:s23+$0xC300] =	vst v6;
	v6 =	vsub.f32 v7, v6  }
0x15d: {  	v10 =	vsel vm1, $0x3F800000, v0;
	v11 =	vsel vm5, $0x3F800000, v0;
	v12 =	vsub.f32 $1.000000000e+00, v4;
	[tilespmem:s23+$0xC280] =	vst v9  }
0x15e: {  	v2 =	vsub.f32 v10, v2;
	v13 =	vsub.f32 v11, v3;
	[tilespmem:s23+$0xE300] =	vst v6  }
0x15f: {  	v5 =	vsub.f32 v5, v10;
	v4 =	vsub.f32 v4, v7;
	[tilespmem:s23+$0x12200] =	vst v8  }
0x160: {  	[tilespmem:s23+$0xE200] =	vst v2;
	v2 =	vsub.f32 v3, v9  }
0x161: {  	v3 =	vsub.f32 $1.000000000e+00, v11;
	[tilespmem:s23+$0x10300] =	vst v4  }
0x162: {  	[tilespmem:s23+$0xE280] =	vst v2  }
0x163: {  	[tilespmem:s23+$0x12280] =	vst v3  }
0x164: {  	[tilespmem:s23+$0x10280] =	vst v13  }
0x165: {  	[tilespmem:s23+$0x12300] =	vst v12;
	_ =	sdelay $0x1  }
0x166: {  	s25 =	sor.u32 s29, s24;
	[tilespmem:s23+$0xE180] =	vst v1  }
0x167: {  	s29 =	sor.u32 $0x380, s25;
	[tilespmem:s23+$0x10200] =	vst v5  }
0x168: {  	v1 =	vld [tilespmem:s29+$0x2000];
	_ =	sdelay $0x4  }
0x169: {  	vm0 =	vlt.f32 v1, $1.000000010e-01;
	vm1 =	vlt.f32 v1, $1.000000000e+00;
	vm2 =	vlt.f32 v1, $2.500000000e+00  }
0x16a: {  	v1 =	vsel vm0, $0x3F800000, v0;
	v2 =	vsel vm1, $0x3F800000, v0;
	v3 =	vsel vm2, $0x3F800000, v0  }
0x16b: {  	[tilespmem:s29+$0xC000] =	vst v1;
	v1 =	vsub.f32 v2, v1;
	v4 =	vsub.f32 $1.000000000e+00, v3  }
0x16c: {  	v2 =	vsub.f32 v3, v2;
	v3 =	vld [tilespmem:s23+$0x3100]  }
0x16d: {  	[tilespmem:s23+$0x12380] =	vst v4;
	v4 =	vld [tilespmem:s23+$0x3080]  }
0x16e: {  	[tilespmem:s23+$0xE380] =	vst v1;
	v6 =	vld [tilespmem:s23+$0x3000]  }
0x16f: {  	[tilespmem:s23+$0x10380] =	vst v2;
	_ =	sdelay $0x1  }
.Ltmp6:
0x170: {  	vm0 =	vlt.f32 v3, $1.000000010e-01;
	vm1 =	vlt.f32 v3, $1.000000000e+00;
	vm2 =	vlt.f32 v3, $2.500000000e+00;
	(pc) =	sbr.rel @p0 .LBB2_9-.Ltmp6, $4  }
0x171: {  	vm3 =	vlt.f32 v4, $1.000000010e-01;
	vm4 =	vlt.f32 v4, $1.000000000e+00;
	v1 =	vsel vm1, $0x3F800000, v0  }
0x172: {  	v3 =	vsel vm2, $0x3F800000, v0;
	v5 =	vsel vm3, $0x3F800000, v0;
	v2 =	vsel vm4, $0x3F800000, v0  }
0x173: {  	vm3 =	vlt.f32 v6, $1.000000000e+00;
	vm2 =	vlt.f32 v6, $2.500000000e+00;
	[tilespmem:s23+$0xD080] =	vst v5;
	v5 =	vsub.f32 v2, v5  }
0x174: {  	vm1 =	vlt.f32 v4, $2.500000000e+00;
	vm4 =	vlt.f32 v6, $1.000000010e-01;
	v4 =	vsub.f32 $1.000000000e+00, v3  }
0x175: {  	v6 =	vsel vm4, $0x3F800000, v0;
	[tilespmem:s23+$0xF080] =	vst v5  }
0x176: {  	[tilespmem:s23+$0xD000] =	vst v6  }
0x177: {  	v7 =	vsel vm3, $0x3F800000, v0;
	v51 =	vsel vm0, $0x3F800000, v0;
	v3 =	vsub.f32 v3, v1;
	[tilespmem:s23+$0x13100] =	vst v4  }
0x178: {  	v50 =	vsel vm2, $0x3F800000, v0;
	v49 =	vsub.f32 v7, v6;
	[tilespmem:s23+$0xD100] =	vst v51  }
0x179: {  	v52 =	vsub.f32 $1.000000000e+00, v50;
	[tilespmem:s23+$0x11100] =	vst v3  }
0x17a: {  	v4 =	vsub.f32 v50, v7;
	[tilespmem:s23+$0xF000] =	vst v49  }
0x17b: {  	v1 =	vsub.f32 v1, v51;
	v3 =	vsel vm1, $0x3F800000, v0;
	[tilespmem:s23+$0x13000] =	vst v52  }
0x17c: {  	v53 =	vsub.f32 $1.000000000e+00, v3;
	[tilespmem:s23+$0x11000] =	vst v4  }
0x17d: {  	v2 =	vsub.f32 v3, v2;
	[tilespmem:s23+$0xF100] =	vst v1  }
0x17e: {  	[tilespmem:s23+$0x13080] =	vst v53  }
0x17f: {  	s24 =	sor.u32 $0x1180, s28;
	[tilespmem:s23+$0x11080] =	vst v2  }
0x180: {  	v1 =	vld [tilespmem:s24+$0x2000];
	_ =	sdelay $0x4  }
0x181: {  	vm13 =	vlt.f32 v1, $1.000000010e-01  }
0x182: {  	vm14 =	vlt.f32 v1, $1.000000000e+00;
	v2 =	vsel vm13, $0x3F800000, v0  }
0x183: {  	v3 =	vsel vm14, $0x3F800000, v0;
	[tilespmem:s24+$0xC000] =	vst v2  }
0x184: {  	vm15 =	vlt.f32 v1, $2.500000000e+00;
	v1 =	vsub.f32 v3, v2;
	v54 =	vld [tilespmem:s23+$0x3200];
	_ =	sdelay $0x1  }
0x185: {  	v2 =	vsel vm15, $0x3F800000, v0;
	[tilespmem:s23+$0xF180] =	vst v1;
	v1 =	vld [tilespmem:s23+$0x3280]  }
0x186: {  	v3 =	vsub.f32 v2, v3;
	_ =	sdelay $0x1  }
0x187: {  	v2 =	vsub.f32 $1.000000000e+00, v2;
	[tilespmem:s23+$0x11180] =	vst v3;
	v3 =	vld [tilespmem:s23+$0x3300];
	vm4 =	vlt.f32 v54, $2.500000000e+00  }
0x188: {  	vm9 =	vlt.f32 v54, $1.000000010e-01;
	vm10 =	vlt.f32 v54, $1.000000000e+00;
	v55 =	vsel vm4, $0x3F800000, v0  }
0x189: {  	[tilespmem:s23+$0x13180] =	vst v2;
	vm5 =	vlt.f32 v1, $1.000000010e-01;
	vm6 =	vlt.f32 v1, $1.000000000e+00;
	v59 =	vsel vm9, $0x3F800000, v0  }
0x18a: {  	v9 =	vsel vm10, $0x3F800000, v0;
	v2 =	vsub.f32 $1.000000000e+00, v55;
	v56 =	vsel vm5, $0x3F800000, v0;
	[tilespmem:s23+$0xD200] =	vst v59  }
0x18b: {  	vm12 =	vlt.f32 v1, $2.500000000e+00;
	v57 =	vsel vm6, $0x3F800000, v0;
	v60 =	vsub.f32 v55, v9;
	[tilespmem:s23+$0xD280] =	vst v56  }
0x18c: {  	vm7 =	vlt.f32 v3, $1.000000010e-01;
	vm8 =	vlt.f32 v3, $1.000000000e+00;
	v6 =	vsub.f32 v57, v56;
	[tilespmem:s23+$0x13200] =	vst v2  }
0x18d: {  	vm11 =	vlt.f32 v3, $2.500000000e+00;
	v61 =	vsel vm12, $0x3F800000, v0;
	v8 =	vsel vm8, $0x3F800000, v0;
	[tilespmem:s23+$0x11200] =	vst v60  }
0x18e: {  	v3 =	vsel vm11, $0x3F800000, v0;
	v62 =	vsub.f32 $1.000000000e+00, v61;
	v2 =	vsel vm7, $0x3F800000, v0;
	[tilespmem:s23+$0xF280] =	vst v6  }
0x18f: {  	v1 =	vsub.f32 v3, v8;
	[tilespmem:s23+$0xD300] =	vst v2  }
0x190: {  	v58 =	vsub.f32 v8, v2;
	[tilespmem:s23+$0x13280] =	vst v62  }
0x191: {  	v2 =	vsub.f32 v9, v59;
	[tilespmem:s23+$0x11300] =	vst v1  }
0x192: {  	v1 =	vsub.f32 $1.000000000e+00, v3;
	[tilespmem:s23+$0xF300] =	vst v58  }
0x193: {  	[tilespmem:s23+$0xF200] =	vst v2;
	v2 =	vsub.f32 v61, v57  }
0x194: {  	[tilespmem:s23+$0x13300] =	vst v1  }
0x195: {  	s31 =	sor.u32 $0x1380, s25;
	[tilespmem:s23+$0x11280] =	vst v2  }
0x196: {  	v1 =	vld [tilespmem:s31+$0x2000];
	_ =	sdelay $0x4  }
0x197: {  	vm13 =	vlt.f32 v1, $1.000000010e-01;
	vm14 =	vlt.f32 v1, $1.000000000e+00  }
0x198: {  	vm15 =	vlt.f32 v1, $2.500000000e+00;
	v1 =	vsel vm13, $0x3F800000, v0;
	v2 =	vsel vm14, $0x3F800000, v0  }
0x199: {  	p0 =	seq.s32 s20, $0xF;
	v3 =	vsel vm15, $0x3F800000, v0;
	v63 =	vsub.f32 v2, v1  }
.Ltmp7:
0x19a: {  	[tilespmem:s31+$0xC000] =	vst v1;
	v1 =	vsub.f32 $1.000000000e+00, v3;
	(pc) =	sbr.rel @p0 .LBB2_12-.Ltmp7, $4  }
0x19b: {  	v2 =	vsub.f32 v3, v2;
	[tilespmem:s23+$0xF380] =	vst v63  }
0x19c: {  	s22 =	sadd.s32 s22, s3;
	[tilespmem:s23+$0x13380] =	vst v1  }
0x19d: {  	s22 =	sadd.s32 $0x400, s22;
	[tilespmem:s23+$0x11380] =	vst v2  }
0x19e: {  	[hbm4b:s22+s11] =	stream.strided.scatter [tilespmem:s17], [sflag:$0x4], $0x8000, s13, s11, $0x38;
	[tilespmem:$0x14000] =	vst v63  }
.Ltmp8:
0x19f: {  	(pc) =	sbr.rel .LBB2_2-.Ltmp8, $4  }
0x1a0: {  	s21 =	sadd.s32 s21, s9  }
0x1a1: {  	s21 =	sshrl.u32 s21, $0x3  }
0x1a2: {  	s20 =	sadd.s32 $0x1, s20;
	s21 =	sadd.s32 s2, s21  }
0x1a3: {  	[tilespmem:s11], [sflag:$0x2] =	stream.linear.gather [hbm4b:s21+s4], $0x2000, $0x38;
	[tilespmem:$0x14000] =	vst v63  }
.LBB2_13:
0x1a4: {  	_ =	sfence.sel $0x180000  }
0x1a5: {  	[bflag:$0x0] =	sbarrier.arrive $0xFFFF  }
0x1a6: {  	p0 =	sne.s32 s1, $0x0;
	_ =	strace $0x90000047  }
0x1a7: {  	s0 =	sadd.s32 @!p0 $0x100000, s0;
	[bflag:$0x2] =	sbarrier.arrive $0xFFFF  }
0x1a8: {  	[sflag:s0] =	ssyncadd.tile.s32 @!p0 $0x1;
	_ =	shalt  }
.Lfunc_end2:
_tile_overlayer_lowered:
.L_overlay_start_2:
0x1a9: {  	(tag) =	ssettag $0x2  }
0x1aa: {  	s0 =	rddreg [dreg:$0x0];
	s2 =	stileid.u32  }
0x1ab: {  	s1 =	rddreg [dreg:$0x1];
	p0 =	sne.s32 s2, $0x0  }
0x1ac: {  	s3 =	rddreg [dreg:$0x2];
	[bflag:$0x3] =	sbarrier.arrive $0xFFFF;
	s2 =	simm.s32 @!p0 $0x1C05  }
0x1ad: {  	[timem:s3], [sflag:s2] =	dma.local @!p0 [hbm:s0], s1  }
0x1ae: {  	s0 =	simm.s32 @!p0 $0x5  }
0x1af: {  	_ =	swait.ge @!p0 [sflag:s0], s1  }
0x1b0: {  	s1 =	ssub.s32 @!p0 $0x0, s1;
	[sflag:s0] =	ssyncset.done @!p0 $0x0  }
0x1b1: {  	[sflag:s0] =	ssyncadd.s32 @!p0 s1  }
0x1b2: {  	[bflag:$0x3] =	sbarrier.arrive $0xFFFF  }
0x1b3: {  	_ =	shalt  }

</sc_bundles>
